<compile_context>
chip_gen: v7x
topology: tpu7x:2x2x1
jax: 0.10.2.dev20260603
libtpu: 0.0.44.dev20260713+nightly
codegen_flags: <defaults>
</compile_context>

<pallas_src>
import jax
import jax.numpy as jnp
from jax import lax
from jax.experimental import pallas as pl
from jax.experimental.pallas import tpu as pltpu
from jax.experimental.pallas import tpu_sc as plsc

_B = 16384
_C = 1000
_NC = 2
_NS = 16
_NW = _NC * _NS
_COLS_W = _B // _NW
_CCHUNK = 128
_NCC = _COLS_W // _CCHUNK
_RCHUNK = 200
_NRC = _C // _RCHUNK
_LANES = 16
_NBUF = 4
_NSTEP = _NCC * _NRC
_NOUTER = _NSTEP // _NBUF


def _onehot_body(x_hbm, out_hbm, idx_v, b0, b1, b2, b3, s0, s1, s2, s3, isem):
    wid = lax.axis_index("s") * _NC + lax.axis_index("c")
    base_col = wid * _COLS_W

    idx_copy = pltpu.async_copy(x_hbm.at[pl.ds(base_col, _COLS_W)], idx_v, isem)

    zeros16 = jnp.zeros((_LANES,), jnp.float32)
    ones16 = jnp.ones((_LANES,), jnp.float32)
    lane = lax.iota(jnp.int32, _LANES)
    bufs = (b0, b1, b2, b3)
    sems = (s0, s1, s2, s3)

    def _zero_slab(buf):
        def _zero(r, carry):
            for j in range(_CCHUNK // _LANES):
                buf[r, pl.ds(j * _LANES, _LANES)] = zeros16
            return carry

        lax.fori_loop(0, _RCHUNK, _zero, 0)

    def _dst(s):
        cc = s // _NRC
        rc = s % _NRC
        return out_hbm.at[
            pl.ds(rc * _RCHUNK, _RCHUNK),
            pl.ds(base_col + cc * _CCHUNK, _CCHUNK),
        ]

    def _scatter(buf, s, val):
        cc = s // _NRC
        r0 = (s % _NRC) * _RCHUNK
        for j in range(_CCHUNK // _LANES):
            iv = idx_v[pl.ds(cc * _CCHUNK + j * _LANES, _LANES)]
            m = (iv >= r0) & (iv < r0 + _RCHUNK)
            plsc.store_scatter(buf, [iv - r0, j * _LANES + lane], val, mask=m)

    def _outer(g, carry):
        for k in range(_NBUF):
            s = g * _NBUF + k
            buf = bufs[k]
            sem = sems[k]

            @pl.when(g == 0)
            def _():
                _zero_slab(buf)

            if k == 0:

                @pl.when(g == 0)
                def _():
                    idx_copy.wait()

            @pl.when(g > 0)
            def _():
                pltpu.make_async_copy(buf, _dst(s - _NBUF), sem).wait()
                _scatter(buf, s - _NBUF, zeros16)

            _scatter(buf, s, ones16)
            pltpu.async_copy(buf, _dst(s), sem)
        return carry

    lax.fori_loop(0, _NOUTER, _outer, 0)

    for k in range(_NBUF):
        s = (_NOUTER - 1) * _NBUF + k
        pltpu.make_async_copy(bufs[k], _dst(s), sems[k]).wait()


def kernel(x):
    mesh = plsc.VectorSubcoreMesh(core_axis_name="c", subcore_axis_name="s")
    f = pl.kernel(
        _onehot_body,
        out_type=jax.ShapeDtypeStruct((_C, _B), jnp.float32),
        mesh=mesh,
        compiler_params=pltpu.CompilerParams(
            needs_layout_passes=False,
            skip_device_barrier=True,
            disable_semaphore_checks=True,
        ),
        scratch_types=[
            pltpu.VMEM((_COLS_W,), jnp.int32),
            pltpu.VMEM((_RCHUNK, _CCHUNK), jnp.float32),
            pltpu.VMEM((_RCHUNK, _CCHUNK), jnp.float32),
            pltpu.VMEM((_RCHUNK, _CCHUNK), jnp.float32),
            pltpu.VMEM((_RCHUNK, _CCHUNK), jnp.float32),
            pltpu.SemaphoreType.DMA,
            pltpu.SemaphoreType.DMA,
            pltpu.SemaphoreType.DMA,
            pltpu.SemaphoreType.DMA,
            pltpu.SemaphoreType.DMA,
        ],
    )
    out_t = f(x.reshape(_B))
    return jnp.transpose(out_t)

# --- scband reference (transcript-rebuilt; emitter-appended) ---
"""Pipeline reference for scband-one-hot-16647293239857 (READ-ONLY COPY).

The authoritative reference and input builder live on the scoring server;
editing this copy changes nothing except your own understanding.
"""

import jax, jax.numpy as jnp
import numpy as np

NUM_CLASSES = 1000
BATCH = 16384


def setup_inputs(seed: int = 0) -> dict:
    key = jax.random.key(seed)
    x = jax.random.randint(key, (BATCH, 1), 0, NUM_CLASSES, dtype=jnp.int32)
    return {"x": x}


def reference(x):
    # OneHot.forward with space = Discrete(NUM_CLASSES):
    #   F.one_hot(x.squeeze(1).long(), space.n)
    # torch returns int64; we emit float32 so the op is representative of the
    # downstream usage (one-hot feeding dense layers) and differentiable-shaped.
    idx = jnp.squeeze(x, axis=1)
    return jax.nn.one_hot(idx, NUM_CLASSES, dtype=jnp.float32)

if __name__ == "__main__":
    import jax
    _d = setup_inputs()
    print(jax.jit(kernel)(*tuple(_d.values())))

</pallas_src>

<mosaic_0001>
#map = affine_map<(d0, d1) -> (0)>
#map1 = affine_map<(d0, d1) -> (0, 0)>
module attributes {stable_mosaic.version = 14 : i64} {
  func.func @_onehot_body(%arg0: i32, %arg1: i32, %arg2: memref<16384xi32, #tpu.memory_space<hbm>>, %arg3: memref<1000x16384xf32, #tpu.memory_space<hbm>>, %arg4: memref<512xi32, #tpu.memory_space<vmem>>, %arg5: memref<200x128xf32, #tpu.memory_space<vmem>>, %arg6: memref<200x128xf32, #tpu.memory_space<vmem>>, %arg7: memref<200x128xf32, #tpu.memory_space<vmem>>, %arg8: memref<200x128xf32, #tpu.memory_space<vmem>>, %arg9: memref<!tpu.dma_semaphore, #tpu.memory_space<semaphore_mem>>, %arg10: memref<!tpu.dma_semaphore, #tpu.memory_space<semaphore_mem>>, %arg11: memref<!tpu.dma_semaphore, #tpu.memory_space<semaphore_mem>>, %arg12: memref<!tpu.dma_semaphore, #tpu.memory_space<semaphore_mem>>, %arg13: memref<!tpu.dma_semaphore, #tpu.memory_space<semaphore_mem>>) attributes {dimension_semantics = [#tpu.dimension_semantics<core_parallel>, #tpu.dimension_semantics<subcore_parallel>], iteration_bounds = array<i64: 2, 16>, scalar_prefetch = 0 : i64, scratch_operands = 10 : i64, tpu.core_type = #tpu.core_type<sc_vector_subcore>, window_params = [{transform_indices = #map}, {transform_indices = #map1}]} {
    %mul3A = arith.constant 2 : i32
    %mul3A_0 = arith.muli %arg1, %mul3A : i32
    %add3A = arith.addi %mul3A_0, %arg0 : i32
    %mul3A_1 = arith.constant 512 : i32
    %mul3A_2 = arith.muli %add3A, %mul3A_1 : i32
    %dma_start3A = tpu.memref_slice %arg2[%mul3A_2] : memref<16384xi32, #tpu.memory_space<hbm>> -> memref<512xi32, #tpu.memory_space<hbm>>
    %dma_start3A_3 = tpu.memref_slice %arg2[%mul3A_2] : memref<16384xi32, #tpu.memory_space<hbm>> -> memref<512xi32, #tpu.memory_space<hbm>>
    tpu.enqueue_dma source(%dma_start3A_3 : memref<512xi32, #tpu.memory_space<hbm>>) target(%arg4 : memref<512xi32, #tpu.memory_space<vmem>>) target_semaphore(%arg13 : memref<!tpu.dma_semaphore, #tpu.memory_space<semaphore_mem>>)
    %broadcast_in_dim3A = arith.constant 0.000000e+00 : f32
    %broadcast_in_dim3A_4 = vector.broadcast %broadcast_in_dim3A : f32 to vector<16xf32>
    %broadcast_in_dim3A_5 = arith.constant 1.000000e+00 : f32
    %broadcast_in_dim3A_6 = vector.broadcast %broadcast_in_dim3A_5 : f32 to vector<16xf32>
    %iota3A = tpu.iota {dimensions = array<i32: 0>} : vector<16xi32>
    %scan3A = arith.constant 0 : i32
    %scan3A_7 = arith.constant 0 : i32
    %scan3A_8 = arith.constant 5 : i32
    %scan3A_9 = arith.addi %scan3A_7, %scan3A_8 : i32
    %scan3A_10 = arith.constant 1 : i32
    scf.for %scan3A_35 = %scan3A_7 to %scan3A_9 step %scan3A_10  : i32 {
      %mul3A_36 = arith.constant 4 : i32
      %mul3A_37 = arith.muli %scan3A_35, %mul3A_36 : i32
      %add3A_38 = arith.constant 0 : i32
      %add3A_39 = arith.addi %mul3A_37, %add3A_38 : i32
      %eq3A = arith.constant 0 : i32
      %eq3A_40 = arith.cmpi eq, %scan3A_35, %eq3A : i32
      %convert_element_type3A = arith.extui %eq3A_40 : i1 to i32
      %cond3A = arith.constant 0 : i32
      %cond3A_41 = arith.cmpi ne, %convert_element_type3A, %cond3A : i32
      scf.if %cond3A_41 {
        %scan3A_1014 = arith.constant 0 : i32
        %scan3A_1015 = arith.constant 0 : i32
        %scan3A_1016 = arith.constant 200 : i32
        %scan3A_1017 = arith.addi %scan3A_1015, %scan3A_1016 : i32
        %scan3A_1018 = arith.constant 1 : i32
        scf.for %scan3A_1020 = %scan3A_1015 to %scan3A_1017 step %scan3A_1018  : i32 {
          %swap3A = arith.index_cast %scan3A_1020 : i32 to index
          %swap3A_1021 = arith.constant 0 : index
          %swap3A_1022 = tpu.vector_load %arg5[%swap3A, %swap3A_1021] {strides = array<i32>} : memref<200x128xf32, #tpu.memory_space<vmem>>, vector<16xf32>,
          tpu.vector_store %arg5[%swap3A, %swap3A_1021], %broadcast_in_dim3A_4 {strides = array<i32>} : memref<200x128xf32, #tpu.memory_space<vmem>>, vector<16xf32>,
          %swap3A_1023 = arith.index_cast %scan3A_1020 : i32 to index
          %swap3A_1024 = arith.constant 16 : index
          %swap3A_1025 = tpu.vector_load %arg5[%swap3A_1023, %swap3A_1024] {strides = array<i32>} : memref<200x128xf32, #tpu.memory_space<vmem>>, vector<16xf32>,
          tpu.vector_store %arg5[%swap3A_1023, %swap3A_1024], %broadcast_in_dim3A_4 {strides = array<i32>} : memref<200x128xf32, #tpu.memory_space<vmem>>, vector<16xf32>,
          %swap3A_1026 = arith.index_cast %scan3A_1020 : i32 to index
          %swap3A_1027 = arith.constant 32 : index
          %swap3A_1028 = tpu.vector_load %arg5[%swap3A_1026, %swap3A_1027] {strides = array<i32>} : memref<200x128xf32, #tpu.memory_space<vmem>>, vector<16xf32>,
          tpu.vector_store %arg5[%swap3A_1026, %swap3A_1027], %broadcast_in_dim3A_4 {strides = array<i32>} : memref<200x128xf32, #tpu.memory_space<vmem>>, vector<16xf32>,
          %swap3A_1029 = arith.index_cast %scan3A_1020 : i32 to index
          %swap3A_1030 = arith.constant 48 : index
          %swap3A_1031 = tpu.vector_load %arg5[%swap3A_1029, %swap3A_1030] {strides = array<i32>} : memref<200x128xf32, #tpu.memory_space<vmem>>, vector<16xf32>,
          tpu.vector_store %arg5[%swap3A_1029, %swap3A_1030], %broadcast_in_dim3A_4 {strides = array<i32>} : memref<200x128xf32, #tpu.memory_space<vmem>>, vector<16xf32>,
          %swap3A_1032 = arith.index_cast %scan3A_1020 : i32 to index
          %swap3A_1033 = arith.constant 64 : index
          %swap3A_1034 = tpu.vector_load %arg5[%swap3A_1032, %swap3A_1033] {strides = array<i32>} : memref<200x128xf32, #tpu.memory_space<vmem>>, vector<16xf32>,
          tpu.vector_store %arg5[%swap3A_1032, %swap3A_1033], %broadcast_in_dim3A_4 {strides = array<i32>} : memref<200x128xf32, #tpu.memory_space<vmem>>, vector<16xf32>,
          %swap3A_1035 = arith.index_cast %scan3A_1020 : i32 to index
          %swap3A_1036 = arith.constant 80 : index
          %swap3A_1037 = tpu.vector_load %arg5[%swap3A_1035, %swap3A_1036] {strides = array<i32>} : memref<200x128xf32, #tpu.memory_space<vmem>>, vector<16xf32>,
          tpu.vector_store %arg5[%swap3A_1035, %swap3A_1036], %broadcast_in_dim3A_4 {strides = array<i32>} : memref<200x128xf32, #tpu.memory_space<vmem>>, vector<16xf32>,
          %swap3A_1038 = arith.index_cast %scan3A_1020 : i32 to index
          %swap3A_1039 = arith.constant 96 : index
          %swap3A_1040 = tpu.vector_load %arg5[%swap3A_1038, %swap3A_1039] {strides = array<i32>} : memref<200x128xf32, #tpu.memory_space<vmem>>, vector<16xf32>,
          tpu.vector_store %arg5[%swap3A_1038, %swap3A_1039], %broadcast_in_dim3A_4 {strides = array<i32>} : memref<200x128xf32, #tpu.memory_space<vmem>>, vector<16xf32>,
          %swap3A_1041 = arith.index_cast %scan3A_1020 : i32 to index
          %swap3A_1042 = arith.constant 112 : index
          %swap3A_1043 = tpu.vector_load %arg5[%swap3A_1041, %swap3A_1042] {strides = array<i32>} : memref<200x128xf32, #tpu.memory_space<vmem>>, vector<16xf32>,
          tpu.vector_store %arg5[%swap3A_1041, %swap3A_1042], %broadcast_in_dim3A_4 {strides = array<i32>} : memref<200x128xf32, #tpu.memory_space<vmem>>, vector<16xf32>,
        }
        %scan3A_1019 = arith.constant 200 : i32
      } else {
      }
      %eq3A_42 = arith.constant 0 : i32
      %eq3A_43 = arith.cmpi eq, %scan3A_35, %eq3A_42 : i32
      %convert_element_type3A_44 = arith.extui %eq3A_43 : i1 to i32
      %cond3A_45 = arith.constant 0 : i32
      %cond3A_46 = arith.cmpi ne, %convert_element_type3A_44, %cond3A_45 : i32
      scf.if %cond3A_46 {
        %dma_wait3A_1014 = tpu.memref_slice %arg2[%mul3A_2] : memref<16384xi32, #tpu.memory_space<hbm>> -> memref<512xi32, #tpu.memory_space<hbm>>
        %dma_wait3A_1015 = tpu.memref_slice %arg2[%mul3A_2] : memref<16384xi32, #tpu.memory_space<hbm>> -> memref<512xi32, #tpu.memory_space<hbm>>
        tpu.wait_dma2 semaphore(%arg13 : memref<!tpu.dma_semaphore, #tpu.memory_space<semaphore_mem>>) src(%dma_wait3A_1015 : memref<512xi32, #tpu.memory_space<hbm>>) dst(%arg4 : memref<512xi32, #tpu.memory_space<vmem>>)
      } else {
      }
      %gt3A = arith.constant 0 : i32
      %gt3A_47 = arith.cmpi sgt, %scan3A_35, %gt3A : i32
      %convert_element_type3A_48 = arith.extui %gt3A_47 : i1 to i32
      %cond3A_49 = arith.constant 0 : i32
      %cond3A_50 = arith.cmpi ne, %convert_element_type3A_48, %cond3A_49 : i32
      scf.if %cond3A_50 {
        %sub3A_1014 = arith.constant 4 : i32
        %sub3A_1015 = arith.subi %add3A_39, %sub3A_1014 : i32
        %jit3A_1016 = arith.constant 5 : i32
        %div3A_1017 = arith.divsi %sub3A_1015, %jit3A_1016 : i32
        %sign3A_1018 = arith.constant 0 : i32
        %sign3A_1019 = arith.cmpi sgt, %sub3A_1015, %sign3A_1018 : i32
        %sign3A_1020 = arith.extui %sign3A_1019 : i1 to i32
        %sign3A_1021 = arith.constant 0 : i32
        %sign3A_1022 = arith.cmpi slt, %sub3A_1015, %sign3A_1021 : i32
        %sign3A_1023 = arith.extui %sign3A_1022 : i1 to i32
        %sign3A_1024 = arith.subi %sign3A_1020, %sign3A_1023 : i32
        %sign3A_1025 = arith.constant 0 : i32
        %sign3A_1026 = arith.cmpi sgt, %jit3A_1016, %sign3A_1025 : i32
        %sign3A_1027 = arith.extui %sign3A_1026 : i1 to i32
        %sign3A_1028 = arith.constant 0 : i32
        %sign3A_1029 = arith.cmpi slt, %jit3A_1016, %sign3A_1028 : i32
        %sign3A_1030 = arith.extui %sign3A_1029 : i1 to i32
        %sign3A_1031 = arith.subi %sign3A_1027, %sign3A_1030 : i32
        %ne3A_1032 = arith.cmpi ne, %sign3A_1024, %sign3A_1031 : i32
        %rem3A_1033 = arith.remsi %sub3A_1015, %jit3A_1016 : i32
        %ne3A_1034 = arith.constant 0 : i32
        %ne3A_1035 = arith.cmpi ne, %rem3A_1033, %ne3A_1034 : i32
        %and3A_1036 = arith.andi %ne3A_1032, %ne3A_1035 : i1
        %sub3A_1037 = arith.constant 1 : i32
        %sub3A_1038 = arith.subi %div3A_1017, %sub3A_1037 : i32
        %select_n3A_1039 = arith.select %and3A_1036, %sub3A_1038, %div3A_1017 : i32
        %jit3A_1040 = arith.constant 5 : i32
        %eq3A_1041 = arith.constant 0 : i32
        %eq3A_1042 = arith.cmpi eq, %jit3A_1040, %eq3A_1041 : i32
        %jit3A_1043 = arith.constant 1 : i32
        %select_n3A_1044 = arith.select %eq3A_1042, %jit3A_1043, %jit3A_1040 : i32
        %rem3A_1045 = arith.remsi %sub3A_1015, %select_n3A_1044 : i32
        %ne3A_1046 = arith.constant 0 : i32
        %ne3A_1047 = arith.cmpi ne, %rem3A_1045, %ne3A_1046 : i32
        %lt3A_1048 = arith.constant 0 : i32
        %lt3A_1049 = arith.cmpi slt, %rem3A_1045, %lt3A_1048 : i32
        %lt3A_1050 = arith.constant 0 : i32
        %lt3A_1051 = arith.cmpi slt, %select_n3A_1044, %lt3A_1050 : i32
        %ne3A_1052 = arith.xori %lt3A_1049, %lt3A_1051 : i1
        %and3A_1053 = arith.andi %ne3A_1052, %ne3A_1047 : i1
        %add3A_1054 = arith.addi %rem3A_1045, %select_n3A_1044 : i32
        %select_n3A_1055 = arith.select %and3A_1053, %add3A_1054, %rem3A_1045 : i32
        %mul3A_1056 = arith.constant 200 : i32
        %mul3A_1057 = arith.muli %select_n3A_1055, %mul3A_1056 : i32
        %mul3A_1058 = arith.constant 128 : i32
        %mul3A_1059 = arith.muli %select_n3A_1039, %mul3A_1058 : i32
        %add3A_1060 = arith.addi %mul3A_2, %mul3A_1059 : i32
        %dma_wait3A_1061 = tpu.memref_slice %arg3[%mul3A_1057, %add3A_1060] : memref<1000x16384xf32, #tpu.memory_space<hbm>> -> memref<200x128xf32, #tpu.memory_space<hbm>>
        %dma_wait3A_1062 = tpu.memref_slice %arg3[%mul3A_1057, %add3A_1060] : memref<1000x16384xf32, #tpu.memory_space<hbm>> -> memref<200x128xf32, #tpu.memory_space<hbm>>
        tpu.wait_dma2 semaphore(%arg9 : memref<!tpu.dma_semaphore, #tpu.memory_space<semaphore_mem>>) src(%arg5 : memref<200x128xf32, #tpu.memory_space<vmem>>) dst(%dma_wait3A_1062 : memref<200x128xf32, #tpu.memory_space<hbm>>)
        %sub3A_1063 = arith.constant 4 : i32
        %sub3A_1064 = arith.subi %add3A_39, %sub3A_1063 : i32
        %jit3A_1065 = arith.constant 5 : i32
        %div3A_1066 = arith.divsi %sub3A_1064, %jit3A_1065 : i32
        %sign3A_1067 = arith.constant 0 : i32
        %sign3A_1068 = arith.cmpi sgt, %sub3A_1064, %sign3A_1067 : i32
        %sign3A_1069 = arith.extui %sign3A_1068 : i1 to i32
        %sign3A_1070 = arith.constant 0 : i32
        %sign3A_1071 = arith.cmpi slt, %sub3A_1064, %sign3A_1070 : i32
        %sign3A_1072 = arith.extui %sign3A_1071 : i1 to i32
        %sign3A_1073 = arith.subi %sign3A_1069, %sign3A_1072 : i32
        %sign3A_1074 = arith.constant 0 : i32
        %sign3A_1075 = arith.cmpi sgt, %jit3A_1065, %sign3A_1074 : i32
        %sign3A_1076 = arith.extui %sign3A_1075 : i1 to i32
        %sign3A_1077 = arith.constant 0 : i32
        %sign3A_1078 = arith.cmpi slt, %jit3A_1065, %sign3A_1077 : i32
        %sign3A_1079 = arith.extui %sign3A_1078 : i1 to i32
        %sign3A_1080 = arith.subi %sign3A_1076, %sign3A_1079 : i32
        %ne3A_1081 = arith.cmpi ne, %sign3A_1073, %sign3A_1080 : i32
        %rem3A_1082 = arith.remsi %sub3A_1064, %jit3A_1065 : i32
        %ne3A_1083 = arith.constant 0 : i32
        %ne3A_1084 = arith.cmpi ne, %rem3A_1082, %ne3A_1083 : i32
        %and3A_1085 = arith.andi %ne3A_1081, %ne3A_1084 : i1
        %sub3A_1086 = arith.constant 1 : i32
        %sub3A_1087 = arith.subi %div3A_1066, %sub3A_1086 : i32
        %select_n3A_1088 = arith.select %and3A_1085, %sub3A_1087, %div3A_1066 : i32
        %jit3A_1089 = arith.constant 5 : i32
        %eq3A_1090 = arith.constant 0 : i32
        %eq3A_1091 = arith.cmpi eq, %jit3A_1089, %eq3A_1090 : i32
        %jit3A_1092 = arith.constant 1 : i32
        %select_n3A_1093 = arith.select %eq3A_1091, %jit3A_1092, %jit3A_1089 : i32
        %rem3A_1094 = arith.remsi %sub3A_1064, %select_n3A_1093 : i32
        %ne3A_1095 = arith.constant 0 : i32
        %ne3A_1096 = arith.cmpi ne, %rem3A_1094, %ne3A_1095 : i32
        %lt3A_1097 = arith.constant 0 : i32
        %lt3A_1098 = arith.cmpi slt, %rem3A_1094, %lt3A_1097 : i32
        %lt3A_1099 = arith.constant 0 : i32
        %lt3A_1100 = arith.cmpi slt, %select_n3A_1093, %lt3A_1099 : i32
        %ne3A_1101 = arith.xori %lt3A_1098, %lt3A_1100 : i1
        %and3A_1102 = arith.andi %ne3A_1101, %ne3A_1096 : i1
        %add3A_1103 = arith.addi %rem3A_1094, %select_n3A_1093 : i32
        %select_n3A_1104 = arith.select %and3A_1102, %add3A_1103, %rem3A_1094 : i32
        %mul3A_1105 = arith.constant 200 : i32
        %mul3A_1106 = arith.muli %select_n3A_1104, %mul3A_1105 : i32
        %mul3A_1107 = arith.constant 128 : i32
        %mul3A_1108 = arith.muli %select_n3A_1088, %mul3A_1107 : i32
        %add3A_1109 = arith.constant 0 : i32
        %add3A_1110 = arith.addi %mul3A_1108, %add3A_1109 : i32
        %get3A_1111 = arith.index_cast %add3A_1110 : i32 to index
        %get3A_1112 = tpu.vector_load %arg4[%get3A_1111] {strides = array<i32>} : memref<512xi32, #tpu.memory_space<vmem>>, vector<16xi32>,
        %ge3A_1113 = vector.broadcast %mul3A_1106 : i32 to vector<16xi32>
        %ge3A_1114 = arith.cmpi sge, %get3A_1112, %ge3A_1113 : vector<16xi32>
        %add3A_1115 = arith.constant 200 : i32
        %add3A_1116 = arith.addi %mul3A_1106, %add3A_1115 : i32
        %lt3A_1117 = vector.broadcast %add3A_1116 : i32 to vector<16xi32>
        %lt3A_1118 = arith.cmpi slt, %get3A_1112, %lt3A_1117 : vector<16xi32>
        %and3A_1119 = arith.andi %ge3A_1114, %lt3A_1118 : vector<16xi1>
        %sub3A_1120 = vector.broadcast %mul3A_1106 : i32 to vector<16xi32>
        %sub3A_1121 = arith.subi %get3A_1112, %sub3A_1120 : vector<16xi32>
        %add3A_1122 = arith.constant 0 : i32
        %add3A_1123 = vector.broadcast %add3A_1122 : i32 to vector<16xi32>
        %add3A_1124 = arith.addi %add3A_1123, %iota3A : vector<16xi32>
        tpu.vector_store_idx %arg5[%sub3A_1121, %add3A_1124], %broadcast_in_dim3A_4 masked %and3A_1119 : memref<200x128xf32, #tpu.memory_space<vmem>>[vector<16xi32>, vector<16xi32>], vector<16xf32>, vector<16xi1>
        %mul3A_1125 = arith.constant 128 : i32
        %mul3A_1126 = arith.muli %select_n3A_1088, %mul3A_1125 : i32
        %add3A_1127 = arith.constant 16 : i32
        %add3A_1128 = arith.addi %mul3A_1126, %add3A_1127 : i32
        %get3A_1129 = arith.index_cast %add3A_1128 : i32 to index
        %get3A_1130 = tpu.vector_load %arg4[%get3A_1129] {strides = array<i32>} : memref<512xi32, #tpu.memory_space<vmem>>, vector<16xi32>,
        %ge3A_1131 = vector.broadcast %mul3A_1106 : i32 to vector<16xi32>
        %ge3A_1132 = arith.cmpi sge, %get3A_1130, %ge3A_1131 : vector<16xi32>
        %add3A_1133 = arith.constant 200 : i32
        %add3A_1134 = arith.addi %mul3A_1106, %add3A_1133 : i32
        %lt3A_1135 = vector.broadcast %add3A_1134 : i32 to vector<16xi32>
        %lt3A_1136 = arith.cmpi slt, %get3A_1130, %lt3A_1135 : vector<16xi32>
        %and3A_1137 = arith.andi %ge3A_1132, %lt3A_1136 : vector<16xi1>
        %sub3A_1138 = vector.broadcast %mul3A_1106 : i32 to vector<16xi32>
        %sub3A_1139 = arith.subi %get3A_1130, %sub3A_1138 : vector<16xi32>
        %add3A_1140 = arith.constant 16 : i32
        %add3A_1141 = vector.broadcast %add3A_1140 : i32 to vector<16xi32>
        %add3A_1142 = arith.addi %add3A_1141, %iota3A : vector<16xi32>
        tpu.vector_store_idx %arg5[%sub3A_1139, %add3A_1142], %broadcast_in_dim3A_4 masked %and3A_1137 : memref<200x128xf32, #tpu.memory_space<vmem>>[vector<16xi32>, vector<16xi32>], vector<16xf32>, vector<16xi1>
        %mul3A_1143 = arith.constant 128 : i32
        %mul3A_1144 = arith.muli %select_n3A_1088, %mul3A_1143 : i32
        %add3A_1145 = arith.constant 32 : i32
        %add3A_1146 = arith.addi %mul3A_1144, %add3A_1145 : i32
        %get3A_1147 = arith.index_cast %add3A_1146 : i32 to index
        %get3A_1148 = tpu.vector_load %arg4[%get3A_1147] {strides = array<i32>} : memref<512xi32, #tpu.memory_space<vmem>>, vector<16xi32>,
        %ge3A_1149 = vector.broadcast %mul3A_1106 : i32 to vector<16xi32>
        %ge3A_1150 = arith.cmpi sge, %get3A_1148, %ge3A_1149 : vector<16xi32>
        %add3A_1151 = arith.constant 200 : i32
        %add3A_1152 = arith.addi %mul3A_1106, %add3A_1151 : i32
        %lt3A_1153 = vector.broadcast %add3A_1152 : i32 to vector<16xi32>
        %lt3A_1154 = arith.cmpi slt, %get3A_1148, %lt3A_1153 : vector<16xi32>
        %and3A_1155 = arith.andi %ge3A_1150, %lt3A_1154 : vector<16xi1>
        %sub3A_1156 = vector.broadcast %mul3A_1106 : i32 to vector<16xi32>
        %sub3A_1157 = arith.subi %get3A_1148, %sub3A_1156 : vector<16xi32>
        %add3A_1158 = arith.constant 32 : i32
        %add3A_1159 = vector.broadcast %add3A_1158 : i32 to vector<16xi32>
        %add3A_1160 = arith.addi %add3A_1159, %iota3A : vector<16xi32>
        tpu.vector_store_idx %arg5[%sub3A_1157, %add3A_1160], %broadcast_in_dim3A_4 masked %and3A_1155 : memref<200x128xf32, #tpu.memory_space<vmem>>[vector<16xi32>, vector<16xi32>], vector<16xf32>, vector<16xi1>
        %mul3A_1161 = arith.constant 128 : i32
        %mul3A_1162 = arith.muli %select_n3A_1088, %mul3A_1161 : i32
        %add3A_1163 = arith.constant 48 : i32
        %add3A_1164 = arith.addi %mul3A_1162, %add3A_1163 : i32
        %get3A_1165 = arith.index_cast %add3A_1164 : i32 to index
        %get3A_1166 = tpu.vector_load %arg4[%get3A_1165] {strides = array<i32>} : memref<512xi32, #tpu.memory_space<vmem>>, vector<16xi32>,
        %ge3A_1167 = vector.broadcast %mul3A_1106 : i32 to vector<16xi32>
        %ge3A_1168 = arith.cmpi sge, %get3A_1166, %ge3A_1167 : vector<16xi32>
        %add3A_1169 = arith.constant 200 : i32
        %add3A_1170 = arith.addi %mul3A_1106, %add3A_1169 : i32
        %lt3A_1171 = vector.broadcast %add3A_1170 : i32 to vector<16xi32>
        %lt3A_1172 = arith.cmpi slt, %get3A_1166, %lt3A_1171 : vector<16xi32>
        %and3A_1173 = arith.andi %ge3A_1168, %lt3A_1172 : vector<16xi1>
        %sub3A_1174 = vector.broadcast %mul3A_1106 : i32 to vector<16xi32>
        %sub3A_1175 = arith.subi %get3A_1166, %sub3A_1174 : vector<16xi32>
        %add3A_1176 = arith.constant 48 : i32
        %add3A_1177 = vector.broadcast %add3A_1176 : i32 to vector<16xi32>
        %add3A_1178 = arith.addi %add3A_1177, %iota3A : vector<16xi32>
        tpu.vector_store_idx %arg5[%sub3A_1175, %add3A_1178], %broadcast_in_dim3A_4 masked %and3A_1173 : memref<200x128xf32, #tpu.memory_space<vmem>>[vector<16xi32>, vector<16xi32>], vector<16xf32>, vector<16xi1>
        %mul3A_1179 = arith.constant 128 : i32
        %mul3A_1180 = arith.muli %select_n3A_1088, %mul3A_1179 : i32
        %add3A_1181 = arith.constant 64 : i32
        %add3A_1182 = arith.addi %mul3A_1180, %add3A_1181 : i32
        %get3A_1183 = arith.index_cast %add3A_1182 : i32 to index
        %get3A_1184 = tpu.vector_load %arg4[%get3A_1183] {strides = array<i32>} : memref<512xi32, #tpu.memory_space<vmem>>, vector<16xi32>,
        %ge3A_1185 = vector.broadcast %mul3A_1106 : i32 to vector<16xi32>
        %ge3A_1186 = arith.cmpi sge, %get3A_1184, %ge3A_1185 : vector<16xi32>
        %add3A_1187 = arith.constant 200 : i32
        %add3A_1188 = arith.addi %mul3A_1106, %add3A_1187 : i32
        %lt3A_1189 = vector.broadcast %add3A_1188 : i32 to vector<16xi32>
        %lt3A_1190 = arith.cmpi slt, %get3A_1184, %lt3A_1189 : vector<16xi32>
        %and3A_1191 = arith.andi %ge3A_1186, %lt3A_1190 : vector<16xi1>
        %sub3A_1192 = vector.broadcast %mul3A_1106 : i32 to vector<16xi32>
        %sub3A_1193 = arith.subi %get3A_1184, %sub3A_1192 : vector<16xi32>
        %add3A_1194 = arith.constant 64 : i32
        %add3A_1195 = vector.broadcast %add3A_1194 : i32 to vector<16xi32>
        %add3A_1196 = arith.addi %add3A_1195, %iota3A : vector<16xi32>
        tpu.vector_store_idx %arg5[%sub3A_1193, %add3A_1196], %broadcast_in_dim3A_4 masked %and3A_1191 : memref<200x128xf32, #tpu.memory_space<vmem>>[vector<16xi32>, vector<16xi32>], vector<16xf32>, vector<16xi1>
        %mul3A_1197 = arith.constant 128 : i32
        %mul3A_1198 = arith.muli %select_n3A_1088, %mul3A_1197 : i32
        %add3A_1199 = arith.constant 80 : i32
        %add3A_1200 = arith.addi %mul3A_1198, %add3A_1199 : i32
        %get3A_1201 = arith.index_cast %add3A_1200 : i32 to index
        %get3A_1202 = tpu.vector_load %arg4[%get3A_1201] {strides = array<i32>} : memref<512xi32, #tpu.memory_space<vmem>>, vector<16xi32>,
        %ge3A_1203 = vector.broadcast %mul3A_1106 : i32 to vector<16xi32>
        %ge3A_1204 = arith.cmpi sge, %get3A_1202, %ge3A_1203 : vector<16xi32>
        %add3A_1205 = arith.constant 200 : i32
        %add3A_1206 = arith.addi %mul3A_1106, %add3A_1205 : i32
        %lt3A_1207 = vector.broadcast %add3A_1206 : i32 to vector<16xi32>
        %lt3A_1208 = arith.cmpi slt, %get3A_1202, %lt3A_1207 : vector<16xi32>
        %and3A_1209 = arith.andi %ge3A_1204, %lt3A_1208 : vector<16xi1>
        %sub3A_1210 = vector.broadcast %mul3A_1106 : i32 to vector<16xi32>
        %sub3A_1211 = arith.subi %get3A_1202, %sub3A_1210 : vector<16xi32>
        %add3A_1212 = arith.constant 80 : i32
        %add3A_1213 = vector.broadcast %add3A_1212 : i32 to vector<16xi32>
        %add3A_1214 = arith.addi %add3A_1213, %iota3A : vector<16xi32>
        tpu.vector_store_idx %arg5[%sub3A_1211, %add3A_1214], %broadcast_in_dim3A_4 masked %and3A_1209 : memref<200x128xf32, #tpu.memory_space<vmem>>[vector<16xi32>, vector<16xi32>], vector<16xf32>, vector<16xi1>
        %mul3A_1215 = arith.constant 128 : i32
        %mul3A_1216 = arith.muli %select_n3A_1088, %mul3A_1215 : i32
        %add3A_1217 = arith.constant 96 : i32
        %add3A_1218 = arith.addi %mul3A_1216, %add3A_1217 : i32
        %get3A_1219 = arith.index_cast %add3A_1218 : i32 to index
        %get3A_1220 = tpu.vector_load %arg4[%get3A_1219] {strides = array<i32>} : memref<512xi32, #tpu.memory_space<vmem>>, vector<16xi32>,
        %ge3A_1221 = vector.broadcast %mul3A_1106 : i32 to vector<16xi32>
        %ge3A_1222 = arith.cmpi sge, %get3A_1220, %ge3A_1221 : vector<16xi32>
        %add3A_1223 = arith.constant 200 : i32
        %add3A_1224 = arith.addi %mul3A_1106, %add3A_1223 : i32
        %lt3A_1225 = vector.broadcast %add3A_1224 : i32 to vector<16xi32>
        %lt3A_1226 = arith.cmpi slt, %get3A_1220, %lt3A_1225 : vector<16xi32>
        %and3A_1227 = arith.andi %ge3A_1222, %lt3A_1226 : vector<16xi1>
        %sub3A_1228 = vector.broadcast %mul3A_1106 : i32 to vector<16xi32>
        %sub3A_1229 = arith.subi %get3A_1220, %sub3A_1228 : vector<16xi32>
        %add3A_1230 = arith.constant 96 : i32
        %add3A_1231 = vector.broadcast %add3A_1230 : i32 to vector<16xi32>
        %add3A_1232 = arith.addi %add3A_1231, %iota3A : vector<16xi32>
        tpu.vector_store_idx %arg5[%sub3A_1229, %add3A_1232], %broadcast_in_dim3A_4 masked %and3A_1227 : memref<200x128xf32, #tpu.memory_space<vmem>>[vector<16xi32>, vector<16xi32>], vector<16xf32>, vector<16xi1>
        %mul3A_1233 = arith.constant 128 : i32
        %mul3A_1234 = arith.muli %select_n3A_1088, %mul3A_1233 : i32
        %add3A_1235 = arith.constant 112 : i32
        %add3A_1236 = arith.addi %mul3A_1234, %add3A_1235 : i32
        %get3A_1237 = arith.index_cast %add3A_1236 : i32 to index
        %get3A_1238 = tpu.vector_load %arg4[%get3A_1237] {strides = array<i32>} : memref<512xi32, #tpu.memory_space<vmem>>, vector<16xi32>,
        %ge3A_1239 = vector.broadcast %mul3A_1106 : i32 to vector<16xi32>
        %ge3A_1240 = arith.cmpi sge, %get3A_1238, %ge3A_1239 : vector<16xi32>
        %add3A_1241 = arith.constant 200 : i32
        %add3A_1242 = arith.addi %mul3A_1106, %add3A_1241 : i32
        %lt3A_1243 = vector.broadcast %add3A_1242 : i32 to vector<16xi32>
        %lt3A_1244 = arith.cmpi slt, %get3A_1238, %lt3A_1243 : vector<16xi32>
        %and3A_1245 = arith.andi %ge3A_1240, %lt3A_1244 : vector<16xi1>
        %sub3A_1246 = vector.broadcast %mul3A_1106 : i32 to vector<16xi32>
        %sub3A_1247 = arith.subi %get3A_1238, %sub3A_1246 : vector<16xi32>
        %add3A_1248 = arith.constant 112 : i32
        %add3A_1249 = vector.broadcast %add3A_1248 : i32 to vector<16xi32>
        %add3A_1250 = arith.addi %add3A_1249, %iota3A : vector<16xi32>
        tpu.vector_store_idx %arg5[%sub3A_1247, %add3A_1250], %broadcast_in_dim3A_4 masked %and3A_1245 : memref<200x128xf32, #tpu.memory_space<vmem>>[vector<16xi32>, vector<16xi32>], vector<16xf32>, vector<16xi1>
      } else {
      }
      %jit3A = arith.constant 5 : i32
      %div3A = arith.divsi %add3A_39, %jit3A : i32
      %sign3A = arith.constant 0 : i32
      %sign3A_51 = arith.cmpi sgt, %add3A_39, %sign3A : i32
      %sign3A_52 = arith.extui %sign3A_51 : i1 to i32
      %sign3A_53 = arith.constant 0 : i32
      %sign3A_54 = arith.cmpi slt, %add3A_39, %sign3A_53 : i32
      %sign3A_55 = arith.extui %sign3A_54 : i1 to i32
      %sign3A_56 = arith.subi %sign3A_52, %sign3A_55 : i32
      %sign3A_57 = arith.constant 0 : i32
      %sign3A_58 = arith.cmpi sgt, %jit3A, %sign3A_57 : i32
      %sign3A_59 = arith.extui %sign3A_58 : i1 to i32
      %sign3A_60 = arith.constant 0 : i32
      %sign3A_61 = arith.cmpi slt, %jit3A, %sign3A_60 : i32
      %sign3A_62 = arith.extui %sign3A_61 : i1 to i32
      %sign3A_63 = arith.subi %sign3A_59, %sign3A_62 : i32
      %ne3A = arith.cmpi ne, %sign3A_56, %sign3A_63 : i32
      %rem3A = arith.remsi %add3A_39, %jit3A : i32
      %ne3A_64 = arith.constant 0 : i32
      %ne3A_65 = arith.cmpi ne, %rem3A, %ne3A_64 : i32
      %and3A = arith.andi %ne3A, %ne3A_65 : i1
      %sub3A = arith.constant 1 : i32
      %sub3A_66 = arith.subi %div3A, %sub3A : i32
      %select_n3A = arith.select %and3A, %sub3A_66, %div3A : i32
      %jit3A_67 = arith.constant 5 : i32
      %eq3A_68 = arith.constant 0 : i32
      %eq3A_69 = arith.cmpi eq, %jit3A_67, %eq3A_68 : i32
      %jit3A_70 = arith.constant 1 : i32
      %select_n3A_71 = arith.select %eq3A_69, %jit3A_70, %jit3A_67 : i32
      %rem3A_72 = arith.remsi %add3A_39, %select_n3A_71 : i32
      %ne3A_73 = arith.constant 0 : i32
      %ne3A_74 = arith.cmpi ne, %rem3A_72, %ne3A_73 : i32
      %lt3A = arith.constant 0 : i32
      %lt3A_75 = arith.cmpi slt, %rem3A_72, %lt3A : i32
      %lt3A_76 = arith.constant 0 : i32
      %lt3A_77 = arith.cmpi slt, %select_n3A_71, %lt3A_76 : i32
      %ne3A_78 = arith.xori %lt3A_75, %lt3A_77 : i1
      %and3A_79 = arith.andi %ne3A_78, %ne3A_74 : i1
      %add3A_80 = arith.addi %rem3A_72, %select_n3A_71 : i32
      %select_n3A_81 = arith.select %and3A_79, %add3A_80, %rem3A_72 : i32
      %mul3A_82 = arith.constant 200 : i32
      %mul3A_83 = arith.muli %select_n3A_81, %mul3A_82 : i32
      %mul3A_84 = arith.constant 128 : i32
      %mul3A_85 = arith.muli %select_n3A, %mul3A_84 : i32
      %add3A_86 = arith.constant 0 : i32
      %add3A_87 = arith.addi %mul3A_85, %add3A_86 : i32
      %get3A = arith.index_cast %add3A_87 : i32 to index
      %get3A_88 = tpu.vector_load %arg4[%get3A] {strides = array<i32>} : memref<512xi32, #tpu.memory_space<vmem>>, vector<16xi32>,
      %ge3A = vector.broadcast %mul3A_83 : i32 to vector<16xi32>
      %ge3A_89 = arith.cmpi sge, %get3A_88, %ge3A : vector<16xi32>
      %add3A_90 = arith.constant 200 : i32
      %add3A_91 = arith.addi %mul3A_83, %add3A_90 : i32
      %lt3A_92 = vector.broadcast %add3A_91 : i32 to vector<16xi32>
      %lt3A_93 = arith.cmpi slt, %get3A_88, %lt3A_92 : vector<16xi32>
      %and3A_94 = arith.andi %ge3A_89, %lt3A_93 : vector<16xi1>
      %sub3A_95 = vector.broadcast %mul3A_83 : i32 to vector<16xi32>
      %sub3A_96 = arith.subi %get3A_88, %sub3A_95 : vector<16xi32>
      %add3A_97 = arith.constant 0 : i32
      %add3A_98 = vector.broadcast %add3A_97 : i32 to vector<16xi32>
      %add3A_99 = arith.addi %add3A_98, %iota3A : vector<16xi32>
      tpu.vector_store_idx %arg5[%sub3A_96, %add3A_99], %broadcast_in_dim3A_6 masked %and3A_94 : memref<200x128xf32, #tpu.memory_space<vmem>>[vector<16xi32>, vector<16xi32>], vector<16xf32>, vector<16xi1>
      %mul3A_100 = arith.constant 128 : i32
      %mul3A_101 = arith.muli %select_n3A, %mul3A_100 : i32
      %add3A_102 = arith.constant 16 : i32
      %add3A_103 = arith.addi %mul3A_101, %add3A_102 : i32
      %get3A_104 = arith.index_cast %add3A_103 : i32 to index
      %get3A_105 = tpu.vector_load %arg4[%get3A_104] {strides = array<i32>} : memref<512xi32, #tpu.memory_space<vmem>>, vector<16xi32>,
      %ge3A_106 = vector.broadcast %mul3A_83 : i32 to vector<16xi32>
      %ge3A_107 = arith.cmpi sge, %get3A_105, %ge3A_106 : vector<16xi32>
      %add3A_108 = arith.constant 200 : i32
      %add3A_109 = arith.addi %mul3A_83, %add3A_108 : i32
      %lt3A_110 = vector.broadcast %add3A_109 : i32 to vector<16xi32>
      %lt3A_111 = arith.cmpi slt, %get3A_105, %lt3A_110 : vector<16xi32>
      %and3A_112 = arith.andi %ge3A_107, %lt3A_111 : vector<16xi1>
      %sub3A_113 = vector.broadcast %mul3A_83 : i32 to vector<16xi32>
      %sub3A_114 = arith.subi %get3A_105, %sub3A_113 : vector<16xi32>
      %add3A_115 = arith.constant 16 : i32
      %add3A_116 = vector.broadcast %add3A_115 : i32 to vector<16xi32>
      %add3A_117 = arith.addi %add3A_116, %iota3A : vector<16xi32>
      tpu.vector_store_idx %arg5[%sub3A_114, %add3A_117], %broadcast_in_dim3A_6 masked %and3A_112 : memref<200x128xf32, #tpu.memory_space<vmem>>[vector<16xi32>, vector<16xi32>], vector<16xf32>, vector<16xi1>
      %mul3A_118 = arith.constant 128 : i32
      %mul3A_119 = arith.muli %select_n3A, %mul3A_118 : i32
      %add3A_120 = arith.constant 32 : i32
      %add3A_121 = arith.addi %mul3A_119, %add3A_120 : i32
      %get3A_122 = arith.index_cast %add3A_121 : i32 to index
      %get3A_123 = tpu.vector_load %arg4[%get3A_122] {strides = array<i32>} : memref<512xi32, #tpu.memory_space<vmem>>, vector<16xi32>,
      %ge3A_124 = vector.broadcast %mul3A_83 : i32 to vector<16xi32>
      %ge3A_125 = arith.cmpi sge, %get3A_123, %ge3A_124 : vector<16xi32>
      %add3A_126 = arith.constant 200 : i32
      %add3A_127 = arith.addi %mul3A_83, %add3A_126 : i32
      %lt3A_128 = vector.broadcast %add3A_127 : i32 to vector<16xi32>
      %lt3A_129 = arith.cmpi slt, %get3A_123, %lt3A_128 : vector<16xi32>
      %and3A_130 = arith.andi %ge3A_125, %lt3A_129 : vector<16xi1>
      %sub3A_131 = vector.broadcast %mul3A_83 : i32 to vector<16xi32>
      %sub3A_132 = arith.subi %get3A_123, %sub3A_131 : vector<16xi32>
      %add3A_133 = arith.constant 32 : i32
      %add3A_134 = vector.broadcast %add3A_133 : i32 to vector<16xi32>
      %add3A_135 = arith.addi %add3A_134, %iota3A : vector<16xi32>
      tpu.vector_store_idx %arg5[%sub3A_132, %add3A_135], %broadcast_in_dim3A_6 masked %and3A_130 : memref<200x128xf32, #tpu.memory_space<vmem>>[vector<16xi32>, vector<16xi32>], vector<16xf32>, vector<16xi1>
      %mul3A_136 = arith.constant 128 : i32
      %mul3A_137 = arith.muli %select_n3A, %mul3A_136 : i32
      %add3A_138 = arith.constant 48 : i32
      %add3A_139 = arith.addi %mul3A_137, %add3A_138 : i32
      %get3A_140 = arith.index_cast %add3A_139 : i32 to index
      %get3A_141 = tpu.vector_load %arg4[%get3A_140] {strides = array<i32>} : memref<512xi32, #tpu.memory_space<vmem>>, vector<16xi32>,
      %ge3A_142 = vector.broadcast %mul3A_83 : i32 to vector<16xi32>
      %ge3A_143 = arith.cmpi sge, %get3A_141, %ge3A_142 : vector<16xi32>
      %add3A_144 = arith.constant 200 : i32
      %add3A_145 = arith.addi %mul3A_83, %add3A_144 : i32
      %lt3A_146 = vector.broadcast %add3A_145 : i32 to vector<16xi32>
      %lt3A_147 = arith.cmpi slt, %get3A_141, %lt3A_146 : vector<16xi32>
      %and3A_148 = arith.andi %ge3A_143, %lt3A_147 : vector<16xi1>
      %sub3A_149 = vector.broadcast %mul3A_83 : i32 to vector<16xi32>
      %sub3A_150 = arith.subi %get3A_141, %sub3A_149 : vector<16xi32>
      %add3A_151 = arith.constant 48 : i32
      %add3A_152 = vector.broadcast %add3A_151 : i32 to vector<16xi32>
      %add3A_153 = arith.addi %add3A_152, %iota3A : vector<16xi32>
      tpu.vector_store_idx %arg5[%sub3A_150, %add3A_153], %broadcast_in_dim3A_6 masked %and3A_148 : memref<200x128xf32, #tpu.memory_space<vmem>>[vector<16xi32>, vector<16xi32>], vector<16xf32>, vector<16xi1>
      %mul3A_154 = arith.constant 128 : i32
      %mul3A_155 = arith.muli %select_n3A, %mul3A_154 : i32
      %add3A_156 = arith.constant 64 : i32
      %add3A_157 = arith.addi %mul3A_155, %add3A_156 : i32
      %get3A_158 = arith.index_cast %add3A_157 : i32 to index
      %get3A_159 = tpu.vector_load %arg4[%get3A_158] {strides = array<i32>} : memref<512xi32, #tpu.memory_space<vmem>>, vector<16xi32>,
      %ge3A_160 = vector.broadcast %mul3A_83 : i32 to vector<16xi32>
      %ge3A_161 = arith.cmpi sge, %get3A_159, %ge3A_160 : vector<16xi32>
      %add3A_162 = arith.constant 200 : i32
      %add3A_163 = arith.addi %mul3A_83, %add3A_162 : i32
      %lt3A_164 = vector.broadcast %add3A_163 : i32 to vector<16xi32>
      %lt3A_165 = arith.cmpi slt, %get3A_159, %lt3A_164 : vector<16xi32>
      %and3A_166 = arith.andi %ge3A_161, %lt3A_165 : vector<16xi1>
      %sub3A_167 = vector.broadcast %mul3A_83 : i32 to vector<16xi32>
      %sub3A_168 = arith.subi %get3A_159, %sub3A_167 : vector<16xi32>
      %add3A_169 = arith.constant 64 : i32
      %add3A_170 = vector.broadcast %add3A_169 : i32 to vector<16xi32>
      %add3A_171 = arith.addi %add3A_170, %iota3A : vector<16xi32>
      tpu.vector_store_idx %arg5[%sub3A_168, %add3A_171], %broadcast_in_dim3A_6 masked %and3A_166 : memref<200x128xf32, #tpu.memory_space<vmem>>[vector<16xi32>, vector<16xi32>], vector<16xf32>, vector<16xi1>
      %mul3A_172 = arith.constant 128 : i32
      %mul3A_173 = arith.muli %select_n3A, %mul3A_172 : i32
      %add3A_174 = arith.constant 80 : i32
      %add3A_175 = arith.addi %mul3A_173, %add3A_174 : i32
      %get3A_176 = arith.index_cast %add3A_175 : i32 to index
      %get3A_177 = tpu.vector_load %arg4[%get3A_176] {strides = array<i32>} : memref<512xi32, #tpu.memory_space<vmem>>, vector<16xi32>,
      %ge3A_178 = vector.broadcast %mul3A_83 : i32 to vector<16xi32>
      %ge3A_179 = arith.cmpi sge, %get3A_177, %ge3A_178 : vector<16xi32>
      %add3A_180 = arith.constant 200 : i32
      %add3A_181 = arith.addi %mul3A_83, %add3A_180 : i32
      %lt3A_182 = vector.broadcast %add3A_181 : i32 to vector<16xi32>
      %lt3A_183 = arith.cmpi slt, %get3A_177, %lt3A_182 : vector<16xi32>
      %and3A_184 = arith.andi %ge3A_179, %lt3A_183 : vector<16xi1>
      %sub3A_185 = vector.broadcast %mul3A_83 : i32 to vector<16xi32>
      %sub3A_186 = arith.subi %get3A_177, %sub3A_185 : vector<16xi32>
      %add3A_187 = arith.constant 80 : i32
      %add3A_188 = vector.broadcast %add3A_187 : i32 to vector<16xi32>
      %add3A_189 = arith.addi %add3A_188, %iota3A : vector<16xi32>
      tpu.vector_store_idx %arg5[%sub3A_186, %add3A_189], %broadcast_in_dim3A_6 masked %and3A_184 : memref<200x128xf32, #tpu.memory_space<vmem>>[vector<16xi32>, vector<16xi32>], vector<16xf32>, vector<16xi1>
      %mul3A_190 = arith.constant 128 : i32
      %mul3A_191 = arith.muli %select_n3A, %mul3A_190 : i32
      %add3A_192 = arith.constant 96 : i32
      %add3A_193 = arith.addi %mul3A_191, %add3A_192 : i32
      %get3A_194 = arith.index_cast %add3A_193 : i32 to index
      %get3A_195 = tpu.vector_load %arg4[%get3A_194] {strides = array<i32>} : memref<512xi32, #tpu.memory_space<vmem>>, vector<16xi32>,
      %ge3A_196 = vector.broadcast %mul3A_83 : i32 to vector<16xi32>
      %ge3A_197 = arith.cmpi sge, %get3A_195, %ge3A_196 : vector<16xi32>
      %add3A_198 = arith.constant 200 : i32
      %add3A_199 = arith.addi %mul3A_83, %add3A_198 : i32
      %lt3A_200 = vector.broadcast %add3A_199 : i32 to vector<16xi32>
      %lt3A_201 = arith.cmpi slt, %get3A_195, %lt3A_200 : vector<16xi32>
      %and3A_202 = arith.andi %ge3A_197, %lt3A_201 : vector<16xi1>
      %sub3A_203 = vector.broadcast %mul3A_83 : i32 to vector<16xi32>
      %sub3A_204 = arith.subi %get3A_195, %sub3A_203 : vector<16xi32>
      %add3A_205 = arith.constant 96 : i32
      %add3A_206 = vector.broadcast %add3A_205 : i32 to vector<16xi32>
      %add3A_207 = arith.addi %add3A_206, %iota3A : vector<16xi32>
      tpu.vector_store_idx %arg5[%sub3A_204, %add3A_207], %broadcast_in_dim3A_6 masked %and3A_202 : memref<200x128xf32, #tpu.memory_space<vmem>>[vector<16xi32>, vector<16xi32>], vector<16xf32>, vector<16xi1>
      %mul3A_208 = arith.constant 128 : i32
      %mul3A_209 = arith.muli %select_n3A, %mul3A_208 : i32
      %add3A_210 = arith.constant 112 : i32
      %add3A_211 = arith.addi %mul3A_209, %add3A_210 : i32
      %get3A_212 = arith.index_cast %add3A_211 : i32 to index
      %get3A_213 = tpu.vector_load %arg4[%get3A_212] {strides = array<i32>} : memref<512xi32, #tpu.memory_space<vmem>>, vector<16xi32>,
      %ge3A_214 = vector.broadcast %mul3A_83 : i32 to vector<16xi32>
      %ge3A_215 = arith.cmpi sge, %get3A_213, %ge3A_214 : vector<16xi32>
      %add3A_216 = arith.constant 200 : i32
      %add3A_217 = arith.addi %mul3A_83, %add3A_216 : i32
      %lt3A_218 = vector.broadcast %add3A_217 : i32 to vector<16xi32>
      %lt3A_219 = arith.cmpi slt, %get3A_213, %lt3A_218 : vector<16xi32>
      %and3A_220 = arith.andi %ge3A_215, %lt3A_219 : vector<16xi1>
      %sub3A_221 = vector.broadcast %mul3A_83 : i32 to vector<16xi32>
      %sub3A_222 = arith.subi %get3A_213, %sub3A_221 : vector<16xi32>
      %add3A_223 = arith.constant 112 : i32
      %add3A_224 = vector.broadcast %add3A_223 : i32 to vector<16xi32>
      %add3A_225 = arith.addi %add3A_224, %iota3A : vector<16xi32>
      tpu.vector_store_idx %arg5[%sub3A_222, %add3A_225], %broadcast_in_dim3A_6 masked %and3A_220 : memref<200x128xf32, #tpu.memory_space<vmem>>[vector<16xi32>, vector<16xi32>], vector<16xf32>, vector<16xi1>
      %jit3A_226 = arith.constant 5 : i32
      %div3A_227 = arith.divsi %add3A_39, %jit3A_226 : i32
      %sign3A_228 = arith.constant 0 : i32
      %sign3A_229 = arith.cmpi sgt, %add3A_39, %sign3A_228 : i32
      %sign3A_230 = arith.extui %sign3A_229 : i1 to i32
      %sign3A_231 = arith.constant 0 : i32
      %sign3A_232 = arith.cmpi slt, %add3A_39, %sign3A_231 : i32
      %sign3A_233 = arith.extui %sign3A_232 : i1 to i32
      %sign3A_234 = arith.subi %sign3A_230, %sign3A_233 : i32
      %sign3A_235 = arith.constant 0 : i32
      %sign3A_236 = arith.cmpi sgt, %jit3A_226, %sign3A_235 : i32
      %sign3A_237 = arith.extui %sign3A_236 : i1 to i32
      %sign3A_238 = arith.constant 0 : i32
      %sign3A_239 = arith.cmpi slt, %jit3A_226, %sign3A_238 : i32
      %sign3A_240 = arith.extui %sign3A_239 : i1 to i32
      %sign3A_241 = arith.subi %sign3A_237, %sign3A_240 : i32
      %ne3A_242 = arith.cmpi ne, %sign3A_234, %sign3A_241 : i32
      %rem3A_243 = arith.remsi %add3A_39, %jit3A_226 : i32
      %ne3A_244 = arith.constant 0 : i32
      %ne3A_245 = arith.cmpi ne, %rem3A_243, %ne3A_244 : i32
      %and3A_246 = arith.andi %ne3A_242, %ne3A_245 : i1
      %sub3A_247 = arith.constant 1 : i32
      %sub3A_248 = arith.subi %div3A_227, %sub3A_247 : i32
      %select_n3A_249 = arith.select %and3A_246, %sub3A_248, %div3A_227 : i32
      %jit3A_250 = arith.constant 5 : i32
      %eq3A_251 = arith.constant 0 : i32
      %eq3A_252 = arith.cmpi eq, %jit3A_250, %eq3A_251 : i32
      %jit3A_253 = arith.constant 1 : i32
      %select_n3A_254 = arith.select %eq3A_252, %jit3A_253, %jit3A_250 : i32
      %rem3A_255 = arith.remsi %add3A_39, %select_n3A_254 : i32
      %ne3A_256 = arith.constant 0 : i32
      %ne3A_257 = arith.cmpi ne, %rem3A_255, %ne3A_256 : i32
      %lt3A_258 = arith.constant 0 : i32
      %lt3A_259 = arith.cmpi slt, %rem3A_255, %lt3A_258 : i32
      %lt3A_260 = arith.constant 0 : i32
      %lt3A_261 = arith.cmpi slt, %select_n3A_254, %lt3A_260 : i32
      %ne3A_262 = arith.xori %lt3A_259, %lt3A_261 : i1
      %and3A_263 = arith.andi %ne3A_262, %ne3A_257 : i1
      %add3A_264 = arith.addi %rem3A_255, %select_n3A_254 : i32
      %select_n3A_265 = arith.select %and3A_263, %add3A_264, %rem3A_255 : i32
      %mul3A_266 = arith.constant 200 : i32
      %mul3A_267 = arith.muli %select_n3A_265, %mul3A_266 : i32
      %mul3A_268 = arith.constant 128 : i32
      %mul3A_269 = arith.muli %select_n3A_249, %mul3A_268 : i32
      %add3A_270 = arith.addi %mul3A_2, %mul3A_269 : i32
      %dma_start3A_271 = tpu.memref_slice %arg3[%mul3A_267, %add3A_270] : memref<1000x16384xf32, #tpu.memory_space<hbm>> -> memref<200x128xf32, #tpu.memory_space<hbm>>
      %dma_start3A_272 = tpu.memref_slice %arg3[%mul3A_267, %add3A_270] : memref<1000x16384xf32, #tpu.memory_space<hbm>> -> memref<200x128xf32, #tpu.memory_space<hbm>>
      tpu.enqueue_dma source(%arg5 : memref<200x128xf32, #tpu.memory_space<vmem>>) target(%dma_start3A_272 : memref<200x128xf32, #tpu.memory_space<hbm>>) target_semaphore(%arg9 : memref<!tpu.dma_semaphore, #tpu.memory_space<semaphore_mem>>)
      %mul3A_273 = arith.constant 4 : i32
      %mul3A_274 = arith.muli %scan3A_35, %mul3A_273 : i32
      %add3A_275 = arith.constant 1 : i32
      %add3A_276 = arith.addi %mul3A_274, %add3A_275 : i32
      %eq3A_277 = arith.constant 0 : i32
      %eq3A_278 = arith.cmpi eq, %scan3A_35, %eq3A_277 : i32
      %convert_element_type3A_279 = arith.extui %eq3A_278 : i1 to i32
      %cond3A_280 = arith.constant 0 : i32
      %cond3A_281 = arith.cmpi ne, %convert_element_type3A_279, %cond3A_280 : i32
      scf.if %cond3A_281 {
        %scan3A_1014 = arith.constant 0 : i32
        %scan3A_1015 = arith.constant 0 : i32
        %scan3A_1016 = arith.constant 200 : i32
        %scan3A_1017 = arith.addi %scan3A_1015, %scan3A_1016 : i32
        %scan3A_1018 = arith.constant 1 : i32
        scf.for %scan3A_1020 = %scan3A_1015 to %scan3A_1017 step %scan3A_1018  : i32 {
          %swap3A = arith.index_cast %scan3A_1020 : i32 to index
          %swap3A_1021 = arith.constant 0 : index
          %swap3A_1022 = tpu.vector_load %arg6[%swap3A, %swap3A_1021] {strides = array<i32>} : memref<200x128xf32, #tpu.memory_space<vmem>>, vector<16xf32>,
          tpu.vector_store %arg6[%swap3A, %swap3A_1021], %broadcast_in_dim3A_4 {strides = array<i32>} : memref<200x128xf32, #tpu.memory_space<vmem>>, vector<16xf32>,
          %swap3A_1023 = arith.index_cast %scan3A_1020 : i32 to index
          %swap3A_1024 = arith.constant 16 : index
          %swap3A_1025 = tpu.vector_load %arg6[%swap3A_1023, %swap3A_1024] {strides = array<i32>} : memref<200x128xf32, #tpu.memory_space<vmem>>, vector<16xf32>,
          tpu.vector_store %arg6[%swap3A_1023, %swap3A_1024], %broadcast_in_dim3A_4 {strides = array<i32>} : memref<200x128xf32, #tpu.memory_space<vmem>>, vector<16xf32>,
          %swap3A_1026 = arith.index_cast %scan3A_1020 : i32 to index
          %swap3A_1027 = arith.constant 32 : index
          %swap3A_1028 = tpu.vector_load %arg6[%swap3A_1026, %swap3A_1027] {strides = array<i32>} : memref<200x128xf32, #tpu.memory_space<vmem>>, vector<16xf32>,
          tpu.vector_store %arg6[%swap3A_1026, %swap3A_1027], %broadcast_in_dim3A_4 {strides = array<i32>} : memref<200x128xf32, #tpu.memory_space<vmem>>, vector<16xf32>,
          %swap3A_1029 = arith.index_cast %scan3A_1020 : i32 to index
          %swap3A_1030 = arith.constant 48 : index
          %swap3A_1031 = tpu.vector_load %arg6[%swap3A_1029, %swap3A_1030] {strides = array<i32>} : memref<200x128xf32, #tpu.memory_space<vmem>>, vector<16xf32>,
          tpu.vector_store %arg6[%swap3A_1029, %swap3A_1030], %broadcast_in_dim3A_4 {strides = array<i32>} : memref<200x128xf32, #tpu.memory_space<vmem>>, vector<16xf32>,
          %swap3A_1032 = arith.index_cast %scan3A_1020 : i32 to index
          %swap3A_1033 = arith.constant 64 : index
          %swap3A_1034 = tpu.vector_load %arg6[%swap3A_1032, %swap3A_1033] {strides = array<i32>} : memref<200x128xf32, #tpu.memory_space<vmem>>, vector<16xf32>,
          tpu.vector_store %arg6[%swap3A_1032, %swap3A_1033], %broadcast_in_dim3A_4 {strides = array<i32>} : memref<200x128xf32, #tpu.memory_space<vmem>>, vector<16xf32>,
          %swap3A_1035 = arith.index_cast %scan3A_1020 : i32 to index
          %swap3A_1036 = arith.constant 80 : index
          %swap3A_1037 = tpu.vector_load %arg6[%swap3A_1035, %swap3A_1036] {strides = array<i32>} : memref<200x128xf32, #tpu.memory_space<vmem>>, vector<16xf32>,
          tpu.vector_store %arg6[%swap3A_1035, %swap3A_1036], %broadcast_in_dim3A_4 {strides = array<i32>} : memref<200x128xf32, #tpu.memory_space<vmem>>, vector<16xf32>,
          %swap3A_1038 = arith.index_cast %scan3A_1020 : i32 to index
          %swap3A_1039 = arith.constant 96 : index
          %swap3A_1040 = tpu.vector_load %arg6[%swap3A_1038, %swap3A_1039] {strides = array<i32>} : memref<200x128xf32, #tpu.memory_space<vmem>>, vector<16xf32>,
          tpu.vector_store %arg6[%swap3A_1038, %swap3A_1039], %broadcast_in_dim3A_4 {strides = array<i32>} : memref<200x128xf32, #tpu.memory_space<vmem>>, vector<16xf32>,
          %swap3A_1041 = arith.index_cast %scan3A_1020 : i32 to index
          %swap3A_1042 = arith.constant 112 : index
          %swap3A_1043 = tpu.vector_load %arg6[%swap3A_1041, %swap3A_1042] {strides = array<i32>} : memref<200x128xf32, #tpu.memory_space<vmem>>, vector<16xf32>,
          tpu.vector_store %arg6[%swap3A_1041, %swap3A_1042], %broadcast_in_dim3A_4 {strides = array<i32>} : memref<200x128xf32, #tpu.memory_space<vmem>>, vector<16xf32>,
        }
        %scan3A_1019 = arith.constant 200 : i32
      } else {
      }
      %gt3A_282 = arith.constant 0 : i32
      %gt3A_283 = arith.cmpi sgt, %scan3A_35, %gt3A_282 : i32
      %convert_element_type3A_284 = arith.extui %gt3A_283 : i1 to i32
      %cond3A_285 = arith.constant 0 : i32
      %cond3A_286 = arith.cmpi ne, %convert_element_type3A_284, %cond3A_285 : i32
      scf.if %cond3A_286 {
        %sub3A_1014 = arith.constant 4 : i32
        %sub3A_1015 = arith.subi %add3A_276, %sub3A_1014 : i32
        %jit3A_1016 = arith.constant 5 : i32
        %div3A_1017 = arith.divsi %sub3A_1015, %jit3A_1016 : i32
        %sign3A_1018 = arith.constant 0 : i32
        %sign3A_1019 = arith.cmpi sgt, %sub3A_1015, %sign3A_1018 : i32
        %sign3A_1020 = arith.extui %sign3A_1019 : i1 to i32
        %sign3A_1021 = arith.constant 0 : i32
        %sign3A_1022 = arith.cmpi slt, %sub3A_1015, %sign3A_1021 : i32
        %sign3A_1023 = arith.extui %sign3A_1022 : i1 to i32
        %sign3A_1024 = arith.subi %sign3A_1020, %sign3A_1023 : i32
        %sign3A_1025 = arith.constant 0 : i32
        %sign3A_1026 = arith.cmpi sgt, %jit3A_1016, %sign3A_1025 : i32
        %sign3A_1027 = arith.extui %sign3A_1026 : i1 to i32
        %sign3A_1028 = arith.constant 0 : i32
        %sign3A_1029 = arith.cmpi slt, %jit3A_1016, %sign3A_1028 : i32
        %sign3A_1030 = arith.extui %sign3A_1029 : i1 to i32
        %sign3A_1031 = arith.subi %sign3A_1027, %sign3A_1030 : i32
        %ne3A_1032 = arith.cmpi ne, %sign3A_1024, %sign3A_1031 : i32
        %rem3A_1033 = arith.remsi %sub3A_1015, %jit3A_1016 : i32
        %ne3A_1034 = arith.constant 0 : i32
        %ne3A_1035 = arith.cmpi ne, %rem3A_1033, %ne3A_1034 : i32
        %and3A_1036 = arith.andi %ne3A_1032, %ne3A_1035 : i1
        %sub3A_1037 = arith.constant 1 : i32
        %sub3A_1038 = arith.subi %div3A_1017, %sub3A_1037 : i32
        %select_n3A_1039 = arith.select %and3A_1036, %sub3A_1038, %div3A_1017 : i32
        %jit3A_1040 = arith.constant 5 : i32
        %eq3A_1041 = arith.constant 0 : i32
        %eq3A_1042 = arith.cmpi eq, %jit3A_1040, %eq3A_1041 : i32
        %jit3A_1043 = arith.constant 1 : i32
        %select_n3A_1044 = arith.select %eq3A_1042, %jit3A_1043, %jit3A_1040 : i32
        %rem3A_1045 = arith.remsi %sub3A_1015, %select_n3A_1044 : i32
        %ne3A_1046 = arith.constant 0 : i32
        %ne3A_1047 = arith.cmpi ne, %rem3A_1045, %ne3A_1046 : i32
        %lt3A_1048 = arith.constant 0 : i32
        %lt3A_1049 = arith.cmpi slt, %rem3A_1045, %lt3A_1048 : i32
        %lt3A_1050 = arith.constant 0 : i32
        %lt3A_1051 = arith.cmpi slt, %select_n3A_1044, %lt3A_1050 : i32
        %ne3A_1052 = arith.xori %lt3A_1049, %lt3A_1051 : i1
        %and3A_1053 = arith.andi %ne3A_1052, %ne3A_1047 : i1
        %add3A_1054 = arith.addi %rem3A_1045, %select_n3A_1044 : i32
        %select_n3A_1055 = arith.select %and3A_1053, %add3A_1054, %rem3A_1045 : i32
        %mul3A_1056 = arith.constant 200 : i32
        %mul3A_1057 = arith.muli %select_n3A_1055, %mul3A_1056 : i32
        %mul3A_1058 = arith.constant 128 : i32
        %mul3A_1059 = arith.muli %select_n3A_1039, %mul3A_1058 : i32
        %add3A_1060 = arith.addi %mul3A_2, %mul3A_1059 : i32
        %dma_wait3A_1061 = tpu.memref_slice %arg3[%mul3A_1057, %add3A_1060] : memref<1000x16384xf32, #tpu.memory_space<hbm>> -> memref<200x128xf32, #tpu.memory_space<hbm>>
        %dma_wait3A_1062 = tpu.memref_slice %arg3[%mul3A_1057, %add3A_1060] : memref<1000x16384xf32, #tpu.memory_space<hbm>> -> memref<200x128xf32, #tpu.memory_space<hbm>>
        tpu.wait_dma2 semaphore(%arg10 : memref<!tpu.dma_semaphore, #tpu.memory_space<semaphore_mem>>) src(%arg6 : memref<200x128xf32, #tpu.memory_space<vmem>>) dst(%dma_wait3A_1062 : memref<200x128xf32, #tpu.memory_space<hbm>>)
        %sub3A_1063 = arith.constant 4 : i32
        %sub3A_1064 = arith.subi %add3A_276, %sub3A_1063 : i32
        %jit3A_1065 = arith.constant 5 : i32
        %div3A_1066 = arith.divsi %sub3A_1064, %jit3A_1065 : i32
        %sign3A_1067 = arith.constant 0 : i32
        %sign3A_1068 = arith.cmpi sgt, %sub3A_1064, %sign3A_1067 : i32
        %sign3A_1069 = arith.extui %sign3A_1068 : i1 to i32
        %sign3A_1070 = arith.constant 0 : i32
        %sign3A_1071 = arith.cmpi slt, %sub3A_1064, %sign3A_1070 : i32
        %sign3A_1072 = arith.extui %sign3A_1071 : i1 to i32
        %sign3A_1073 = arith.subi %sign3A_1069, %sign3A_1072 : i32
        %sign3A_1074 = arith.constant 0 : i32
        %sign3A_1075 = arith.cmpi sgt, %jit3A_1065, %sign3A_1074 : i32
        %sign3A_1076 = arith.extui %sign3A_1075 : i1 to i32
        %sign3A_1077 = arith.constant 0 : i32
        %sign3A_1078 = arith.cmpi slt, %jit3A_1065, %sign3A_1077 : i32
        %sign3A_1079 = arith.extui %sign3A_1078 : i1 to i32
        %sign3A_1080 = arith.subi %sign3A_1076, %sign3A_1079 : i32
        %ne3A_1081 = arith.cmpi ne, %sign3A_1073, %sign3A_1080 : i32
        %rem3A_1082 = arith.remsi %sub3A_1064, %jit3A_1065 : i32
        %ne3A_1083 = arith.constant 0 : i32
        %ne3A_1084 = arith.cmpi ne, %rem3A_1082, %ne3A_1083 : i32
        %and3A_1085 = arith.andi %ne3A_1081, %ne3A_1084 : i1
        %sub3A_1086 = arith.constant 1 : i32
        %sub3A_1087 = arith.subi %div3A_1066, %sub3A_1086 : i32
        %select_n3A_1088 = arith.select %and3A_1085, %sub3A_1087, %div3A_1066 : i32
        %jit3A_1089 = arith.constant 5 : i32
        %eq3A_1090 = arith.constant 0 : i32
        %eq3A_1091 = arith.cmpi eq, %jit3A_1089, %eq3A_1090 : i32
        %jit3A_1092 = arith.constant 1 : i32
        %select_n3A_1093 = arith.select %eq3A_1091, %jit3A_1092, %jit3A_1089 : i32
        %rem3A_1094 = arith.remsi %sub3A_1064, %select_n3A_1093 : i32
        %ne3A_1095 = arith.constant 0 : i32
        %ne3A_1096 = arith.cmpi ne, %rem3A_1094, %ne3A_1095 : i32
        %lt3A_1097 = arith.constant 0 : i32
        %lt3A_1098 = arith.cmpi slt, %rem3A_1094, %lt3A_1097 : i32
        %lt3A_1099 = arith.constant 0 : i32
        %lt3A_1100 = arith.cmpi slt, %select_n3A_1093, %lt3A_1099 : i32
        %ne3A_1101 = arith.xori %lt3A_1098, %lt3A_1100 : i1
        %and3A_1102 = arith.andi %ne3A_1101, %ne3A_1096 : i1
        %add3A_1103 = arith.addi %rem3A_1094, %select_n3A_1093 : i32
        %select_n3A_1104 = arith.select %and3A_1102, %add3A_1103, %rem3A_1094 : i32
        %mul3A_1105 = arith.constant 200 : i32
        %mul3A_1106 = arith.muli %select_n3A_1104, %mul3A_1105 : i32
        %mul3A_1107 = arith.constant 128 : i32
        %mul3A_1108 = arith.muli %select_n3A_1088, %mul3A_1107 : i32
        %add3A_1109 = arith.constant 0 : i32
        %add3A_1110 = arith.addi %mul3A_1108, %add3A_1109 : i32
        %get3A_1111 = arith.index_cast %add3A_1110 : i32 to index
        %get3A_1112 = tpu.vector_load %arg4[%get3A_1111] {strides = array<i32>} : memref<512xi32, #tpu.memory_space<vmem>>, vector<16xi32>,
        %ge3A_1113 = vector.broadcast %mul3A_1106 : i32 to vector<16xi32>
        %ge3A_1114 = arith.cmpi sge, %get3A_1112, %ge3A_1113 : vector<16xi32>
        %add3A_1115 = arith.constant 200 : i32
        %add3A_1116 = arith.addi %mul3A_1106, %add3A_1115 : i32
        %lt3A_1117 = vector.broadcast %add3A_1116 : i32 to vector<16xi32>
        %lt3A_1118 = arith.cmpi slt, %get3A_1112, %lt3A_1117 : vector<16xi32>
        %and3A_1119 = arith.andi %ge3A_1114, %lt3A_1118 : vector<16xi1>
        %sub3A_1120 = vector.broadcast %mul3A_1106 : i32 to vector<16xi32>
        %sub3A_1121 = arith.subi %get3A_1112, %sub3A_1120 : vector<16xi32>
        %add3A_1122 = arith.constant 0 : i32
        %add3A_1123 = vector.broadcast %add3A_1122 : i32 to vector<16xi32>
        %add3A_1124 = arith.addi %add3A_1123, %iota3A : vector<16xi32>
        tpu.vector_store_idx %arg6[%sub3A_1121, %add3A_1124], %broadcast_in_dim3A_4 masked %and3A_1119 : memref<200x128xf32, #tpu.memory_space<vmem>>[vector<16xi32>, vector<16xi32>], vector<16xf32>, vector<16xi1>
        %mul3A_1125 = arith.constant 128 : i32
        %mul3A_1126 = arith.muli %select_n3A_1088, %mul3A_1125 : i32
        %add3A_1127 = arith.constant 16 : i32
        %add3A_1128 = arith.addi %mul3A_1126, %add3A_1127 : i32
        %get3A_1129 = arith.index_cast %add3A_1128 : i32 to index
        %get3A_1130 = tpu.vector_load %arg4[%get3A_1129] {strides = array<i32>} : memref<512xi32, #tpu.memory_space<vmem>>, vector<16xi32>,
        %ge3A_1131 = vector.broadcast %mul3A_1106 : i32 to vector<16xi32>
        %ge3A_1132 = arith.cmpi sge, %get3A_1130, %ge3A_1131 : vector<16xi32>
        %add3A_1133 = arith.constant 200 : i32
        %add3A_1134 = arith.addi %mul3A_1106, %add3A_1133 : i32
        %lt3A_1135 = vector.broadcast %add3A_1134 : i32 to vector<16xi32>
        %lt3A_1136 = arith.cmpi slt, %get3A_1130, %lt3A_1135 : vector<16xi32>
        %and3A_1137 = arith.andi %ge3A_1132, %lt3A_1136 : vector<16xi1>
        %sub3A_1138 = vector.broadcast %mul3A_1106 : i32 to vector<16xi32>
        %sub3A_1139 = arith.subi %get3A_1130, %sub3A_1138 : vector<16xi32>
        %add3A_1140 = arith.constant 16 : i32
        %add3A_1141 = vector.broadcast %add3A_1140 : i32 to vector<16xi32>
        %add3A_1142 = arith.addi %add3A_1141, %iota3A : vector<16xi32>
        tpu.vector_store_idx %arg6[%sub3A_1139, %add3A_1142], %broadcast_in_dim3A_4 masked %and3A_1137 : memref<200x128xf32, #tpu.memory_space<vmem>>[vector<16xi32>, vector<16xi32>], vector<16xf32>, vector<16xi1>
        %mul3A_1143 = arith.constant 128 : i32
        %mul3A_1144 = arith.muli %select_n3A_1088, %mul3A_1143 : i32
        %add3A_1145 = arith.constant 32 : i32
        %add3A_1146 = arith.addi %mul3A_1144, %add3A_1145 : i32
        %get3A_1147 = arith.index_cast %add3A_1146 : i32 to index
        %get3A_1148 = tpu.vector_load %arg4[%get3A_1147] {strides = array<i32>} : memref<512xi32, #tpu.memory_space<vmem>>, vector<16xi32>,
        %ge3A_1149 = vector.broadcast %mul3A_1106 : i32 to vector<16xi32>
        %ge3A_1150 = arith.cmpi sge, %get3A_1148, %ge3A_1149 : vector<16xi32>
        %add3A_1151 = arith.constant 200 : i32
        %add3A_1152 = arith.addi %mul3A_1106, %add3A_1151 : i32
        %lt3A_1153 = vector.broadcast %add3A_1152 : i32 to vector<16xi32>
        %lt3A_1154 = arith.cmpi slt, %get3A_1148, %lt3A_1153 : vector<16xi32>
        %and3A_1155 = arith.andi %ge3A_1150, %lt3A_1154 : vector<16xi1>
        %sub3A_1156 = vector.broadcast %mul3A_1106 : i32 to vector<16xi32>
        %sub3A_1157 = arith.subi %get3A_1148, %sub3A_1156 : vector<16xi32>
        %add3A_1158 = arith.constant 32 : i32
        %add3A_1159 = vector.broadcast %add3A_1158 : i32 to vector<16xi32>
        %add3A_1160 = arith.addi %add3A_1159, %iota3A : vector<16xi32>
        tpu.vector_store_idx %arg6[%sub3A_1157, %add3A_1160], %broadcast_in_dim3A_4 masked %and3A_1155 : memref<200x128xf32, #tpu.memory_space<vmem>>[vector<16xi32>, vector<16xi32>], vector<16xf32>, vector<16xi1>
        %mul3A_1161 = arith.constant 128 : i32
        %mul3A_1162 = arith.muli %select_n3A_1088, %mul3A_1161 : i32
        %add3A_1163 = arith.constant 48 : i32
        %add3A_1164 = arith.addi %mul3A_1162, %add3A_1163 : i32
        %get3A_1165 = arith.index_cast %add3A_1164 : i32 to index
        %get3A_1166 = tpu.vector_load %arg4[%get3A_1165] {strides = array<i32>} : memref<512xi32, #tpu.memory_space<vmem>>, vector<16xi32>,
        %ge3A_1167 = vector.broadcast %mul3A_1106 : i32 to vector<16xi32>
        %ge3A_1168 = arith.cmpi sge, %get3A_1166, %ge3A_1167 : vector<16xi32>
        %add3A_1169 = arith.constant 200 : i32
        %add3A_1170 = arith.addi %mul3A_1106, %add3A_1169 : i32
        %lt3A_1171 = vector.broadcast %add3A_1170 : i32 to vector<16xi32>
        %lt3A_1172 = arith.cmpi slt, %get3A_1166, %lt3A_1171 : vector<16xi32>
        %and3A_1173 = arith.andi %ge3A_1168, %lt3A_1172 : vector<16xi1>
        %sub3A_1174 = vector.broadcast %mul3A_1106 : i32 to vector<16xi32>
        %sub3A_1175 = arith.subi %get3A_1166, %sub3A_1174 : vector<16xi32>
        %add3A_1176 = arith.constant 48 : i32
        %add3A_1177 = vector.broadcast %add3A_1176 : i32 to vector<16xi32>
        %add3A_1178 = arith.addi %add3A_1177, %iota3A : vector<16xi32>
        tpu.vector_store_idx %arg6[%sub3A_1175, %add3A_1178], %broadcast_in_dim3A_4 masked %and3A_1173 : memref<200x128xf32, #tpu.memory_space<vmem>>[vector<16xi32>, vector<16xi32>], vector<16xf32>, vector<16xi1>
        %mul3A_1179 = arith.constant 128 : i32
        %mul3A_1180 = arith.muli %select_n3A_1088, %mul3A_1179 : i32
        %add3A_1181 = arith.constant 64 : i32
        %add3A_1182 = arith.addi %mul3A_1180, %add3A_1181 : i32
        %get3A_1183 = arith.index_cast %add3A_1182 : i32 to index
        %get3A_1184 = tpu.vector_load %arg4[%get3A_1183] {strides = array<i32>} : memref<512xi32, #tpu.memory_space<vmem>>, vector<16xi32>,
        %ge3A_1185 = vector.broadcast %mul3A_1106 : i32 to vector<16xi32>
        %ge3A_1186 = arith.cmpi sge, %get3A_1184, %ge3A_1185 : vector<16xi32>
        %add3A_1187 = arith.constant 200 : i32
        %add3A_1188 = arith.addi %mul3A_1106, %add3A_1187 : i32
        %lt3A_1189 = vector.broadcast %add3A_1188 : i32 to vector<16xi32>
        %lt3A_1190 = arith.cmpi slt, %get3A_1184, %lt3A_1189 : vector<16xi32>
        %and3A_1191 = arith.andi %ge3A_1186, %lt3A_1190 : vector<16xi1>
        %sub3A_1192 = vector.broadcast %mul3A_1106 : i32 to vector<16xi32>
        %sub3A_1193 = arith.subi %get3A_1184, %sub3A_1192 : vector<16xi32>
        %add3A_1194 = arith.constant 64 : i32
        %add3A_1195 = vector.broadcast %add3A_1194 : i32 to vector<16xi32>
        %add3A_1196 = arith.addi %add3A_1195, %iota3A : vector<16xi32>
        tpu.vector_store_idx %arg6[%sub3A_1193, %add3A_1196], %broadcast_in_dim3A_4 masked %and3A_1191 : memref<200x128xf32, #tpu.memory_space<vmem>>[vector<16xi32>, vector<16xi32>], vector<16xf32>, vector<16xi1>
        %mul3A_1197 = arith.constant 128 : i32
        %mul3A_1198 = arith.muli %select_n3A_1088, %mul3A_1197 : i32
        %add3A_1199 = arith.constant 80 : i32
        %add3A_1200 = arith.addi %mul3A_1198, %add3A_1199 : i32
        %get3A_1201 = arith.index_cast %add3A_1200 : i32 to index
        %get3A_1202 = tpu.vector_load %arg4[%get3A_1201] {strides = array<i32>} : memref<512xi32, #tpu.memory_space<vmem>>, vector<16xi32>,
        %ge3A_1203 = vector.broadcast %mul3A_1106 : i32 to vector<16xi32>
        %ge3A_1204 = arith.cmpi sge, %get3A_1202, %ge3A_1203 : vector<16xi32>
        %add3A_1205 = arith.constant 200 : i32
        %add3A_1206 = arith.addi %mul3A_1106, %add3A_1205 : i32
        %lt3A_1207 = vector.broadcast %add3A_1206 : i32 to vector<16xi32>
        %lt3A_1208 = arith.cmpi slt, %get3A_1202, %lt3A_1207 : vector<16xi32>
        %and3A_1209 = arith.andi %ge3A_1204, %lt3A_1208 : vector<16xi1>
        %sub3A_1210 = vector.broadcast %mul3A_1106 : i32 to vector<16xi32>
        %sub3A_1211 = arith.subi %get3A_1202, %sub3A_1210 : vector<16xi32>
        %add3A_1212 = arith.constant 80 : i32
        %add3A_1213 = vector.broadcast %add3A_1212 : i32 to vector<16xi32>
        %add3A_1214 = arith.addi %add3A_1213, %iota3A : vector<16xi32>
        tpu.vector_store_idx %arg6[%sub3A_1211, %add3A_1214], %broadcast_in_dim3A_4 masked %and3A_1209 : memref<200x128xf32, #tpu.memory_space<vmem>>[vector<16xi32>, vector<16xi32>], vector<16xf32>, vector<16xi1>
        %mul3A_1215 = arith.constant 128 : i32
        %mul3A_1216 = arith.muli %select_n3A_1088, %mul3A_1215 : i32
        %add3A_1217 = arith.constant 96 : i32
        %add3A_1218 = arith.addi %mul3A_1216, %add3A_1217 : i32
        %get3A_1219 = arith.index_cast %add3A_1218 : i32 to index
        %get3A_1220 = tpu.vector_load %arg4[%get3A_1219] {strides = array<i32>} : memref<512xi32, #tpu.memory_space<vmem>>, vector<16xi32>,
        %ge3A_1221 = vector.broadcast %mul3A_1106 : i32 to vector<16xi32>
        %ge3A_1222 = arith.cmpi sge, %get3A_1220, %ge3A_1221 : vector<16xi32>
        %add3A_1223 = arith.constant 200 : i32
        %add3A_1224 = arith.addi %mul3A_1106, %add3A_1223 : i32
        %lt3A_1225 = vector.broadcast %add3A_1224 : i32 to vector<16xi32>
        %lt3A_1226 = arith.cmpi slt, %get3A_1220, %lt3A_1225 : vector<16xi32>
        %and3A_1227 = arith.andi %ge3A_1222, %lt3A_1226 : vector<16xi1>
        %sub3A_1228 = vector.broadcast %mul3A_1106 : i32 to vector<16xi32>
        %sub3A_1229 = arith.subi %get3A_1220, %sub3A_1228 : vector<16xi32>
        %add3A_1230 = arith.constant 96 : i32
        %add3A_1231 = vector.broadcast %add3A_1230 : i32 to vector<16xi32>
        %add3A_1232 = arith.addi %add3A_1231, %iota3A : vector<16xi32>
        tpu.vector_store_idx %arg6[%sub3A_1229, %add3A_1232], %broadcast_in_dim3A_4 masked %and3A_1227 : memref<200x128xf32, #tpu.memory_space<vmem>>[vector<16xi32>, vector<16xi32>], vector<16xf32>, vector<16xi1>
        %mul3A_1233 = arith.constant 128 : i32
        %mul3A_1234 = arith.muli %select_n3A_1088, %mul3A_1233 : i32
        %add3A_1235 = arith.constant 112 : i32
        %add3A_1236 = arith.addi %mul3A_1234, %add3A_1235 : i32
        %get3A_1237 = arith.index_cast %add3A_1236 : i32 to index
        %get3A_1238 = tpu.vector_load %arg4[%get3A_1237] {strides = array<i32>} : memref<512xi32, #tpu.memory_space<vmem>>, vector<16xi32>,
        %ge3A_1239 = vector.broadcast %mul3A_1106 : i32 to vector<16xi32>
        %ge3A_1240 = arith.cmpi sge, %get3A_1238, %ge3A_1239 : vector<16xi32>
        %add3A_1241 = arith.constant 200 : i32
        %add3A_1242 = arith.addi %mul3A_1106, %add3A_1241 : i32
        %lt3A_1243 = vector.broadcast %add3A_1242 : i32 to vector<16xi32>
        %lt3A_1244 = arith.cmpi slt, %get3A_1238, %lt3A_1243 : vector<16xi32>
        %and3A_1245 = arith.andi %ge3A_1240, %lt3A_1244 : vector<16xi1>
        %sub3A_1246 = vector.broadcast %mul3A_1106 : i32 to vector<16xi32>
        %sub3A_1247 = arith.subi %get3A_1238, %sub3A_1246 : vector<16xi32>
        %add3A_1248 = arith.constant 112 : i32
        %add3A_1249 = vector.broadcast %add3A_1248 : i32 to vector<16xi32>
        %add3A_1250 = arith.addi %add3A_1249, %iota3A : vector<16xi32>
        tpu.vector_store_idx %arg6[%sub3A_1247, %add3A_1250], %broadcast_in_dim3A_4 masked %and3A_1245 : memref<200x128xf32, #tpu.memory_space<vmem>>[vector<16xi32>, vector<16xi32>], vector<16xf32>, vector<16xi1>
      } else {
      }
      %jit3A_287 = arith.constant 5 : i32
      %div3A_288 = arith.divsi %add3A_276, %jit3A_287 : i32
      %sign3A_289 = arith.constant 0 : i32
      %sign3A_290 = arith.cmpi sgt, %add3A_276, %sign3A_289 : i32
      %sign3A_291 = arith.extui %sign3A_290 : i1 to i32
      %sign3A_292 = arith.constant 0 : i32
      %sign3A_293 = arith.cmpi slt, %add3A_276, %sign3A_292 : i32
      %sign3A_294 = arith.extui %sign3A_293 : i1 to i32
      %sign3A_295 = arith.subi %sign3A_291, %sign3A_294 : i32
      %sign3A_296 = arith.constant 0 : i32
      %sign3A_297 = arith.cmpi sgt, %jit3A_287, %sign3A_296 : i32
      %sign3A_298 = arith.extui %sign3A_297 : i1 to i32
      %sign3A_299 = arith.constant 0 : i32
      %sign3A_300 = arith.cmpi slt, %jit3A_287, %sign3A_299 : i32
      %sign3A_301 = arith.extui %sign3A_300 : i1 to i32
      %sign3A_302 = arith.subi %sign3A_298, %sign3A_301 : i32
      %ne3A_303 = arith.cmpi ne, %sign3A_295, %sign3A_302 : i32
      %rem3A_304 = arith.remsi %add3A_276, %jit3A_287 : i32
      %ne3A_305 = arith.constant 0 : i32
      %ne3A_306 = arith.cmpi ne, %rem3A_304, %ne3A_305 : i32
      %and3A_307 = arith.andi %ne3A_303, %ne3A_306 : i1
      %sub3A_308 = arith.constant 1 : i32
      %sub3A_309 = arith.subi %div3A_288, %sub3A_308 : i32
      %select_n3A_310 = arith.select %and3A_307, %sub3A_309, %div3A_288 : i32
      %jit3A_311 = arith.constant 5 : i32
      %eq3A_312 = arith.constant 0 : i32
      %eq3A_313 = arith.cmpi eq, %jit3A_311, %eq3A_312 : i32
      %jit3A_314 = arith.constant 1 : i32
      %select_n3A_315 = arith.select %eq3A_313, %jit3A_314, %jit3A_311 : i32
      %rem3A_316 = arith.remsi %add3A_276, %select_n3A_315 : i32
      %ne3A_317 = arith.constant 0 : i32
      %ne3A_318 = arith.cmpi ne, %rem3A_316, %ne3A_317 : i32
      %lt3A_319 = arith.constant 0 : i32
      %lt3A_320 = arith.cmpi slt, %rem3A_316, %lt3A_319 : i32
      %lt3A_321 = arith.constant 0 : i32
      %lt3A_322 = arith.cmpi slt, %select_n3A_315, %lt3A_321 : i32
      %ne3A_323 = arith.xori %lt3A_320, %lt3A_322 : i1
      %and3A_324 = arith.andi %ne3A_323, %ne3A_318 : i1
      %add3A_325 = arith.addi %rem3A_316, %select_n3A_315 : i32
      %select_n3A_326 = arith.select %and3A_324, %add3A_325, %rem3A_316 : i32
      %mul3A_327 = arith.constant 200 : i32
      %mul3A_328 = arith.muli %select_n3A_326, %mul3A_327 : i32
      %mul3A_329 = arith.constant 128 : i32
      %mul3A_330 = arith.muli %select_n3A_310, %mul3A_329 : i32
      %add3A_331 = arith.constant 0 : i32
      %add3A_332 = arith.addi %mul3A_330, %add3A_331 : i32
      %get3A_333 = arith.index_cast %add3A_332 : i32 to index
      %get3A_334 = tpu.vector_load %arg4[%get3A_333] {strides = array<i32>} : memref<512xi32, #tpu.memory_space<vmem>>, vector<16xi32>,
      %ge3A_335 = vector.broadcast %mul3A_328 : i32 to vector<16xi32>
      %ge3A_336 = arith.cmpi sge, %get3A_334, %ge3A_335 : vector<16xi32>
      %add3A_337 = arith.constant 200 : i32
      %add3A_338 = arith.addi %mul3A_328, %add3A_337 : i32
      %lt3A_339 = vector.broadcast %add3A_338 : i32 to vector<16xi32>
      %lt3A_340 = arith.cmpi slt, %get3A_334, %lt3A_339 : vector<16xi32>
      %and3A_341 = arith.andi %ge3A_336, %lt3A_340 : vector<16xi1>
      %sub3A_342 = vector.broadcast %mul3A_328 : i32 to vector<16xi32>
      %sub3A_343 = arith.subi %get3A_334, %sub3A_342 : vector<16xi32>
      %add3A_344 = arith.constant 0 : i32
      %add3A_345 = vector.broadcast %add3A_344 : i32 to vector<16xi32>
      %add3A_346 = arith.addi %add3A_345, %iota3A : vector<16xi32>
      tpu.vector_store_idx %arg6[%sub3A_343, %add3A_346], %broadcast_in_dim3A_6 masked %and3A_341 : memref<200x128xf32, #tpu.memory_space<vmem>>[vector<16xi32>, vector<16xi32>], vector<16xf32>, vector<16xi1>
      %mul3A_347 = arith.constant 128 : i32
      %mul3A_348 = arith.muli %select_n3A_310, %mul3A_347 : i32
      %add3A_349 = arith.constant 16 : i32
      %add3A_350 = arith.addi %mul3A_348, %add3A_349 : i32
      %get3A_351 = arith.index_cast %add3A_350 : i32 to index
      %get3A_352 = tpu.vector_load %arg4[%get3A_351] {strides = array<i32>} : memref<512xi32, #tpu.memory_space<vmem>>, vector<16xi32>,
      %ge3A_353 = vector.broadcast %mul3A_328 : i32 to vector<16xi32>
      %ge3A_354 = arith.cmpi sge, %get3A_352, %ge3A_353 : vector<16xi32>
      %add3A_355 = arith.constant 200 : i32
      %add3A_356 = arith.addi %mul3A_328, %add3A_355 : i32
      %lt3A_357 = vector.broadcast %add3A_356 : i32 to vector<16xi32>
      %lt3A_358 = arith.cmpi slt, %get3A_352, %lt3A_357 : vector<16xi32>
      %and3A_359 = arith.andi %ge3A_354, %lt3A_358 : vector<16xi1>
      %sub3A_360 = vector.broadcast %mul3A_328 : i32 to vector<16xi32>
      %sub3A_361 = arith.subi %get3A_352, %sub3A_360 : vector<16xi32>
      %add3A_362 = arith.constant 16 : i32
      %add3A_363 = vector.broadcast %add3A_362 : i32 to vector<16xi32>
      %add3A_364 = arith.addi %add3A_363, %iota3A : vector<16xi32>
      tpu.vector_store_idx %arg6[%sub3A_361, %add3A_364], %broadcast_in_dim3A_6 masked %and3A_359 : memref<200x128xf32, #tpu.memory_space<vmem>>[vector<16xi32>, vector<16xi32>], vector<16xf32>, vector<16xi1>
      %mul3A_365 = arith.constant 128 : i32
      %mul3A_366 = arith.muli %select_n3A_310, %mul3A_365 : i32
      %add3A_367 = arith.constant 32 : i32
      %add3A_368 = arith.addi %mul3A_366, %add3A_367 : i32
      %get3A_369 = arith.index_cast %add3A_368 : i32 to index
      %get3A_370 = tpu.vector_load %arg4[%get3A_369] {strides = array<i32>} : memref<512xi32, #tpu.memory_space<vmem>>, vector<16xi32>,
      %ge3A_371 = vector.broadcast %mul3A_328 : i32 to vector<16xi32>
      %ge3A_372 = arith.cmpi sge, %get3A_370, %ge3A_371 : vector<16xi32>
      %add3A_373 = arith.constant 200 : i32
      %add3A_374 = arith.addi %mul3A_328, %add3A_373 : i32
      %lt3A_375 = vector.broadcast %add3A_374 : i32 to vector<16xi32>
      %lt3A_376 = arith.cmpi slt, %get3A_370, %lt3A_375 : vector<16xi32>
      %and3A_377 = arith.andi %ge3A_372, %lt3A_376 : vector<16xi1>
      %sub3A_378 = vector.broadcast %mul3A_328 : i32 to vector<16xi32>
      %sub3A_379 = arith.subi %get3A_370, %sub3A_378 : vector<16xi32>
      %add3A_380 = arith.constant 32 : i32
      %add3A_381 = vector.broadcast %add3A_380 : i32 to vector<16xi32>
      %add3A_382 = arith.addi %add3A_381, %iota3A : vector<16xi32>
      tpu.vector_store_idx %arg6[%sub3A_379, %add3A_382], %broadcast_in_dim3A_6 masked %and3A_377 : memref<200x128xf32, #tpu.memory_space<vmem>>[vector<16xi32>, vector<16xi32>], vector<16xf32>, vector<16xi1>
      %mul3A_383 = arith.constant 128 : i32
      %mul3A_384 = arith.muli %select_n3A_310, %mul3A_383 : i32
      %add3A_385 = arith.constant 48 : i32
      %add3A_386 = arith.addi %mul3A_384, %add3A_385 : i32
      %get3A_387 = arith.index_cast %add3A_386 : i32 to index
      %get3A_388 = tpu.vector_load %arg4[%get3A_387] {strides = array<i32>} : memref<512xi32, #tpu.memory_space<vmem>>, vector<16xi32>,
      %ge3A_389 = vector.broadcast %mul3A_328 : i32 to vector<16xi32>
      %ge3A_390 = arith.cmpi sge, %get3A_388, %ge3A_389 : vector<16xi32>
      %add3A_391 = arith.constant 200 : i32
      %add3A_392 = arith.addi %mul3A_328, %add3A_391 : i32
      %lt3A_393 = vector.broadcast %add3A_392 : i32 to vector<16xi32>
      %lt3A_394 = arith.cmpi slt, %get3A_388, %lt3A_393 : vector<16xi32>
      %and3A_395 = arith.andi %ge3A_390, %lt3A_394 : vector<16xi1>
      %sub3A_396 = vector.broadcast %mul3A_328 : i32 to vector<16xi32>
      %sub3A_397 = arith.subi %get3A_388, %sub3A_396 : vector<16xi32>
      %add3A_398 = arith.constant 48 : i32
      %add3A_399 = vector.broadcast %add3A_398 : i32 to vector<16xi32>
      %add3A_400 = arith.addi %add3A_399, %iota3A : vector<16xi32>
      tpu.vector_store_idx %arg6[%sub3A_397, %add3A_400], %broadcast_in_dim3A_6 masked %and3A_395 : memref<200x128xf32, #tpu.memory_space<vmem>>[vector<16xi32>, vector<16xi32>], vector<16xf32>, vector<16xi1>
      %mul3A_401 = arith.constant 128 : i32
      %mul3A_402 = arith.muli %select_n3A_310, %mul3A_401 : i32
      %add3A_403 = arith.constant 64 : i32
      %add3A_404 = arith.addi %mul3A_402, %add3A_403 : i32
      %get3A_405 = arith.index_cast %add3A_404 : i32 to index
      %get3A_406 = tpu.vector_load %arg4[%get3A_405] {strides = array<i32>} : memref<512xi32, #tpu.memory_space<vmem>>, vector<16xi32>,
      %ge3A_407 = vector.broadcast %mul3A_328 : i32 to vector<16xi32>
      %ge3A_408 = arith.cmpi sge, %get3A_406, %ge3A_407 : vector<16xi32>
      %add3A_409 = arith.constant 200 : i32
      %add3A_410 = arith.addi %mul3A_328, %add3A_409 : i32
      %lt3A_411 = vector.broadcast %add3A_410 : i32 to vector<16xi32>
      %lt3A_412 = arith.cmpi slt, %get3A_406, %lt3A_411 : vector<16xi32>
      %and3A_413 = arith.andi %ge3A_408, %lt3A_412 : vector<16xi1>
      %sub3A_414 = vector.broadcast %mul3A_328 : i32 to vector<16xi32>
      %sub3A_415 = arith.subi %get3A_406, %sub3A_414 : vector<16xi32>
      %add3A_416 = arith.constant 64 : i32
      %add3A_417 = vector.broadcast %add3A_416 : i32 to vector<16xi32>
      %add3A_418 = arith.addi %add3A_417, %iota3A : vector<16xi32>
      tpu.vector_store_idx %arg6[%sub3A_415, %add3A_418], %broadcast_in_dim3A_6 masked %and3A_413 : memref<200x128xf32, #tpu.memory_space<vmem>>[vector<16xi32>, vector<16xi32>], vector<16xf32>, vector<16xi1>
      %mul3A_419 = arith.constant 128 : i32
      %mul3A_420 = arith.muli %select_n3A_310, %mul3A_419 : i32
      %add3A_421 = arith.constant 80 : i32
      %add3A_422 = arith.addi %mul3A_420, %add3A_421 : i32
      %get3A_423 = arith.index_cast %add3A_422 : i32 to index
      %get3A_424 = tpu.vector_load %arg4[%get3A_423] {strides = array<i32>} : memref<512xi32, #tpu.memory_space<vmem>>, vector<16xi32>,
      %ge3A_425 = vector.broadcast %mul3A_328 : i32 to vector<16xi32>
      %ge3A_426 = arith.cmpi sge, %get3A_424, %ge3A_425 : vector<16xi32>
      %add3A_427 = arith.constant 200 : i32
      %add3A_428 = arith.addi %mul3A_328, %add3A_427 : i32
      %lt3A_429 = vector.broadcast %add3A_428 : i32 to vector<16xi32>
      %lt3A_430 = arith.cmpi slt, %get3A_424, %lt3A_429 : vector<16xi32>
      %and3A_431 = arith.andi %ge3A_426, %lt3A_430 : vector<16xi1>
      %sub3A_432 = vector.broadcast %mul3A_328 : i32 to vector<16xi32>
      %sub3A_433 = arith.subi %get3A_424, %sub3A_432 : vector<16xi32>
      %add3A_434 = arith.constant 80 : i32
      %add3A_435 = vector.broadcast %add3A_434 : i32 to vector<16xi32>
      %add3A_436 = arith.addi %add3A_435, %iota3A : vector<16xi32>
      tpu.vector_store_idx %arg6[%sub3A_433, %add3A_436], %broadcast_in_dim3A_6 masked %and3A_431 : memref<200x128xf32, #tpu.memory_space<vmem>>[vector<16xi32>, vector<16xi32>], vector<16xf32>, vector<16xi1>
      %mul3A_437 = arith.constant 128 : i32
      %mul3A_438 = arith.muli %select_n3A_310, %mul3A_437 : i32
      %add3A_439 = arith.constant 96 : i32
      %add3A_440 = arith.addi %mul3A_438, %add3A_439 : i32
      %get3A_441 = arith.index_cast %add3A_440 : i32 to index
      %get3A_442 = tpu.vector_load %arg4[%get3A_441] {strides = array<i32>} : memref<512xi32, #tpu.memory_space<vmem>>, vector<16xi32>,
      %ge3A_443 = vector.broadcast %mul3A_328 : i32 to vector<16xi32>
      %ge3A_444 = arith.cmpi sge, %get3A_442, %ge3A_443 : vector<16xi32>
      %add3A_445 = arith.constant 200 : i32
      %add3A_446 = arith.addi %mul3A_328, %add3A_445 : i32
      %lt3A_447 = vector.broadcast %add3A_446 : i32 to vector<16xi32>
      %lt3A_448 = arith.cmpi slt, %get3A_442, %lt3A_447 : vector<16xi32>
      %and3A_449 = arith.andi %ge3A_444, %lt3A_448 : vector<16xi1>
      %sub3A_450 = vector.broadcast %mul3A_328 : i32 to vector<16xi32>
      %sub3A_451 = arith.subi %get3A_442, %sub3A_450 : vector<16xi32>
      %add3A_452 = arith.constant 96 : i32
      %add3A_453 = vector.broadcast %add3A_452 : i32 to vector<16xi32>
      %add3A_454 = arith.addi %add3A_453, %iota3A : vector<16xi32>
      tpu.vector_store_idx %arg6[%sub3A_451, %add3A_454], %broadcast_in_dim3A_6 masked %and3A_449 : memref<200x128xf32, #tpu.memory_space<vmem>>[vector<16xi32>, vector<16xi32>], vector<16xf32>, vector<16xi1>
      %mul3A_455 = arith.constant 128 : i32
      %mul3A_456 = arith.muli %select_n3A_310, %mul3A_455 : i32
      %add3A_457 = arith.constant 112 : i32
      %add3A_458 = arith.addi %mul3A_456, %add3A_457 : i32
      %get3A_459 = arith.index_cast %add3A_458 : i32 to index
      %get3A_460 = tpu.vector_load %arg4[%get3A_459] {strides = array<i32>} : memref<512xi32, #tpu.memory_space<vmem>>, vector<16xi32>,
      %ge3A_461 = vector.broadcast %mul3A_328 : i32 to vector<16xi32>
      %ge3A_462 = arith.cmpi sge, %get3A_460, %ge3A_461 : vector<16xi32>
      %add3A_463 = arith.constant 200 : i32
      %add3A_464 = arith.addi %mul3A_328, %add3A_463 : i32
      %lt3A_465 = vector.broadcast %add3A_464 : i32 to vector<16xi32>
      %lt3A_466 = arith.cmpi slt, %get3A_460, %lt3A_465 : vector<16xi32>
      %and3A_467 = arith.andi %ge3A_462, %lt3A_466 : vector<16xi1>
      %sub3A_468 = vector.broadcast %mul3A_328 : i32 to vector<16xi32>
      %sub3A_469 = arith.subi %get3A_460, %sub3A_468 : vector<16xi32>
      %add3A_470 = arith.constant 112 : i32
      %add3A_471 = vector.broadcast %add3A_470 : i32 to vector<16xi32>
      %add3A_472 = arith.addi %add3A_471, %iota3A : vector<16xi32>
      tpu.vector_store_idx %arg6[%sub3A_469, %add3A_472], %broadcast_in_dim3A_6 masked %and3A_467 : memref<200x128xf32, #tpu.memory_space<vmem>>[vector<16xi32>, vector<16xi32>], vector<16xf32>, vector<16xi1>
      %jit3A_473 = arith.constant 5 : i32
      %div3A_474 = arith.divsi %add3A_276, %jit3A_473 : i32
      %sign3A_475 = arith.constant 0 : i32
      %sign3A_476 = arith.cmpi sgt, %add3A_276, %sign3A_475 : i32
      %sign3A_477 = arith.extui %sign3A_476 : i1 to i32
      %sign3A_478 = arith.constant 0 : i32
      %sign3A_479 = arith.cmpi slt, %add3A_276, %sign3A_478 : i32
      %sign3A_480 = arith.extui %sign3A_479 : i1 to i32
      %sign3A_481 = arith.subi %sign3A_477, %sign3A_480 : i32
      %sign3A_482 = arith.constant 0 : i32
      %sign3A_483 = arith.cmpi sgt, %jit3A_473, %sign3A_482 : i32
      %sign3A_484 = arith.extui %sign3A_483 : i1 to i32
      %sign3A_485 = arith.constant 0 : i32
      %sign3A_486 = arith.cmpi slt, %jit3A_473, %sign3A_485 : i32
      %sign3A_487 = arith.extui %sign3A_486 : i1 to i32
      %sign3A_488 = arith.subi %sign3A_484, %sign3A_487 : i32
      %ne3A_489 = arith.cmpi ne, %sign3A_481, %sign3A_488 : i32
      %rem3A_490 = arith.remsi %add3A_276, %jit3A_473 : i32
      %ne3A_491 = arith.constant 0 : i32
      %ne3A_492 = arith.cmpi ne, %rem3A_490, %ne3A_491 : i32
      %and3A_493 = arith.andi %ne3A_489, %ne3A_492 : i1
      %sub3A_494 = arith.constant 1 : i32
      %sub3A_495 = arith.subi %div3A_474, %sub3A_494 : i32
      %select_n3A_496 = arith.select %and3A_493, %sub3A_495, %div3A_474 : i32
      %jit3A_497 = arith.constant 5 : i32
      %eq3A_498 = arith.constant 0 : i32
      %eq3A_499 = arith.cmpi eq, %jit3A_497, %eq3A_498 : i32
      %jit3A_500 = arith.constant 1 : i32
      %select_n3A_501 = arith.select %eq3A_499, %jit3A_500, %jit3A_497 : i32
      %rem3A_502 = arith.remsi %add3A_276, %select_n3A_501 : i32
      %ne3A_503 = arith.constant 0 : i32
      %ne3A_504 = arith.cmpi ne, %rem3A_502, %ne3A_503 : i32
      %lt3A_505 = arith.constant 0 : i32
      %lt3A_506 = arith.cmpi slt, %rem3A_502, %lt3A_505 : i32
      %lt3A_507 = arith.constant 0 : i32
      %lt3A_508 = arith.cmpi slt, %select_n3A_501, %lt3A_507 : i32
      %ne3A_509 = arith.xori %lt3A_506, %lt3A_508 : i1
      %and3A_510 = arith.andi %ne3A_509, %ne3A_504 : i1
      %add3A_511 = arith.addi %rem3A_502, %select_n3A_501 : i32
      %select_n3A_512 = arith.select %and3A_510, %add3A_511, %rem3A_502 : i32
      %mul3A_513 = arith.constant 200 : i32
      %mul3A_514 = arith.muli %select_n3A_512, %mul3A_513 : i32
      %mul3A_515 = arith.constant 128 : i32
      %mul3A_516 = arith.muli %select_n3A_496, %mul3A_515 : i32
      %add3A_517 = arith.addi %mul3A_2, %mul3A_516 : i32
      %dma_start3A_518 = tpu.memref_slice %arg3[%mul3A_514, %add3A_517] : memref<1000x16384xf32, #tpu.memory_space<hbm>> -> memref<200x128xf32, #tpu.memory_space<hbm>>
      %dma_start3A_519 = tpu.memref_slice %arg3[%mul3A_514, %add3A_517] : memref<1000x16384xf32, #tpu.memory_space<hbm>> -> memref<200x128xf32, #tpu.memory_space<hbm>>
      tpu.enqueue_dma source(%arg6 : memref<200x128xf32, #tpu.memory_space<vmem>>) target(%dma_start3A_519 : memref<200x128xf32, #tpu.memory_space<hbm>>) target_semaphore(%arg10 : memref<!tpu.dma_semaphore, #tpu.memory_space<semaphore_mem>>)
      %mul3A_520 = arith.constant 4 : i32
      %mul3A_521 = arith.muli %scan3A_35, %mul3A_520 : i32
      %add3A_522 = arith.constant 2 : i32
      %add3A_523 = arith.addi %mul3A_521, %add3A_522 : i32
      %eq3A_524 = arith.constant 0 : i32
      %eq3A_525 = arith.cmpi eq, %scan3A_35, %eq3A_524 : i32
      %convert_element_type3A_526 = arith.extui %eq3A_525 : i1 to i32
      %cond3A_527 = arith.constant 0 : i32
      %cond3A_528 = arith.cmpi ne, %convert_element_type3A_526, %cond3A_527 : i32
      scf.if %cond3A_528 {
        %scan3A_1014 = arith.constant 0 : i32
        %scan3A_1015 = arith.constant 0 : i32
        %scan3A_1016 = arith.constant 200 : i32
        %scan3A_1017 = arith.addi %scan3A_1015, %scan3A_1016 : i32
        %scan3A_1018 = arith.constant 1 : i32
        scf.for %scan3A_1020 = %scan3A_1015 to %scan3A_1017 step %scan3A_1018  : i32 {
          %swap3A = arith.index_cast %scan3A_1020 : i32 to index
          %swap3A_1021 = arith.constant 0 : index
          %swap3A_1022 = tpu.vector_load %arg7[%swap3A, %swap3A_1021] {strides = array<i32>} : memref<200x128xf32, #tpu.memory_space<vmem>>, vector<16xf32>,
          tpu.vector_store %arg7[%swap3A, %swap3A_1021], %broadcast_in_dim3A_4 {strides = array<i32>} : memref<200x128xf32, #tpu.memory_space<vmem>>, vector<16xf32>,
          %swap3A_1023 = arith.index_cast %scan3A_1020 : i32 to index
          %swap3A_1024 = arith.constant 16 : index
          %swap3A_1025 = tpu.vector_load %arg7[%swap3A_1023, %swap3A_1024] {strides = array<i32>} : memref<200x128xf32, #tpu.memory_space<vmem>>, vector<16xf32>,
          tpu.vector_store %arg7[%swap3A_1023, %swap3A_1024], %broadcast_in_dim3A_4 {strides = array<i32>} : memref<200x128xf32, #tpu.memory_space<vmem>>, vector<16xf32>,
          %swap3A_1026 = arith.index_cast %scan3A_1020 : i32 to index
          %swap3A_1027 = arith.constant 32 : index
          %swap3A_1028 = tpu.vector_load %arg7[%swap3A_1026, %swap3A_1027] {strides = array<i32>} : memref<200x128xf32, #tpu.memory_space<vmem>>, vector<16xf32>,
          tpu.vector_store %arg7[%swap3A_1026, %swap3A_1027], %broadcast_in_dim3A_4 {strides = array<i32>} : memref<200x128xf32, #tpu.memory_space<vmem>>, vector<16xf32>,
          %swap3A_1029 = arith.index_cast %scan3A_1020 : i32 to index
          %swap3A_1030 = arith.constant 48 : index
          %swap3A_1031 = tpu.vector_load %arg7[%swap3A_1029, %swap3A_1030] {strides = array<i32>} : memref<200x128xf32, #tpu.memory_space<vmem>>, vector<16xf32>,
          tpu.vector_store %arg7[%swap3A_1029, %swap3A_1030], %broadcast_in_dim3A_4 {strides = array<i32>} : memref<200x128xf32, #tpu.memory_space<vmem>>, vector<16xf32>,
          %swap3A_1032 = arith.index_cast %scan3A_1020 : i32 to index
          %swap3A_1033 = arith.constant 64 : index
          %swap3A_1034 = tpu.vector_load %arg7[%swap3A_1032, %swap3A_1033] {strides = array<i32>} : memref<200x128xf32, #tpu.memory_space<vmem>>, vector<16xf32>,
          tpu.vector_store %arg7[%swap3A_1032, %swap3A_1033], %broadcast_in_dim3A_4 {strides = array<i32>} : memref<200x128xf32, #tpu.memory_space<vmem>>, vector<16xf32>,
          %swap3A_1035 = arith.index_cast %scan3A_1020 : i32 to index
          %swap3A_1036 = arith.constant 80 : index
          %swap3A_1037 = tpu.vector_load %arg7[%swap3A_1035, %swap3A_1036] {strides = array<i32>} : memref<200x128xf32, #tpu.memory_space<vmem>>, vector<16xf32>,
          tpu.vector_store %arg7[%swap3A_1035, %swap3A_1036], %broadcast_in_dim3A_4 {strides = array<i32>} : memref<200x128xf32, #tpu.memory_space<vmem>>, vector<16xf32>,
          %swap3A_1038 = arith.index_cast %scan3A_1020 : i32 to index
          %swap3A_1039 = arith.constant 96 : index
          %swap3A_1040 = tpu.vector_load %arg7[%swap3A_1038, %swap3A_1039] {strides = array<i32>} : memref<200x128xf32, #tpu.memory_space<vmem>>, vector<16xf32>,
          tpu.vector_store %arg7[%swap3A_1038, %swap3A_1039], %broadcast_in_dim3A_4 {strides = array<i32>} : memref<200x128xf32, #tpu.memory_space<vmem>>, vector<16xf32>,
          %swap3A_1041 = arith.index_cast %scan3A_1020 : i32 to index
          %swap3A_1042 = arith.constant 112 : index
          %swap3A_1043 = tpu.vector_load %arg7[%swap3A_1041, %swap3A_1042] {strides = array<i32>} : memref<200x128xf32, #tpu.memory_space<vmem>>, vector<16xf32>,
          tpu.vector_store %arg7[%swap3A_1041, %swap3A_1042], %broadcast_in_dim3A_4 {strides = array<i32>} : memref<200x128xf32, #tpu.memory_space<vmem>>, vector<16xf32>,
        }
        %scan3A_1019 = arith.constant 200 : i32
      } else {
      }
      %gt3A_529 = arith.constant 0 : i32
      %gt3A_530 = arith.cmpi sgt, %scan3A_35, %gt3A_529 : i32
      %convert_element_type3A_531 = arith.extui %gt3A_530 : i1 to i32
      %cond3A_532 = arith.constant 0 : i32
      %cond3A_533 = arith.cmpi ne, %convert_element_type3A_531, %cond3A_532 : i32
      scf.if %cond3A_533 {
        %sub3A_1014 = arith.constant 4 : i32
        %sub3A_1015 = arith.subi %add3A_523, %sub3A_1014 : i32
        %jit3A_1016 = arith.constant 5 : i32
        %div3A_1017 = arith.divsi %sub3A_1015, %jit3A_1016 : i32
        %sign3A_1018 = arith.constant 0 : i32
        %sign3A_1019 = arith.cmpi sgt, %sub3A_1015, %sign3A_1018 : i32
        %sign3A_1020 = arith.extui %sign3A_1019 : i1 to i32
        %sign3A_1021 = arith.constant 0 : i32
        %sign3A_1022 = arith.cmpi slt, %sub3A_1015, %sign3A_1021 : i32
        %sign3A_1023 = arith.extui %sign3A_1022 : i1 to i32
        %sign3A_1024 = arith.subi %sign3A_1020, %sign3A_1023 : i32
        %sign3A_1025 = arith.constant 0 : i32
        %sign3A_1026 = arith.cmpi sgt, %jit3A_1016, %sign3A_1025 : i32
        %sign3A_1027 = arith.extui %sign3A_1026 : i1 to i32
        %sign3A_1028 = arith.constant 0 : i32
        %sign3A_1029 = arith.cmpi slt, %jit3A_1016, %sign3A_1028 : i32
        %sign3A_1030 = arith.extui %sign3A_1029 : i1 to i32
        %sign3A_1031 = arith.subi %sign3A_1027, %sign3A_1030 : i32
        %ne3A_1032 = arith.cmpi ne, %sign3A_1024, %sign3A_1031 : i32
        %rem3A_1033 = arith.remsi %sub3A_1015, %jit3A_1016 : i32
        %ne3A_1034 = arith.constant 0 : i32
        %ne3A_1035 = arith.cmpi ne, %rem3A_1033, %ne3A_1034 : i32
        %and3A_1036 = arith.andi %ne3A_1032, %ne3A_1035 : i1
        %sub3A_1037 = arith.constant 1 : i32
        %sub3A_1038 = arith.subi %div3A_1017, %sub3A_1037 : i32
        %select_n3A_1039 = arith.select %and3A_1036, %sub3A_1038, %div3A_1017 : i32
        %jit3A_1040 = arith.constant 5 : i32
        %eq3A_1041 = arith.constant 0 : i32
        %eq3A_1042 = arith.cmpi eq, %jit3A_1040, %eq3A_1041 : i32
        %jit3A_1043 = arith.constant 1 : i32
        %select_n3A_1044 = arith.select %eq3A_1042, %jit3A_1043, %jit3A_1040 : i32
        %rem3A_1045 = arith.remsi %sub3A_1015, %select_n3A_1044 : i32
        %ne3A_1046 = arith.constant 0 : i32
        %ne3A_1047 = arith.cmpi ne, %rem3A_1045, %ne3A_1046 : i32
        %lt3A_1048 = arith.constant 0 : i32
        %lt3A_1049 = arith.cmpi slt, %rem3A_1045, %lt3A_1048 : i32
        %lt3A_1050 = arith.constant 0 : i32
        %lt3A_1051 = arith.cmpi slt, %select_n3A_1044, %lt3A_1050 : i32
        %ne3A_1052 = arith.xori %lt3A_1049, %lt3A_1051 : i1
        %and3A_1053 = arith.andi %ne3A_1052, %ne3A_1047 : i1
        %add3A_1054 = arith.addi %rem3A_1045, %select_n3A_1044 : i32
        %select_n3A_1055 = arith.select %and3A_1053, %add3A_1054, %rem3A_1045 : i32
        %mul3A_1056 = arith.constant 200 : i32
        %mul3A_1057 = arith.muli %select_n3A_1055, %mul3A_1056 : i32
        %mul3A_1058 = arith.constant 128 : i32
        %mul3A_1059 = arith.muli %select_n3A_1039, %mul3A_1058 : i32
        %add3A_1060 = arith.addi %mul3A_2, %mul3A_1059 : i32
        %dma_wait3A_1061 = tpu.memref_slice %arg3[%mul3A_1057, %add3A_1060] : memref<1000x16384xf32, #tpu.memory_space<hbm>> -> memref<200x128xf32, #tpu.memory_space<hbm>>
        %dma_wait3A_1062 = tpu.memref_slice %arg3[%mul3A_1057, %add3A_1060] : memref<1000x16384xf32, #tpu.memory_space<hbm>> -> memref<200x128xf32, #tpu.memory_space<hbm>>
        tpu.wait_dma2 semaphore(%arg11 : memref<!tpu.dma_semaphore, #tpu.memory_space<semaphore_mem>>) src(%arg7 : memref<200x128xf32, #tpu.memory_space<vmem>>) dst(%dma_wait3A_1062 : memref<200x128xf32, #tpu.memory_space<hbm>>)
        %sub3A_1063 = arith.constant 4 : i32
        %sub3A_1064 = arith.subi %add3A_523, %sub3A_1063 : i32
        %jit3A_1065 = arith.constant 5 : i32
        %div3A_1066 = arith.divsi %sub3A_1064, %jit3A_1065 : i32
        %sign3A_1067 = arith.constant 0 : i32
        %sign3A_1068 = arith.cmpi sgt, %sub3A_1064, %sign3A_1067 : i32
        %sign3A_1069 = arith.extui %sign3A_1068 : i1 to i32
        %sign3A_1070 = arith.constant 0 : i32
        %sign3A_1071 = arith.cmpi slt, %sub3A_1064, %sign3A_1070 : i32
        %sign3A_1072 = arith.extui %sign3A_1071 : i1 to i32
        %sign3A_1073 = arith.subi %sign3A_1069, %sign3A_1072 : i32
        %sign3A_1074 = arith.constant 0 : i32
        %sign3A_1075 = arith.cmpi sgt, %jit3A_1065, %sign3A_1074 : i32
        %sign3A_1076 = arith.extui %sign3A_1075 : i1 to i32
        %sign3A_1077 = arith.constant 0 : i32
        %sign3A_1078 = arith.cmpi slt, %jit3A_1065, %sign3A_1077 : i32
        %sign3A_1079 = arith.extui %sign3A_1078 : i1 to i32
        %sign3A_1080 = arith.subi %sign3A_1076, %sign3A_1079 : i32
        %ne3A_1081 = arith.cmpi ne, %sign3A_1073, %sign3A_1080 : i32
        %rem3A_1082 = arith.remsi %sub3A_1064, %jit3A_1065 : i32
        %ne3A_1083 = arith.constant 0 : i32
        %ne3A_1084 = arith.cmpi ne, %rem3A_1082, %ne3A_1083 : i32
        %and3A_1085 = arith.andi %ne3A_1081, %ne3A_1084 : i1
        %sub3A_1086 = arith.constant 1 : i32
        %sub3A_1087 = arith.subi %div3A_1066, %sub3A_1086 : i32
        %select_n3A_1088 = arith.select %and3A_1085, %sub3A_1087, %div3A_1066 : i32
        %jit3A_1089 = arith.constant 5 : i32
        %eq3A_1090 = arith.constant 0 : i32
        %eq3A_1091 = arith.cmpi eq, %jit3A_1089, %eq3A_1090 : i32
        %jit3A_1092 = arith.constant 1 : i32
        %select_n3A_1093 = arith.select %eq3A_1091, %jit3A_1092, %jit3A_1089 : i32
        %rem3A_1094 = arith.remsi %sub3A_1064, %select_n3A_1093 : i32
        %ne3A_1095 = arith.constant 0 : i32
        %ne3A_1096 = arith.cmpi ne, %rem3A_1094, %ne3A_1095 : i32
        %lt3A_1097 = arith.constant 0 : i32
        %lt3A_1098 = arith.cmpi slt, %rem3A_1094, %lt3A_1097 : i32
        %lt3A_1099 = arith.constant 0 : i32
        %lt3A_1100 = arith.cmpi slt, %select_n3A_1093, %lt3A_1099 : i32
        %ne3A_1101 = arith.xori %lt3A_1098, %lt3A_1100 : i1
        %and3A_1102 = arith.andi %ne3A_1101, %ne3A_1096 : i1
        %add3A_1103 = arith.addi %rem3A_1094, %select_n3A_1093 : i32
        %select_n3A_1104 = arith.select %and3A_1102, %add3A_1103, %rem3A_1094 : i32
        %mul3A_1105 = arith.constant 200 : i32
        %mul3A_1106 = arith.muli %select_n3A_1104, %mul3A_1105 : i32
        %mul3A_1107 = arith.constant 128 : i32
        %mul3A_1108 = arith.muli %select_n3A_1088, %mul3A_1107 : i32
        %add3A_1109 = arith.constant 0 : i32
        %add3A_1110 = arith.addi %mul3A_1108, %add3A_1109 : i32
        %get3A_1111 = arith.index_cast %add3A_1110 : i32 to index
        %get3A_1112 = tpu.vector_load %arg4[%get3A_1111] {strides = array<i32>} : memref<512xi32, #tpu.memory_space<vmem>>, vector<16xi32>,
        %ge3A_1113 = vector.broadcast %mul3A_1106 : i32 to vector<16xi32>
        %ge3A_1114 = arith.cmpi sge, %get3A_1112, %ge3A_1113 : vector<16xi32>
        %add3A_1115 = arith.constant 200 : i32
        %add3A_1116 = arith.addi %mul3A_1106, %add3A_1115 : i32
        %lt3A_1117 = vector.broadcast %add3A_1116 : i32 to vector<16xi32>
        %lt3A_1118 = arith.cmpi slt, %get3A_1112, %lt3A_1117 : vector<16xi32>
        %and3A_1119 = arith.andi %ge3A_1114, %lt3A_1118 : vector<16xi1>
        %sub3A_1120 = vector.broadcast %mul3A_1106 : i32 to vector<16xi32>
        %sub3A_1121 = arith.subi %get3A_1112, %sub3A_1120 : vector<16xi32>
        %add3A_1122 = arith.constant 0 : i32
        %add3A_1123 = vector.broadcast %add3A_1122 : i32 to vector<16xi32>
        %add3A_1124 = arith.addi %add3A_1123, %iota3A : vector<16xi32>
        tpu.vector_store_idx %arg7[%sub3A_1121, %add3A_1124], %broadcast_in_dim3A_4 masked %and3A_1119 : memref<200x128xf32, #tpu.memory_space<vmem>>[vector<16xi32>, vector<16xi32>], vector<16xf32>, vector<16xi1>
        %mul3A_1125 = arith.constant 128 : i32
        %mul3A_1126 = arith.muli %select_n3A_1088, %mul3A_1125 : i32
        %add3A_1127 = arith.constant 16 : i32
        %add3A_1128 = arith.addi %mul3A_1126, %add3A_1127 : i32
        %get3A_1129 = arith.index_cast %add3A_1128 : i32 to index
        %get3A_1130 = tpu.vector_load %arg4[%get3A_1129] {strides = array<i32>} : memref<512xi32, #tpu.memory_space<vmem>>, vector<16xi32>,
        %ge3A_1131 = vector.broadcast %mul3A_1106 : i32 to vector<16xi32>
        %ge3A_1132 = arith.cmpi sge, %get3A_1130, %ge3A_1131 : vector<16xi32>
        %add3A_1133 = arith.constant 200 : i32
        %add3A_1134 = arith.addi %mul3A_1106, %add3A_1133 : i32
        %lt3A_1135 = vector.broadcast %add3A_1134 : i32 to vector<16xi32>
        %lt3A_1136 = arith.cmpi slt, %get3A_1130, %lt3A_1135 : vector<16xi32>
        %and3A_1137 = arith.andi %ge3A_1132, %lt3A_1136 : vector<16xi1>
        %sub3A_1138 = vector.broadcast %mul3A_1106 : i32 to vector<16xi32>
        %sub3A_1139 = arith.subi %get3A_1130, %sub3A_1138 : vector<16xi32>
        %add3A_1140 = arith.constant 16 : i32
        %add3A_1141 = vector.broadcast %add3A_1140 : i32 to vector<16xi32>
        %add3A_1142 = arith.addi %add3A_1141, %iota3A : vector<16xi32>
        tpu.vector_store_idx %arg7[%sub3A_1139, %add3A_1142], %broadcast_in_dim3A_4 masked %and3A_1137 : memref<200x128xf32, #tpu.memory_space<vmem>>[vector<16xi32>, vector<16xi32>], vector<16xf32>, vector<16xi1>
        %mul3A_1143 = arith.constant 128 : i32
        %mul3A_1144 = arith.muli %select_n3A_1088, %mul3A_1143 : i32
        %add3A_1145 = arith.constant 32 : i32
        %add3A_1146 = arith.addi %mul3A_1144, %add3A_1145 : i32
        %get3A_1147 = arith.index_cast %add3A_1146 : i32 to index
        %get3A_1148 = tpu.vector_load %arg4[%get3A_1147] {strides = array<i32>} : memref<512xi32, #tpu.memory_space<vmem>>, vector<16xi32>,
        %ge3A_1149 = vector.broadcast %mul3A_1106 : i32 to vector<16xi32>
        %ge3A_1150 = arith.cmpi sge, %get3A_1148, %ge3A_1149 : vector<16xi32>
        %add3A_1151 = arith.constant 200 : i32
        %add3A_1152 = arith.addi %mul3A_1106, %add3A_1151 : i32
        %lt3A_1153 = vector.broadcast %add3A_1152 : i32 to vector<16xi32>
        %lt3A_1154 = arith.cmpi slt, %get3A_1148, %lt3A_1153 : vector<16xi32>
        %and3A_1155 = arith.andi %ge3A_1150, %lt3A_1154 : vector<16xi1>
        %sub3A_1156 = vector.broadcast %mul3A_1106 : i32 to vector<16xi32>
        %sub3A_1157 = arith.subi %get3A_1148, %sub3A_1156 : vector<16xi32>
        %add3A_1158 = arith.constant 32 : i32
        %add3A_1159 = vector.broadcast %add3A_1158 : i32 to vector<16xi32>
        %add3A_1160 = arith.addi %add3A_1159, %iota3A : vector<16xi32>
        tpu.vector_store_idx %arg7[%sub3A_1157, %add3A_1160], %broadcast_in_dim3A_4 masked %and3A_1155 : memref<200x128xf32, #tpu.memory_space<vmem>>[vector<16xi32>, vector<16xi32>], vector<16xf32>, vector<16xi1>
        %mul3A_1161 = arith.constant 128 : i32
        %mul3A_1162 = arith.muli %select_n3A_1088, %mul3A_1161 : i32
        %add3A_1163 = arith.constant 48 : i32
        %add3A_1164 = arith.addi %mul3A_1162, %add3A_1163 : i32
        %get3A_1165 = arith.index_cast %add3A_1164 : i32 to index
        %get3A_1166 = tpu.vector_load %arg4[%get3A_1165] {strides = array<i32>} : memref<512xi32, #tpu.memory_space<vmem>>, vector<16xi32>,
        %ge3A_1167 = vector.broadcast %mul3A_1106 : i32 to vector<16xi32>
        %ge3A_1168 = arith.cmpi sge, %get3A_1166, %ge3A_1167 : vector<16xi32>
        %add3A_1169 = arith.constant 200 : i32
        %add3A_1170 = arith.addi %mul3A_1106, %add3A_1169 : i32
        %lt3A_1171 = vector.broadcast %add3A_1170 : i32 to vector<16xi32>
        %lt3A_1172 = arith.cmpi slt, %get3A_1166, %lt3A_1171 : vector<16xi32>
        %and3A_1173 = arith.andi %ge3A_1168, %lt3A_1172 : vector<16xi1>
        %sub3A_1174 = vector.broadcast %mul3A_1106 : i32 to vector<16xi32>
        %sub3A_1175 = arith.subi %get3A_1166, %sub3A_1174 : vector<16xi32>
        %add3A_1176 = arith.constant 48 : i32
        %add3A_1177 = vector.broadcast %add3A_1176 : i32 to vector<16xi32>
        %add3A_1178 = arith.addi %add3A_1177, %iota3A : vector<16xi32>
        tpu.vector_store_idx %arg7[%sub3A_1175, %add3A_1178], %broadcast_in_dim3A_4 masked %and3A_1173 : memref<200x128xf32, #tpu.memory_space<vmem>>[vector<16xi32>, vector<16xi32>], vector<16xf32>, vector<16xi1>
        %mul3A_1179 = arith.constant 128 : i32
        %mul3A_1180 = arith.muli %select_n3A_1088, %mul3A_1179 : i32
        %add3A_1181 = arith.constant 64 : i32
        %add3A_1182 = arith.addi %mul3A_1180, %add3A_1181 : i32
        %get3A_1183 = arith.index_cast %add3A_1182 : i32 to index
        %get3A_1184 = tpu.vector_load %arg4[%get3A_1183] {strides = array<i32>} : memref<512xi32, #tpu.memory_space<vmem>>, vector<16xi32>,
        %ge3A_1185 = vector.broadcast %mul3A_1106 : i32 to vector<16xi32>
        %ge3A_1186 = arith.cmpi sge, %get3A_1184, %ge3A_1185 : vector<16xi32>
        %add3A_1187 = arith.constant 200 : i32
        %add3A_1188 = arith.addi %mul3A_1106, %add3A_1187 : i32
        %lt3A_1189 = vector.broadcast %add3A_1188 : i32 to vector<16xi32>
        %lt3A_1190 = arith.cmpi slt, %get3A_1184, %lt3A_1189 : vector<16xi32>
        %and3A_1191 = arith.andi %ge3A_1186, %lt3A_1190 : vector<16xi1>
        %sub3A_1192 = vector.broadcast %mul3A_1106 : i32 to vector<16xi32>
        %sub3A_1193 = arith.subi %get3A_1184, %sub3A_1192 : vector<16xi32>
        %add3A_1194 = arith.constant 64 : i32
        %add3A_1195 = vector.broadcast %add3A_1194 : i32 to vector<16xi32>
        %add3A_1196 = arith.addi %add3A_1195, %iota3A : vector<16xi32>
        tpu.vector_store_idx %arg7[%sub3A_1193, %add3A_1196], %broadcast_in_dim3A_4 masked %and3A_1191 : memref<200x128xf32, #tpu.memory_space<vmem>>[vector<16xi32>, vector<16xi32>], vector<16xf32>, vector<16xi1>
        %mul3A_1197 = arith.constant 128 : i32
        %mul3A_1198 = arith.muli %select_n3A_1088, %mul3A_1197 : i32
        %add3A_1199 = arith.constant 80 : i32
        %add3A_1200 = arith.addi %mul3A_1198, %add3A_1199 : i32
        %get3A_1201 = arith.index_cast %add3A_1200 : i32 to index
        %get3A_1202 = tpu.vector_load %arg4[%get3A_1201] {strides = array<i32>} : memref<512xi32, #tpu.memory_space<vmem>>, vector<16xi32>,
        %ge3A_1203 = vector.broadcast %mul3A_1106 : i32 to vector<16xi32>
        %ge3A_1204 = arith.cmpi sge, %get3A_1202, %ge3A_1203 : vector<16xi32>
        %add3A_1205 = arith.constant 200 : i32
        %add3A_1206 = arith.addi %mul3A_1106, %add3A_1205 : i32
        %lt3A_1207 = vector.broadcast %add3A_1206 : i32 to vector<16xi32>
        %lt3A_1208 = arith.cmpi slt, %get3A_1202, %lt3A_1207 : vector<16xi32>
        %and3A_1209 = arith.andi %ge3A_1204, %lt3A_1208 : vector<16xi1>
        %sub3A_1210 = vector.broadcast %mul3A_1106 : i32 to vector<16xi32>
        %sub3A_1211 = arith.subi %get3A_1202, %sub3A_1210 : vector<16xi32>
        %add3A_1212 = arith.constant 80 : i32
        %add3A_1213 = vector.broadcast %add3A_1212 : i32 to vector<16xi32>
        %add3A_1214 = arith.addi %add3A_1213, %iota3A : vector<16xi32>
        tpu.vector_store_idx %arg7[%sub3A_1211, %add3A_1214], %broadcast_in_dim3A_4 masked %and3A_1209 : memref<200x128xf32, #tpu.memory_space<vmem>>[vector<16xi32>, vector<16xi32>], vector<16xf32>, vector<16xi1>
        %mul3A_1215 = arith.constant 128 : i32
        %mul3A_1216 = arith.muli %select_n3A_1088, %mul3A_1215 : i32
        %add3A_1217 = arith.constant 96 : i32
        %add3A_1218 = arith.addi %mul3A_1216, %add3A_1217 : i32
        %get3A_1219 = arith.index_cast %add3A_1218 : i32 to index
        %get3A_1220 = tpu.vector_load %arg4[%get3A_1219] {strides = array<i32>} : memref<512xi32, #tpu.memory_space<vmem>>, vector<16xi32>,
        %ge3A_1221 = vector.broadcast %mul3A_1106 : i32 to vector<16xi32>
        %ge3A_1222 = arith.cmpi sge, %get3A_1220, %ge3A_1221 : vector<16xi32>
        %add3A_1223 = arith.constant 200 : i32
        %add3A_1224 = arith.addi %mul3A_1106, %add3A_1223 : i32
        %lt3A_1225 = vector.broadcast %add3A_1224 : i32 to vector<16xi32>
        %lt3A_1226 = arith.cmpi slt, %get3A_1220, %lt3A_1225 : vector<16xi32>
        %and3A_1227 = arith.andi %ge3A_1222, %lt3A_1226 : vector<16xi1>
        %sub3A_1228 = vector.broadcast %mul3A_1106 : i32 to vector<16xi32>
        %sub3A_1229 = arith.subi %get3A_1220, %sub3A_1228 : vector<16xi32>
        %add3A_1230 = arith.constant 96 : i32
        %add3A_1231 = vector.broadcast %add3A_1230 : i32 to vector<16xi32>
        %add3A_1232 = arith.addi %add3A_1231, %iota3A : vector<16xi32>
        tpu.vector_store_idx %arg7[%sub3A_1229, %add3A_1232], %broadcast_in_dim3A_4 masked %and3A_1227 : memref<200x128xf32, #tpu.memory_space<vmem>>[vector<16xi32>, vector<16xi32>], vector<16xf32>, vector<16xi1>
        %mul3A_1233 = arith.constant 128 : i32
        %mul3A_1234 = arith.muli %select_n3A_1088, %mul3A_1233 : i32
        %add3A_1235 = arith.constant 112 : i32
        %add3A_1236 = arith.addi %mul3A_1234, %add3A_1235 : i32
        %get3A_1237 = arith.index_cast %add3A_1236 : i32 to index
        %get3A_1238 = tpu.vector_load %arg4[%get3A_1237] {strides = array<i32>} : memref<512xi32, #tpu.memory_space<vmem>>, vector<16xi32>,
        %ge3A_1239 = vector.broadcast %mul3A_1106 : i32 to vector<16xi32>
        %ge3A_1240 = arith.cmpi sge, %get3A_1238, %ge3A_1239 : vector<16xi32>
        %add3A_1241 = arith.constant 200 : i32
        %add3A_1242 = arith.addi %mul3A_1106, %add3A_1241 : i32
        %lt3A_1243 = vector.broadcast %add3A_1242 : i32 to vector<16xi32>
        %lt3A_1244 = arith.cmpi slt, %get3A_1238, %lt3A_1243 : vector<16xi32>
        %and3A_1245 = arith.andi %ge3A_1240, %lt3A_1244 : vector<16xi1>
        %sub3A_1246 = vector.broadcast %mul3A_1106 : i32 to vector<16xi32>
        %sub3A_1247 = arith.subi %get3A_1238, %sub3A_1246 : vector<16xi32>
        %add3A_1248 = arith.constant 112 : i32
        %add3A_1249 = vector.broadcast %add3A_1248 : i32 to vector<16xi32>
        %add3A_1250 = arith.addi %add3A_1249, %iota3A : vector<16xi32>
        tpu.vector_store_idx %arg7[%sub3A_1247, %add3A_1250], %broadcast_in_dim3A_4 masked %and3A_1245 : memref<200x128xf32, #tpu.memory_space<vmem>>[vector<16xi32>, vector<16xi32>], vector<16xf32>, vector<16xi1>
      } else {
      }
      %jit3A_534 = arith.constant 5 : i32
      %div3A_535 = arith.divsi %add3A_523, %jit3A_534 : i32
      %sign3A_536 = arith.constant 0 : i32
      %sign3A_537 = arith.cmpi sgt, %add3A_523, %sign3A_536 : i32
      %sign3A_538 = arith.extui %sign3A_537 : i1 to i32
      %sign3A_539 = arith.constant 0 : i32
      %sign3A_540 = arith.cmpi slt, %add3A_523, %sign3A_539 : i32
      %sign3A_541 = arith.extui %sign3A_540 : i1 to i32
      %sign3A_542 = arith.subi %sign3A_538, %sign3A_541 : i32
      %sign3A_543 = arith.constant 0 : i32
      %sign3A_544 = arith.cmpi sgt, %jit3A_534, %sign3A_543 : i32
      %sign3A_545 = arith.extui %sign3A_544 : i1 to i32
      %sign3A_546 = arith.constant 0 : i32
      %sign3A_547 = arith.cmpi slt, %jit3A_534, %sign3A_546 : i32
      %sign3A_548 = arith.extui %sign3A_547 : i1 to i32
      %sign3A_549 = arith.subi %sign3A_545, %sign3A_548 : i32
      %ne3A_550 = arith.cmpi ne, %sign3A_542, %sign3A_549 : i32
      %rem3A_551 = arith.remsi %add3A_523, %jit3A_534 : i32
      %ne3A_552 = arith.constant 0 : i32
      %ne3A_553 = arith.cmpi ne, %rem3A_551, %ne3A_552 : i32
      %and3A_554 = arith.andi %ne3A_550, %ne3A_553 : i1
      %sub3A_555 = arith.constant 1 : i32
      %sub3A_556 = arith.subi %div3A_535, %sub3A_555 : i32
      %select_n3A_557 = arith.select %and3A_554, %sub3A_556, %div3A_535 : i32
      %jit3A_558 = arith.constant 5 : i32
      %eq3A_559 = arith.constant 0 : i32
      %eq3A_560 = arith.cmpi eq, %jit3A_558, %eq3A_559 : i32
      %jit3A_561 = arith.constant 1 : i32
      %select_n3A_562 = arith.select %eq3A_560, %jit3A_561, %jit3A_558 : i32
      %rem3A_563 = arith.remsi %add3A_523, %select_n3A_562 : i32
      %ne3A_564 = arith.constant 0 : i32
      %ne3A_565 = arith.cmpi ne, %rem3A_563, %ne3A_564 : i32
      %lt3A_566 = arith.constant 0 : i32
      %lt3A_567 = arith.cmpi slt, %rem3A_563, %lt3A_566 : i32
      %lt3A_568 = arith.constant 0 : i32
      %lt3A_569 = arith.cmpi slt, %select_n3A_562, %lt3A_568 : i32
      %ne3A_570 = arith.xori %lt3A_567, %lt3A_569 : i1
      %and3A_571 = arith.andi %ne3A_570, %ne3A_565 : i1
      %add3A_572 = arith.addi %rem3A_563, %select_n3A_562 : i32
      %select_n3A_573 = arith.select %and3A_571, %add3A_572, %rem3A_563 : i32
      %mul3A_574 = arith.constant 200 : i32
      %mul3A_575 = arith.muli %select_n3A_573, %mul3A_574 : i32
      %mul3A_576 = arith.constant 128 : i32
      %mul3A_577 = arith.muli %select_n3A_557, %mul3A_576 : i32
      %add3A_578 = arith.constant 0 : i32
      %add3A_579 = arith.addi %mul3A_577, %add3A_578 : i32
      %get3A_580 = arith.index_cast %add3A_579 : i32 to index
      %get3A_581 = tpu.vector_load %arg4[%get3A_580] {strides = array<i32>} : memref<512xi32, #tpu.memory_space<vmem>>, vector<16xi32>,
      %ge3A_582 = vector.broadcast %mul3A_575 : i32 to vector<16xi32>
      %ge3A_583 = arith.cmpi sge, %get3A_581, %ge3A_582 : vector<16xi32>
      %add3A_584 = arith.constant 200 : i32
      %add3A_585 = arith.addi %mul3A_575, %add3A_584 : i32
      %lt3A_586 = vector.broadcast %add3A_585 : i32 to vector<16xi32>
      %lt3A_587 = arith.cmpi slt, %get3A_581, %lt3A_586 : vector<16xi32>
      %and3A_588 = arith.andi %ge3A_583, %lt3A_587 : vector<16xi1>
      %sub3A_589 = vector.broadcast %mul3A_575 : i32 to vector<16xi32>
      %sub3A_590 = arith.subi %get3A_581, %sub3A_589 : vector<16xi32>
      %add3A_591 = arith.constant 0 : i32
      %add3A_592 = vector.broadcast %add3A_591 : i32 to vector<16xi32>
      %add3A_593 = arith.addi %add3A_592, %iota3A : vector<16xi32>
      tpu.vector_store_idx %arg7[%sub3A_590, %add3A_593], %broadcast_in_dim3A_6 masked %and3A_588 : memref<200x128xf32, #tpu.memory_space<vmem>>[vector<16xi32>, vector<16xi32>], vector<16xf32>, vector<16xi1>
      %mul3A_594 = arith.constant 128 : i32
      %mul3A_595 = arith.muli %select_n3A_557, %mul3A_594 : i32
      %add3A_596 = arith.constant 16 : i32
      %add3A_597 = arith.addi %mul3A_595, %add3A_596 : i32
      %get3A_598 = arith.index_cast %add3A_597 : i32 to index
      %get3A_599 = tpu.vector_load %arg4[%get3A_598] {strides = array<i32>} : memref<512xi32, #tpu.memory_space<vmem>>, vector<16xi32>,
      %ge3A_600 = vector.broadcast %mul3A_575 : i32 to vector<16xi32>
      %ge3A_601 = arith.cmpi sge, %get3A_599, %ge3A_600 : vector<16xi32>
      %add3A_602 = arith.constant 200 : i32
      %add3A_603 = arith.addi %mul3A_575, %add3A_602 : i32
      %lt3A_604 = vector.broadcast %add3A_603 : i32 to vector<16xi32>
      %lt3A_605 = arith.cmpi slt, %get3A_599, %lt3A_604 : vector<16xi32>
      %and3A_606 = arith.andi %ge3A_601, %lt3A_605 : vector<16xi1>
      %sub3A_607 = vector.broadcast %mul3A_575 : i32 to vector<16xi32>
      %sub3A_608 = arith.subi %get3A_599, %sub3A_607 : vector<16xi32>
      %add3A_609 = arith.constant 16 : i32
      %add3A_610 = vector.broadcast %add3A_609 : i32 to vector<16xi32>
      %add3A_611 = arith.addi %add3A_610, %iota3A : vector<16xi32>
      tpu.vector_store_idx %arg7[%sub3A_608, %add3A_611], %broadcast_in_dim3A_6 masked %and3A_606 : memref<200x128xf32, #tpu.memory_space<vmem>>[vector<16xi32>, vector<16xi32>], vector<16xf32>, vector<16xi1>
      %mul3A_612 = arith.constant 128 : i32
      %mul3A_613 = arith.muli %select_n3A_557, %mul3A_612 : i32
      %add3A_614 = arith.constant 32 : i32
      %add3A_615 = arith.addi %mul3A_613, %add3A_614 : i32
      %get3A_616 = arith.index_cast %add3A_615 : i32 to index
      %get3A_617 = tpu.vector_load %arg4[%get3A_616] {strides = array<i32>} : memref<512xi32, #tpu.memory_space<vmem>>, vector<16xi32>,
      %ge3A_618 = vector.broadcast %mul3A_575 : i32 to vector<16xi32>
      %ge3A_619 = arith.cmpi sge, %get3A_617, %ge3A_618 : vector<16xi32>
      %add3A_620 = arith.constant 200 : i32
      %add3A_621 = arith.addi %mul3A_575, %add3A_620 : i32
      %lt3A_622 = vector.broadcast %add3A_621 : i32 to vector<16xi32>
      %lt3A_623 = arith.cmpi slt, %get3A_617, %lt3A_622 : vector<16xi32>
      %and3A_624 = arith.andi %ge3A_619, %lt3A_623 : vector<16xi1>
      %sub3A_625 = vector.broadcast %mul3A_575 : i32 to vector<16xi32>
      %sub3A_626 = arith.subi %get3A_617, %sub3A_625 : vector<16xi32>
      %add3A_627 = arith.constant 32 : i32
      %add3A_628 = vector.broadcast %add3A_627 : i32 to vector<16xi32>
      %add3A_629 = arith.addi %add3A_628, %iota3A : vector<16xi32>
      tpu.vector_store_idx %arg7[%sub3A_626, %add3A_629], %broadcast_in_dim3A_6 masked %and3A_624 : memref<200x128xf32, #tpu.memory_space<vmem>>[vector<16xi32>, vector<16xi32>], vector<16xf32>, vector<16xi1>
      %mul3A_630 = arith.constant 128 : i32
      %mul3A_631 = arith.muli %select_n3A_557, %mul3A_630 : i32
      %add3A_632 = arith.constant 48 : i32
      %add3A_633 = arith.addi %mul3A_631, %add3A_632 : i32
      %get3A_634 = arith.index_cast %add3A_633 : i32 to index
      %get3A_635 = tpu.vector_load %arg4[%get3A_634] {strides = array<i32>} : memref<512xi32, #tpu.memory_space<vmem>>, vector<16xi32>,
      %ge3A_636 = vector.broadcast %mul3A_575 : i32 to vector<16xi32>
      %ge3A_637 = arith.cmpi sge, %get3A_635, %ge3A_636 : vector<16xi32>
      %add3A_638 = arith.constant 200 : i32
      %add3A_639 = arith.addi %mul3A_575, %add3A_638 : i32
      %lt3A_640 = vector.broadcast %add3A_639 : i32 to vector<16xi32>
      %lt3A_641 = arith.cmpi slt, %get3A_635, %lt3A_640 : vector<16xi32>
      %and3A_642 = arith.andi %ge3A_637, %lt3A_641 : vector<16xi1>
      %sub3A_643 = vector.broadcast %mul3A_575 : i32 to vector<16xi32>
      %sub3A_644 = arith.subi %get3A_635, %sub3A_643 : vector<16xi32>
      %add3A_645 = arith.constant 48 : i32
      %add3A_646 = vector.broadcast %add3A_645 : i32 to vector<16xi32>
      %add3A_647 = arith.addi %add3A_646, %iota3A : vector<16xi32>
      tpu.vector_store_idx %arg7[%sub3A_644, %add3A_647], %broadcast_in_dim3A_6 masked %and3A_642 : memref<200x128xf32, #tpu.memory_space<vmem>>[vector<16xi32>, vector<16xi32>], vector<16xf32>, vector<16xi1>
      %mul3A_648 = arith.constant 128 : i32
      %mul3A_649 = arith.muli %select_n3A_557, %mul3A_648 : i32
      %add3A_650 = arith.constant 64 : i32
      %add3A_651 = arith.addi %mul3A_649, %add3A_650 : i32
      %get3A_652 = arith.index_cast %add3A_651 : i32 to index
      %get3A_653 = tpu.vector_load %arg4[%get3A_652] {strides = array<i32>} : memref<512xi32, #tpu.memory_space<vmem>>, vector<16xi32>,
      %ge3A_654 = vector.broadcast %mul3A_575 : i32 to vector<16xi32>
      %ge3A_655 = arith.cmpi sge, %get3A_653, %ge3A_654 : vector<16xi32>
      %add3A_656 = arith.constant 200 : i32
      %add3A_657 = arith.addi %mul3A_575, %add3A_656 : i32
      %lt3A_658 = vector.broadcast %add3A_657 : i32 to vector<16xi32>
      %lt3A_659 = arith.cmpi slt, %get3A_653, %lt3A_658 : vector<16xi32>
      %and3A_660 = arith.andi %ge3A_655, %lt3A_659 : vector<16xi1>
      %sub3A_661 = vector.broadcast %mul3A_575 : i32 to vector<16xi32>
      %sub3A_662 = arith.subi %get3A_653, %sub3A_661 : vector<16xi32>
      %add3A_663 = arith.constant 64 : i32
      %add3A_664 = vector.broadcast %add3A_663 : i32 to vector<16xi32>
      %add3A_665 = arith.addi %add3A_664, %iota3A : vector<16xi32>
      tpu.vector_store_idx %arg7[%sub3A_662, %add3A_665], %broadcast_in_dim3A_6 masked %and3A_660 : memref<200x128xf32, #tpu.memory_space<vmem>>[vector<16xi32>, vector<16xi32>], vector<16xf32>, vector<16xi1>
      %mul3A_666 = arith.constant 128 : i32
      %mul3A_667 = arith.muli %select_n3A_557, %mul3A_666 : i32
      %add3A_668 = arith.constant 80 : i32
      %add3A_669 = arith.addi %mul3A_667, %add3A_668 : i32
      %get3A_670 = arith.index_cast %add3A_669 : i32 to index
      %get3A_671 = tpu.vector_load %arg4[%get3A_670] {strides = array<i32>} : memref<512xi32, #tpu.memory_space<vmem>>, vector<16xi32>,
      %ge3A_672 = vector.broadcast %mul3A_575 : i32 to vector<16xi32>
      %ge3A_673 = arith.cmpi sge, %get3A_671, %ge3A_672 : vector<16xi32>
      %add3A_674 = arith.constant 200 : i32
      %add3A_675 = arith.addi %mul3A_575, %add3A_674 : i32
      %lt3A_676 = vector.broadcast %add3A_675 : i32 to vector<16xi32>
      %lt3A_677 = arith.cmpi slt, %get3A_671, %lt3A_676 : vector<16xi32>
      %and3A_678 = arith.andi %ge3A_673, %lt3A_677 : vector<16xi1>
      %sub3A_679 = vector.broadcast %mul3A_575 : i32 to vector<16xi32>
      %sub3A_680 = arith.subi %get3A_671, %sub3A_679 : vector<16xi32>
      %add3A_681 = arith.constant 80 : i32
      %add3A_682 = vector.broadcast %add3A_681 : i32 to vector<16xi32>
      %add3A_683 = arith.addi %add3A_682, %iota3A : vector<16xi32>
      tpu.vector_store_idx %arg7[%sub3A_680, %add3A_683], %broadcast_in_dim3A_6 masked %and3A_678 : memref<200x128xf32, #tpu.memory_space<vmem>>[vector<16xi32>, vector<16xi32>], vector<16xf32>, vector<16xi1>
      %mul3A_684 = arith.constant 128 : i32
      %mul3A_685 = arith.muli %select_n3A_557, %mul3A_684 : i32
      %add3A_686 = arith.constant 96 : i32
      %add3A_687 = arith.addi %mul3A_685, %add3A_686 : i32
      %get3A_688 = arith.index_cast %add3A_687 : i32 to index
      %get3A_689 = tpu.vector_load %arg4[%get3A_688] {strides = array<i32>} : memref<512xi32, #tpu.memory_space<vmem>>, vector<16xi32>,
      %ge3A_690 = vector.broadcast %mul3A_575 : i32 to vector<16xi32>
      %ge3A_691 = arith.cmpi sge, %get3A_689, %ge3A_690 : vector<16xi32>
      %add3A_692 = arith.constant 200 : i32
      %add3A_693 = arith.addi %mul3A_575, %add3A_692 : i32
      %lt3A_694 = vector.broadcast %add3A_693 : i32 to vector<16xi32>
      %lt3A_695 = arith.cmpi slt, %get3A_689, %lt3A_694 : vector<16xi32>
      %and3A_696 = arith.andi %ge3A_691, %lt3A_695 : vector<16xi1>
      %sub3A_697 = vector.broadcast %mul3A_575 : i32 to vector<16xi32>
      %sub3A_698 = arith.subi %get3A_689, %sub3A_697 : vector<16xi32>
      %add3A_699 = arith.constant 96 : i32
      %add3A_700 = vector.broadcast %add3A_699 : i32 to vector<16xi32>
      %add3A_701 = arith.addi %add3A_700, %iota3A : vector<16xi32>
      tpu.vector_store_idx %arg7[%sub3A_698, %add3A_701], %broadcast_in_dim3A_6 masked %and3A_696 : memref<200x128xf32, #tpu.memory_space<vmem>>[vector<16xi32>, vector<16xi32>], vector<16xf32>, vector<16xi1>
      %mul3A_702 = arith.constant 128 : i32
      %mul3A_703 = arith.muli %select_n3A_557, %mul3A_702 : i32
      %add3A_704 = arith.constant 112 : i32
      %add3A_705 = arith.addi %mul3A_703, %add3A_704 : i32
      %get3A_706 = arith.index_cast %add3A_705 : i32 to index
      %get3A_707 = tpu.vector_load %arg4[%get3A_706] {strides = array<i32>} : memref<512xi32, #tpu.memory_space<vmem>>, vector<16xi32>,
      %ge3A_708 = vector.broadcast %mul3A_575 : i32 to vector<16xi32>
      %ge3A_709 = arith.cmpi sge, %get3A_707, %ge3A_708 : vector<16xi32>
      %add3A_710 = arith.constant 200 : i32
      %add3A_711 = arith.addi %mul3A_575, %add3A_710 : i32
      %lt3A_712 = vector.broadcast %add3A_711 : i32 to vector<16xi32>
      %lt3A_713 = arith.cmpi slt, %get3A_707, %lt3A_712 : vector<16xi32>
      %and3A_714 = arith.andi %ge3A_709, %lt3A_713 : vector<16xi1>
      %sub3A_715 = vector.broadcast %mul3A_575 : i32 to vector<16xi32>
      %sub3A_716 = arith.subi %get3A_707, %sub3A_715 : vector<16xi32>
      %add3A_717 = arith.constant 112 : i32
      %add3A_718 = vector.broadcast %add3A_717 : i32 to vector<16xi32>
      %add3A_719 = arith.addi %add3A_718, %iota3A : vector<16xi32>
      tpu.vector_store_idx %arg7[%sub3A_716, %add3A_719], %broadcast_in_dim3A_6 masked %and3A_714 : memref<200x128xf32, #tpu.memory_space<vmem>>[vector<16xi32>, vector<16xi32>], vector<16xf32>, vector<16xi1>
      %jit3A_720 = arith.constant 5 : i32
      %div3A_721 = arith.divsi %add3A_523, %jit3A_720 : i32
      %sign3A_722 = arith.constant 0 : i32
      %sign3A_723 = arith.cmpi sgt, %add3A_523, %sign3A_722 : i32
      %sign3A_724 = arith.extui %sign3A_723 : i1 to i32
      %sign3A_725 = arith.constant 0 : i32
      %sign3A_726 = arith.cmpi slt, %add3A_523, %sign3A_725 : i32
      %sign3A_727 = arith.extui %sign3A_726 : i1 to i32
      %sign3A_728 = arith.subi %sign3A_724, %sign3A_727 : i32
      %sign3A_729 = arith.constant 0 : i32
      %sign3A_730 = arith.cmpi sgt, %jit3A_720, %sign3A_729 : i32
      %sign3A_731 = arith.extui %sign3A_730 : i1 to i32
      %sign3A_732 = arith.constant 0 : i32
      %sign3A_733 = arith.cmpi slt, %jit3A_720, %sign3A_732 : i32
      %sign3A_734 = arith.extui %sign3A_733 : i1 to i32
      %sign3A_735 = arith.subi %sign3A_731, %sign3A_734 : i32
      %ne3A_736 = arith.cmpi ne, %sign3A_728, %sign3A_735 : i32
      %rem3A_737 = arith.remsi %add3A_523, %jit3A_720 : i32
      %ne3A_738 = arith.constant 0 : i32
      %ne3A_739 = arith.cmpi ne, %rem3A_737, %ne3A_738 : i32
      %and3A_740 = arith.andi %ne3A_736, %ne3A_739 : i1
      %sub3A_741 = arith.constant 1 : i32
      %sub3A_742 = arith.subi %div3A_721, %sub3A_741 : i32
      %select_n3A_743 = arith.select %and3A_740, %sub3A_742, %div3A_721 : i32
      %jit3A_744 = arith.constant 5 : i32
      %eq3A_745 = arith.constant 0 : i32
      %eq3A_746 = arith.cmpi eq, %jit3A_744, %eq3A_745 : i32
      %jit3A_747 = arith.constant 1 : i32
      %select_n3A_748 = arith.select %eq3A_746, %jit3A_747, %jit3A_744 : i32
      %rem3A_749 = arith.remsi %add3A_523, %select_n3A_748 : i32
      %ne3A_750 = arith.constant 0 : i32
      %ne3A_751 = arith.cmpi ne, %rem3A_749, %ne3A_750 : i32
      %lt3A_752 = arith.constant 0 : i32
      %lt3A_753 = arith.cmpi slt, %rem3A_749, %lt3A_752 : i32
      %lt3A_754 = arith.constant 0 : i32
      %lt3A_755 = arith.cmpi slt, %select_n3A_748, %lt3A_754 : i32
      %ne3A_756 = arith.xori %lt3A_753, %lt3A_755 : i1
      %and3A_757 = arith.andi %ne3A_756, %ne3A_751 : i1
      %add3A_758 = arith.addi %rem3A_749, %select_n3A_748 : i32
      %select_n3A_759 = arith.select %and3A_757, %add3A_758, %rem3A_749 : i32
      %mul3A_760 = arith.constant 200 : i32
      %mul3A_761 = arith.muli %select_n3A_759, %mul3A_760 : i32
      %mul3A_762 = arith.constant 128 : i32
      %mul3A_763 = arith.muli %select_n3A_743, %mul3A_762 : i32
      %add3A_764 = arith.addi %mul3A_2, %mul3A_763 : i32
      %dma_start3A_765 = tpu.memref_slice %arg3[%mul3A_761, %add3A_764] : memref<1000x16384xf32, #tpu.memory_space<hbm>> -> memref<200x128xf32, #tpu.memory_space<hbm>>
      %dma_start3A_766 = tpu.memref_slice %arg3[%mul3A_761, %add3A_764] : memref<1000x16384xf32, #tpu.memory_space<hbm>> -> memref<200x128xf32, #tpu.memory_space<hbm>>
      tpu.enqueue_dma source(%arg7 : memref<200x128xf32, #tpu.memory_space<vmem>>) target(%dma_start3A_766 : memref<200x128xf32, #tpu.memory_space<hbm>>) target_semaphore(%arg11 : memref<!tpu.dma_semaphore, #tpu.memory_space<semaphore_mem>>)
      %mul3A_767 = arith.constant 4 : i32
      %mul3A_768 = arith.muli %scan3A_35, %mul3A_767 : i32
      %add3A_769 = arith.constant 3 : i32
      %add3A_770 = arith.addi %mul3A_768, %add3A_769 : i32
      %eq3A_771 = arith.constant 0 : i32
      %eq3A_772 = arith.cmpi eq, %scan3A_35, %eq3A_771 : i32
      %convert_element_type3A_773 = arith.extui %eq3A_772 : i1 to i32
      %cond3A_774 = arith.constant 0 : i32
      %cond3A_775 = arith.cmpi ne, %convert_element_type3A_773, %cond3A_774 : i32
      scf.if %cond3A_775 {
        %scan3A_1014 = arith.constant 0 : i32
        %scan3A_1015 = arith.constant 0 : i32
        %scan3A_1016 = arith.constant 200 : i32
        %scan3A_1017 = arith.addi %scan3A_1015, %scan3A_1016 : i32
        %scan3A_1018 = arith.constant 1 : i32
        scf.for %scan3A_1020 = %scan3A_1015 to %scan3A_1017 step %scan3A_1018  : i32 {
          %swap3A = arith.index_cast %scan3A_1020 : i32 to index
          %swap3A_1021 = arith.constant 0 : index
          %swap3A_1022 = tpu.vector_load %arg8[%swap3A, %swap3A_1021] {strides = array<i32>} : memref<200x128xf32, #tpu.memory_space<vmem>>, vector<16xf32>,
          tpu.vector_store %arg8[%swap3A, %swap3A_1021], %broadcast_in_dim3A_4 {strides = array<i32>} : memref<200x128xf32, #tpu.memory_space<vmem>>, vector<16xf32>,
          %swap3A_1023 = arith.index_cast %scan3A_1020 : i32 to index
          %swap3A_1024 = arith.constant 16 : index
          %swap3A_1025 = tpu.vector_load %arg8[%swap3A_1023, %swap3A_1024] {strides = array<i32>} : memref<200x128xf32, #tpu.memory_space<vmem>>, vector<16xf32>,
          tpu.vector_store %arg8[%swap3A_1023, %swap3A_1024], %broadcast_in_dim3A_4 {strides = array<i32>} : memref<200x128xf32, #tpu.memory_space<vmem>>, vector<16xf32>,
          %swap3A_1026 = arith.index_cast %scan3A_1020 : i32 to index
          %swap3A_1027 = arith.constant 32 : index
          %swap3A_1028 = tpu.vector_load %arg8[%swap3A_1026, %swap3A_1027] {strides = array<i32>} : memref<200x128xf32, #tpu.memory_space<vmem>>, vector<16xf32>,
          tpu.vector_store %arg8[%swap3A_1026, %swap3A_1027], %broadcast_in_dim3A_4 {strides = array<i32>} : memref<200x128xf32, #tpu.memory_space<vmem>>, vector<16xf32>,
          %swap3A_1029 = arith.index_cast %scan3A_1020 : i32 to index
          %swap3A_1030 = arith.constant 48 : index
          %swap3A_1031 = tpu.vector_load %arg8[%swap3A_1029, %swap3A_1030] {strides = array<i32>} : memref<200x128xf32, #tpu.memory_space<vmem>>, vector<16xf32>,
          tpu.vector_store %arg8[%swap3A_1029, %swap3A_1030], %broadcast_in_dim3A_4 {strides = array<i32>} : memref<200x128xf32, #tpu.memory_space<vmem>>, vector<16xf32>,
          %swap3A_1032 = arith.index_cast %scan3A_1020 : i32 to index
          %swap3A_1033 = arith.constant 64 : index
          %swap3A_1034 = tpu.vector_load %arg8[%swap3A_1032, %swap3A_1033] {strides = array<i32>} : memref<200x128xf32, #tpu.memory_space<vmem>>, vector<16xf32>,
          tpu.vector_store %arg8[%swap3A_1032, %swap3A_1033], %broadcast_in_dim3A_4 {strides = array<i32>} : memref<200x128xf32, #tpu.memory_space<vmem>>, vector<16xf32>,
          %swap3A_1035 = arith.index_cast %scan3A_1020 : i32 to index
          %swap3A_1036 = arith.constant 80 : index
          %swap3A_1037 = tpu.vector_load %arg8[%swap3A_1035, %swap3A_1036] {strides = array<i32>} : memref<200x128xf32, #tpu.memory_space<vmem>>, vector<16xf32>,
          tpu.vector_store %arg8[%swap3A_1035, %swap3A_1036], %broadcast_in_dim3A_4 {strides = array<i32>} : memref<200x128xf32, #tpu.memory_space<vmem>>, vector<16xf32>,
          %swap3A_1038 = arith.index_cast %scan3A_1020 : i32 to index
          %swap3A_1039 = arith.constant 96 : index
          %swap3A_1040 = tpu.vector_load %arg8[%swap3A_1038, %swap3A_1039] {strides = array<i32>} : memref<200x128xf32, #tpu.memory_space<vmem>>, vector<16xf32>,
          tpu.vector_store %arg8[%swap3A_1038, %swap3A_1039], %broadcast_in_dim3A_4 {strides = array<i32>} : memref<200x128xf32, #tpu.memory_space<vmem>>, vector<16xf32>,
          %swap3A_1041 = arith.index_cast %scan3A_1020 : i32 to index
          %swap3A_1042 = arith.constant 112 : index
          %swap3A_1043 = tpu.vector_load %arg8[%swap3A_1041, %swap3A_1042] {strides = array<i32>} : memref<200x128xf32, #tpu.memory_space<vmem>>, vector<16xf32>,
          tpu.vector_store %arg8[%swap3A_1041, %swap3A_1042], %broadcast_in_dim3A_4 {strides = array<i32>} : memref<200x128xf32, #tpu.memory_space<vmem>>, vector<16xf32>,
        }
        %scan3A_1019 = arith.constant 200 : i32
      } else {
      }
      %gt3A_776 = arith.constant 0 : i32
      %gt3A_777 = arith.cmpi sgt, %scan3A_35, %gt3A_776 : i32
      %convert_element_type3A_778 = arith.extui %gt3A_777 : i1 to i32
      %cond3A_779 = arith.constant 0 : i32
      %cond3A_780 = arith.cmpi ne, %convert_element_type3A_778, %cond3A_779 : i32
      scf.if %cond3A_780 {
        %sub3A_1014 = arith.constant 4 : i32
        %sub3A_1015 = arith.subi %add3A_770, %sub3A_1014 : i32
        %jit3A_1016 = arith.constant 5 : i32
        %div3A_1017 = arith.divsi %sub3A_1015, %jit3A_1016 : i32
        %sign3A_1018 = arith.constant 0 : i32
        %sign3A_1019 = arith.cmpi sgt, %sub3A_1015, %sign3A_1018 : i32
        %sign3A_1020 = arith.extui %sign3A_1019 : i1 to i32
        %sign3A_1021 = arith.constant 0 : i32
        %sign3A_1022 = arith.cmpi slt, %sub3A_1015, %sign3A_1021 : i32
        %sign3A_1023 = arith.extui %sign3A_1022 : i1 to i32
        %sign3A_1024 = arith.subi %sign3A_1020, %sign3A_1023 : i32
        %sign3A_1025 = arith.constant 0 : i32
        %sign3A_1026 = arith.cmpi sgt, %jit3A_1016, %sign3A_1025 : i32
        %sign3A_1027 = arith.extui %sign3A_1026 : i1 to i32
        %sign3A_1028 = arith.constant 0 : i32
        %sign3A_1029 = arith.cmpi slt, %jit3A_1016, %sign3A_1028 : i32
        %sign3A_1030 = arith.extui %sign3A_1029 : i1 to i32
        %sign3A_1031 = arith.subi %sign3A_1027, %sign3A_1030 : i32
        %ne3A_1032 = arith.cmpi ne, %sign3A_1024, %sign3A_1031 : i32
        %rem3A_1033 = arith.remsi %sub3A_1015, %jit3A_1016 : i32
        %ne3A_1034 = arith.constant 0 : i32
        %ne3A_1035 = arith.cmpi ne, %rem3A_1033, %ne3A_1034 : i32
        %and3A_1036 = arith.andi %ne3A_1032, %ne3A_1035 : i1
        %sub3A_1037 = arith.constant 1 : i32
        %sub3A_1038 = arith.subi %div3A_1017, %sub3A_1037 : i32
        %select_n3A_1039 = arith.select %and3A_1036, %sub3A_1038, %div3A_1017 : i32
        %jit3A_1040 = arith.constant 5 : i32
        %eq3A_1041 = arith.constant 0 : i32
        %eq3A_1042 = arith.cmpi eq, %jit3A_1040, %eq3A_1041 : i32
        %jit3A_1043 = arith.constant 1 : i32
        %select_n3A_1044 = arith.select %eq3A_1042, %jit3A_1043, %jit3A_1040 : i32
        %rem3A_1045 = arith.remsi %sub3A_1015, %select_n3A_1044 : i32
        %ne3A_1046 = arith.constant 0 : i32
        %ne3A_1047 = arith.cmpi ne, %rem3A_1045, %ne3A_1046 : i32
        %lt3A_1048 = arith.constant 0 : i32
        %lt3A_1049 = arith.cmpi slt, %rem3A_1045, %lt3A_1048 : i32
        %lt3A_1050 = arith.constant 0 : i32
        %lt3A_1051 = arith.cmpi slt, %select_n3A_1044, %lt3A_1050 : i32
        %ne3A_1052 = arith.xori %lt3A_1049, %lt3A_1051 : i1
        %and3A_1053 = arith.andi %ne3A_1052, %ne3A_1047 : i1
        %add3A_1054 = arith.addi %rem3A_1045, %select_n3A_1044 : i32
        %select_n3A_1055 = arith.select %and3A_1053, %add3A_1054, %rem3A_1045 : i32
        %mul3A_1056 = arith.constant 200 : i32
        %mul3A_1057 = arith.muli %select_n3A_1055, %mul3A_1056 : i32
        %mul3A_1058 = arith.constant 128 : i32
        %mul3A_1059 = arith.muli %select_n3A_1039, %mul3A_1058 : i32
        %add3A_1060 = arith.addi %mul3A_2, %mul3A_1059 : i32
        %dma_wait3A_1061 = tpu.memref_slice %arg3[%mul3A_1057, %add3A_1060] : memref<1000x16384xf32, #tpu.memory_space<hbm>> -> memref<200x128xf32, #tpu.memory_space<hbm>>
        %dma_wait3A_1062 = tpu.memref_slice %arg3[%mul3A_1057, %add3A_1060] : memref<1000x16384xf32, #tpu.memory_space<hbm>> -> memref<200x128xf32, #tpu.memory_space<hbm>>
        tpu.wait_dma2 semaphore(%arg12 : memref<!tpu.dma_semaphore, #tpu.memory_space<semaphore_mem>>) src(%arg8 : memref<200x128xf32, #tpu.memory_space<vmem>>) dst(%dma_wait3A_1062 : memref<200x128xf32, #tpu.memory_space<hbm>>)
        %sub3A_1063 = arith.constant 4 : i32
        %sub3A_1064 = arith.subi %add3A_770, %sub3A_1063 : i32
        %jit3A_1065 = arith.constant 5 : i32
        %div3A_1066 = arith.divsi %sub3A_1064, %jit3A_1065 : i32
        %sign3A_1067 = arith.constant 0 : i32
        %sign3A_1068 = arith.cmpi sgt, %sub3A_1064, %sign3A_1067 : i32
        %sign3A_1069 = arith.extui %sign3A_1068 : i1 to i32
        %sign3A_1070 = arith.constant 0 : i32
        %sign3A_1071 = arith.cmpi slt, %sub3A_1064, %sign3A_1070 : i32
        %sign3A_1072 = arith.extui %sign3A_1071 : i1 to i32
        %sign3A_1073 = arith.subi %sign3A_1069, %sign3A_1072 : i32
        %sign3A_1074 = arith.constant 0 : i32
        %sign3A_1075 = arith.cmpi sgt, %jit3A_1065, %sign3A_1074 : i32
        %sign3A_1076 = arith.extui %sign3A_1075 : i1 to i32
        %sign3A_1077 = arith.constant 0 : i32
        %sign3A_1078 = arith.cmpi slt, %jit3A_1065, %sign3A_1077 : i32
        %sign3A_1079 = arith.extui %sign3A_1078 : i1 to i32
        %sign3A_1080 = arith.subi %sign3A_1076, %sign3A_1079 : i32
        %ne3A_1081 = arith.cmpi ne, %sign3A_1073, %sign3A_1080 : i32
        %rem3A_1082 = arith.remsi %sub3A_1064, %jit3A_1065 : i32
        %ne3A_1083 = arith.constant 0 : i32
        %ne3A_1084 = arith.cmpi ne, %rem3A_1082, %ne3A_1083 : i32
        %and3A_1085 = arith.andi %ne3A_1081, %ne3A_1084 : i1
        %sub3A_1086 = arith.constant 1 : i32
        %sub3A_1087 = arith.subi %div3A_1066, %sub3A_1086 : i32
        %select_n3A_1088 = arith.select %and3A_1085, %sub3A_1087, %div3A_1066 : i32
        %jit3A_1089 = arith.constant 5 : i32
        %eq3A_1090 = arith.constant 0 : i32
        %eq3A_1091 = arith.cmpi eq, %jit3A_1089, %eq3A_1090 : i32
        %jit3A_1092 = arith.constant 1 : i32
        %select_n3A_1093 = arith.select %eq3A_1091, %jit3A_1092, %jit3A_1089 : i32
        %rem3A_1094 = arith.remsi %sub3A_1064, %select_n3A_1093 : i32
        %ne3A_1095 = arith.constant 0 : i32
        %ne3A_1096 = arith.cmpi ne, %rem3A_1094, %ne3A_1095 : i32
        %lt3A_1097 = arith.constant 0 : i32
        %lt3A_1098 = arith.cmpi slt, %rem3A_1094, %lt3A_1097 : i32
        %lt3A_1099 = arith.constant 0 : i32
        %lt3A_1100 = arith.cmpi slt, %select_n3A_1093, %lt3A_1099 : i32
        %ne3A_1101 = arith.xori %lt3A_1098, %lt3A_1100 : i1
        %and3A_1102 = arith.andi %ne3A_1101, %ne3A_1096 : i1
        %add3A_1103 = arith.addi %rem3A_1094, %select_n3A_1093 : i32
        %select_n3A_1104 = arith.select %and3A_1102, %add3A_1103, %rem3A_1094 : i32
        %mul3A_1105 = arith.constant 200 : i32
        %mul3A_1106 = arith.muli %select_n3A_1104, %mul3A_1105 : i32
        %mul3A_1107 = arith.constant 128 : i32
        %mul3A_1108 = arith.muli %select_n3A_1088, %mul3A_1107 : i32
        %add3A_1109 = arith.constant 0 : i32
        %add3A_1110 = arith.addi %mul3A_1108, %add3A_1109 : i32
        %get3A_1111 = arith.index_cast %add3A_1110 : i32 to index
        %get3A_1112 = tpu.vector_load %arg4[%get3A_1111] {strides = array<i32>} : memref<512xi32, #tpu.memory_space<vmem>>, vector<16xi32>,
        %ge3A_1113 = vector.broadcast %mul3A_1106 : i32 to vector<16xi32>
        %ge3A_1114 = arith.cmpi sge, %get3A_1112, %ge3A_1113 : vector<16xi32>
        %add3A_1115 = arith.constant 200 : i32
        %add3A_1116 = arith.addi %mul3A_1106, %add3A_1115 : i32
        %lt3A_1117 = vector.broadcast %add3A_1116 : i32 to vector<16xi32>
        %lt3A_1118 = arith.cmpi slt, %get3A_1112, %lt3A_1117 : vector<16xi32>
        %and3A_1119 = arith.andi %ge3A_1114, %lt3A_1118 : vector<16xi1>
        %sub3A_1120 = vector.broadcast %mul3A_1106 : i32 to vector<16xi32>
        %sub3A_1121 = arith.subi %get3A_1112, %sub3A_1120 : vector<16xi32>
        %add3A_1122 = arith.constant 0 : i32
        %add3A_1123 = vector.broadcast %add3A_1122 : i32 to vector<16xi32>
        %add3A_1124 = arith.addi %add3A_1123, %iota3A : vector<16xi32>
        tpu.vector_store_idx %arg8[%sub3A_1121, %add3A_1124], %broadcast_in_dim3A_4 masked %and3A_1119 : memref<200x128xf32, #tpu.memory_space<vmem>>[vector<16xi32>, vector<16xi32>], vector<16xf32>, vector<16xi1>
        %mul3A_1125 = arith.constant 128 : i32
        %mul3A_1126 = arith.muli %select_n3A_1088, %mul3A_1125 : i32
        %add3A_1127 = arith.constant 16 : i32
        %add3A_1128 = arith.addi %mul3A_1126, %add3A_1127 : i32
        %get3A_1129 = arith.index_cast %add3A_1128 : i32 to index
        %get3A_1130 = tpu.vector_load %arg4[%get3A_1129] {strides = array<i32>} : memref<512xi32, #tpu.memory_space<vmem>>, vector<16xi32>,
        %ge3A_1131 = vector.broadcast %mul3A_1106 : i32 to vector<16xi32>
        %ge3A_1132 = arith.cmpi sge, %get3A_1130, %ge3A_1131 : vector<16xi32>
        %add3A_1133 = arith.constant 200 : i32
        %add3A_1134 = arith.addi %mul3A_1106, %add3A_1133 : i32
        %lt3A_1135 = vector.broadcast %add3A_1134 : i32 to vector<16xi32>
        %lt3A_1136 = arith.cmpi slt, %get3A_1130, %lt3A_1135 : vector<16xi32>
        %and3A_1137 = arith.andi %ge3A_1132, %lt3A_1136 : vector<16xi1>
        %sub3A_1138 = vector.broadcast %mul3A_1106 : i32 to vector<16xi32>
        %sub3A_1139 = arith.subi %get3A_1130, %sub3A_1138 : vector<16xi32>
        %add3A_1140 = arith.constant 16 : i32
        %add3A_1141 = vector.broadcast %add3A_1140 : i32 to vector<16xi32>
        %add3A_1142 = arith.addi %add3A_1141, %iota3A : vector<16xi32>
        tpu.vector_store_idx %arg8[%sub3A_1139, %add3A_1142], %broadcast_in_dim3A_4 masked %and3A_1137 : memref<200x128xf32, #tpu.memory_space<vmem>>[vector<16xi32>, vector<16xi32>], vector<16xf32>, vector<16xi1>
        %mul3A_1143 = arith.constant 128 : i32
        %mul3A_1144 = arith.muli %select_n3A_1088, %mul3A_1143 : i32
        %add3A_1145 = arith.constant 32 : i32
        %add3A_1146 = arith.addi %mul3A_1144, %add3A_1145 : i32
        %get3A_1147 = arith.index_cast %add3A_1146 : i32 to index
        %get3A_1148 = tpu.vector_load %arg4[%get3A_1147] {strides = array<i32>} : memref<512xi32, #tpu.memory_space<vmem>>, vector<16xi32>,
        %ge3A_1149 = vector.broadcast %mul3A_1106 : i32 to vector<16xi32>
        %ge3A_1150 = arith.cmpi sge, %get3A_1148, %ge3A_1149 : vector<16xi32>
        %add3A_1151 = arith.constant 200 : i32
        %add3A_1152 = arith.addi %mul3A_1106, %add3A_1151 : i32
        %lt3A_1153 = vector.broadcast %add3A_1152 : i32 to vector<16xi32>
        %lt3A_1154 = arith.cmpi slt, %get3A_1148, %lt3A_1153 : vector<16xi32>
        %and3A_1155 = arith.andi %ge3A_1150, %lt3A_1154 : vector<16xi1>
        %sub3A_1156 = vector.broadcast %mul3A_1106 : i32 to vector<16xi32>
        %sub3A_1157 = arith.subi %get3A_1148, %sub3A_1156 : vector<16xi32>
        %add3A_1158 = arith.constant 32 : i32
        %add3A_1159 = vector.broadcast %add3A_1158 : i32 to vector<16xi32>
        %add3A_1160 = arith.addi %add3A_1159, %iota3A : vector<16xi32>
        tpu.vector_store_idx %arg8[%sub3A_1157, %add3A_1160], %broadcast_in_dim3A_4 masked %and3A_1155 : memref<200x128xf32, #tpu.memory_space<vmem>>[vector<16xi32>, vector<16xi32>], vector<16xf32>, vector<16xi1>
        %mul3A_1161 = arith.constant 128 : i32
        %mul3A_1162 = arith.muli %select_n3A_1088, %mul3A_1161 : i32
        %add3A_1163 = arith.constant 48 : i32
        %add3A_1164 = arith.addi %mul3A_1162, %add3A_1163 : i32
        %get3A_1165 = arith.index_cast %add3A_1164 : i32 to index
        %get3A_1166 = tpu.vector_load %arg4[%get3A_1165] {strides = array<i32>} : memref<512xi32, #tpu.memory_space<vmem>>, vector<16xi32>,
        %ge3A_1167 = vector.broadcast %mul3A_1106 : i32 to vector<16xi32>
        %ge3A_1168 = arith.cmpi sge, %get3A_1166, %ge3A_1167 : vector<16xi32>
        %add3A_1169 = arith.constant 200 : i32
        %add3A_1170 = arith.addi %mul3A_1106, %add3A_1169 : i32
        %lt3A_1171 = vector.broadcast %add3A_1170 : i32 to vector<16xi32>
        %lt3A_1172 = arith.cmpi slt, %get3A_1166, %lt3A_1171 : vector<16xi32>
        %and3A_1173 = arith.andi %ge3A_1168, %lt3A_1172 : vector<16xi1>
        %sub3A_1174 = vector.broadcast %mul3A_1106 : i32 to vector<16xi32>
        %sub3A_1175 = arith.subi %get3A_1166, %sub3A_1174 : vector<16xi32>
        %add3A_1176 = arith.constant 48 : i32
        %add3A_1177 = vector.broadcast %add3A_1176 : i32 to vector<16xi32>
        %add3A_1178 = arith.addi %add3A_1177, %iota3A : vector<16xi32>
        tpu.vector_store_idx %arg8[%sub3A_1175, %add3A_1178], %broadcast_in_dim3A_4 masked %and3A_1173 : memref<200x128xf32, #tpu.memory_space<vmem>>[vector<16xi32>, vector<16xi32>], vector<16xf32>, vector<16xi1>
        %mul3A_1179 = arith.constant 128 : i32
        %mul3A_1180 = arith.muli %select_n3A_1088, %mul3A_1179 : i32
        %add3A_1181 = arith.constant 64 : i32
        %add3A_1182 = arith.addi %mul3A_1180, %add3A_1181 : i32
        %get3A_1183 = arith.index_cast %add3A_1182 : i32 to index
        %get3A_1184 = tpu.vector_load %arg4[%get3A_1183] {strides = array<i32>} : memref<512xi32, #tpu.memory_space<vmem>>, vector<16xi32>,
        %ge3A_1185 = vector.broadcast %mul3A_1106 : i32 to vector<16xi32>
        %ge3A_1186 = arith.cmpi sge, %get3A_1184, %ge3A_1185 : vector<16xi32>
        %add3A_1187 = arith.constant 200 : i32
        %add3A_1188 = arith.addi %mul3A_1106, %add3A_1187 : i32
        %lt3A_1189 = vector.broadcast %add3A_1188 : i32 to vector<16xi32>
        %lt3A_1190 = arith.cmpi slt, %get3A_1184, %lt3A_1189 : vector<16xi32>
        %and3A_1191 = arith.andi %ge3A_1186, %lt3A_1190 : vector<16xi1>
        %sub3A_1192 = vector.broadcast %mul3A_1106 : i32 to vector<16xi32>
        %sub3A_1193 = arith.subi %get3A_1184, %sub3A_1192 : vector<16xi32>
        %add3A_1194 = arith.constant 64 : i32
        %add3A_1195 = vector.broadcast %add3A_1194 : i32 to vector<16xi32>
        %add3A_1196 = arith.addi %add3A_1195, %iota3A : vector<16xi32>
        tpu.vector_store_idx %arg8[%sub3A_1193, %add3A_1196], %broadcast_in_dim3A_4 masked %and3A_1191 : memref<200x128xf32, #tpu.memory_space<vmem>>[vector<16xi32>, vector<16xi32>], vector<16xf32>, vector<16xi1>
        %mul3A_1197 = arith.constant 128 : i32
        %mul3A_1198 = arith.muli %select_n3A_1088, %mul3A_1197 : i32
        %add3A_1199 = arith.constant 80 : i32
        %add3A_1200 = arith.addi %mul3A_1198, %add3A_1199 : i32
        %get3A_1201 = arith.index_cast %add3A_1200 : i32 to index
        %get3A_1202 = tpu.vector_load %arg4[%get3A_1201] {strides = array<i32>} : memref<512xi32, #tpu.memory_space<vmem>>, vector<16xi32>,
        %ge3A_1203 = vector.broadcast %mul3A_1106 : i32 to vector<16xi32>
        %ge3A_1204 = arith.cmpi sge, %get3A_1202, %ge3A_1203 : vector<16xi32>
        %add3A_1205 = arith.constant 200 : i32
        %add3A_1206 = arith.addi %mul3A_1106, %add3A_1205 : i32
        %lt3A_1207 = vector.broadcast %add3A_1206 : i32 to vector<16xi32>
        %lt3A_1208 = arith.cmpi slt, %get3A_1202, %lt3A_1207 : vector<16xi32>
        %and3A_1209 = arith.andi %ge3A_1204, %lt3A_1208 : vector<16xi1>
        %sub3A_1210 = vector.broadcast %mul3A_1106 : i32 to vector<16xi32>
        %sub3A_1211 = arith.subi %get3A_1202, %sub3A_1210 : vector<16xi32>
        %add3A_1212 = arith.constant 80 : i32
        %add3A_1213 = vector.broadcast %add3A_1212 : i32 to vector<16xi32>
        %add3A_1214 = arith.addi %add3A_1213, %iota3A : vector<16xi32>
        tpu.vector_store_idx %arg8[%sub3A_1211, %add3A_1214], %broadcast_in_dim3A_4 masked %and3A_1209 : memref<200x128xf32, #tpu.memory_space<vmem>>[vector<16xi32>, vector<16xi32>], vector<16xf32>, vector<16xi1>
        %mul3A_1215 = arith.constant 128 : i32
        %mul3A_1216 = arith.muli %select_n3A_1088, %mul3A_1215 : i32
        %add3A_1217 = arith.constant 96 : i32
        %add3A_1218 = arith.addi %mul3A_1216, %add3A_1217 : i32
        %get3A_1219 = arith.index_cast %add3A_1218 : i32 to index
        %get3A_1220 = tpu.vector_load %arg4[%get3A_1219] {strides = array<i32>} : memref<512xi32, #tpu.memory_space<vmem>>, vector<16xi32>,
        %ge3A_1221 = vector.broadcast %mul3A_1106 : i32 to vector<16xi32>
        %ge3A_1222 = arith.cmpi sge, %get3A_1220, %ge3A_1221 : vector<16xi32>
        %add3A_1223 = arith.constant 200 : i32
        %add3A_1224 = arith.addi %mul3A_1106, %add3A_1223 : i32
        %lt3A_1225 = vector.broadcast %add3A_1224 : i32 to vector<16xi32>
        %lt3A_1226 = arith.cmpi slt, %get3A_1220, %lt3A_1225 : vector<16xi32>
        %and3A_1227 = arith.andi %ge3A_1222, %lt3A_1226 : vector<16xi1>
        %sub3A_1228 = vector.broadcast %mul3A_1106 : i32 to vector<16xi32>
        %sub3A_1229 = arith.subi %get3A_1220, %sub3A_1228 : vector<16xi32>
        %add3A_1230 = arith.constant 96 : i32
        %add3A_1231 = vector.broadcast %add3A_1230 : i32 to vector<16xi32>
        %add3A_1232 = arith.addi %add3A_1231, %iota3A : vector<16xi32>
        tpu.vector_store_idx %arg8[%sub3A_1229, %add3A_1232], %broadcast_in_dim3A_4 masked %and3A_1227 : memref<200x128xf32, #tpu.memory_space<vmem>>[vector<16xi32>, vector<16xi32>], vector<16xf32>, vector<16xi1>
        %mul3A_1233 = arith.constant 128 : i32
        %mul3A_1234 = arith.muli %select_n3A_1088, %mul3A_1233 : i32
        %add3A_1235 = arith.constant 112 : i32
        %add3A_1236 = arith.addi %mul3A_1234, %add3A_1235 : i32
        %get3A_1237 = arith.index_cast %add3A_1236 : i32 to index
        %get3A_1238 = tpu.vector_load %arg4[%get3A_1237] {strides = array<i32>} : memref<512xi32, #tpu.memory_space<vmem>>, vector<16xi32>,
        %ge3A_1239 = vector.broadcast %mul3A_1106 : i32 to vector<16xi32>
        %ge3A_1240 = arith.cmpi sge, %get3A_1238, %ge3A_1239 : vector<16xi32>
        %add3A_1241 = arith.constant 200 : i32
        %add3A_1242 = arith.addi %mul3A_1106, %add3A_1241 : i32
        %lt3A_1243 = vector.broadcast %add3A_1242 : i32 to vector<16xi32>
        %lt3A_1244 = arith.cmpi slt, %get3A_1238, %lt3A_1243 : vector<16xi32>
        %and3A_1245 = arith.andi %ge3A_1240, %lt3A_1244 : vector<16xi1>
        %sub3A_1246 = vector.broadcast %mul3A_1106 : i32 to vector<16xi32>
        %sub3A_1247 = arith.subi %get3A_1238, %sub3A_1246 : vector<16xi32>
        %add3A_1248 = arith.constant 112 : i32
        %add3A_1249 = vector.broadcast %add3A_1248 : i32 to vector<16xi32>
        %add3A_1250 = arith.addi %add3A_1249, %iota3A : vector<16xi32>
        tpu.vector_store_idx %arg8[%sub3A_1247, %add3A_1250], %broadcast_in_dim3A_4 masked %and3A_1245 : memref<200x128xf32, #tpu.memory_space<vmem>>[vector<16xi32>, vector<16xi32>], vector<16xf32>, vector<16xi1>
      } else {
      }
      %jit3A_781 = arith.constant 5 : i32
      %div3A_782 = arith.divsi %add3A_770, %jit3A_781 : i32
      %sign3A_783 = arith.constant 0 : i32
      %sign3A_784 = arith.cmpi sgt, %add3A_770, %sign3A_783 : i32
      %sign3A_785 = arith.extui %sign3A_784 : i1 to i32
      %sign3A_786 = arith.constant 0 : i32
      %sign3A_787 = arith.cmpi slt, %add3A_770, %sign3A_786 : i32
      %sign3A_788 = arith.extui %sign3A_787 : i1 to i32
      %sign3A_789 = arith.subi %sign3A_785, %sign3A_788 : i32
      %sign3A_790 = arith.constant 0 : i32
      %sign3A_791 = arith.cmpi sgt, %jit3A_781, %sign3A_790 : i32
      %sign3A_792 = arith.extui %sign3A_791 : i1 to i32
      %sign3A_793 = arith.constant 0 : i32
      %sign3A_794 = arith.cmpi slt, %jit3A_781, %sign3A_793 : i32
      %sign3A_795 = arith.extui %sign3A_794 : i1 to i32
      %sign3A_796 = arith.subi %sign3A_792, %sign3A_795 : i32
      %ne3A_797 = arith.cmpi ne, %sign3A_789, %sign3A_796 : i32
      %rem3A_798 = arith.remsi %add3A_770, %jit3A_781 : i32
      %ne3A_799 = arith.constant 0 : i32
      %ne3A_800 = arith.cmpi ne, %rem3A_798, %ne3A_799 : i32
      %and3A_801 = arith.andi %ne3A_797, %ne3A_800 : i1
      %sub3A_802 = arith.constant 1 : i32
      %sub3A_803 = arith.subi %div3A_782, %sub3A_802 : i32
      %select_n3A_804 = arith.select %and3A_801, %sub3A_803, %div3A_782 : i32
      %jit3A_805 = arith.constant 5 : i32
      %eq3A_806 = arith.constant 0 : i32
      %eq3A_807 = arith.cmpi eq, %jit3A_805, %eq3A_806 : i32
      %jit3A_808 = arith.constant 1 : i32
      %select_n3A_809 = arith.select %eq3A_807, %jit3A_808, %jit3A_805 : i32
      %rem3A_810 = arith.remsi %add3A_770, %select_n3A_809 : i32
      %ne3A_811 = arith.constant 0 : i32
      %ne3A_812 = arith.cmpi ne, %rem3A_810, %ne3A_811 : i32
      %lt3A_813 = arith.constant 0 : i32
      %lt3A_814 = arith.cmpi slt, %rem3A_810, %lt3A_813 : i32
      %lt3A_815 = arith.constant 0 : i32
      %lt3A_816 = arith.cmpi slt, %select_n3A_809, %lt3A_815 : i32
      %ne3A_817 = arith.xori %lt3A_814, %lt3A_816 : i1
      %and3A_818 = arith.andi %ne3A_817, %ne3A_812 : i1
      %add3A_819 = arith.addi %rem3A_810, %select_n3A_809 : i32
      %select_n3A_820 = arith.select %and3A_818, %add3A_819, %rem3A_810 : i32
      %mul3A_821 = arith.constant 200 : i32
      %mul3A_822 = arith.muli %select_n3A_820, %mul3A_821 : i32
      %mul3A_823 = arith.constant 128 : i32
      %mul3A_824 = arith.muli %select_n3A_804, %mul3A_823 : i32
      %add3A_825 = arith.constant 0 : i32
      %add3A_826 = arith.addi %mul3A_824, %add3A_825 : i32
      %get3A_827 = arith.index_cast %add3A_826 : i32 to index
      %get3A_828 = tpu.vector_load %arg4[%get3A_827] {strides = array<i32>} : memref<512xi32, #tpu.memory_space<vmem>>, vector<16xi32>,
      %ge3A_829 = vector.broadcast %mul3A_822 : i32 to vector<16xi32>
      %ge3A_830 = arith.cmpi sge, %get3A_828, %ge3A_829 : vector<16xi32>
      %add3A_831 = arith.constant 200 : i32
      %add3A_832 = arith.addi %mul3A_822, %add3A_831 : i32
      %lt3A_833 = vector.broadcast %add3A_832 : i32 to vector<16xi32>
      %lt3A_834 = arith.cmpi slt, %get3A_828, %lt3A_833 : vector<16xi32>
      %and3A_835 = arith.andi %ge3A_830, %lt3A_834 : vector<16xi1>
      %sub3A_836 = vector.broadcast %mul3A_822 : i32 to vector<16xi32>
      %sub3A_837 = arith.subi %get3A_828, %sub3A_836 : vector<16xi32>
      %add3A_838 = arith.constant 0 : i32
      %add3A_839 = vector.broadcast %add3A_838 : i32 to vector<16xi32>
      %add3A_840 = arith.addi %add3A_839, %iota3A : vector<16xi32>
      tpu.vector_store_idx %arg8[%sub3A_837, %add3A_840], %broadcast_in_dim3A_6 masked %and3A_835 : memref<200x128xf32, #tpu.memory_space<vmem>>[vector<16xi32>, vector<16xi32>], vector<16xf32>, vector<16xi1>
      %mul3A_841 = arith.constant 128 : i32
      %mul3A_842 = arith.muli %select_n3A_804, %mul3A_841 : i32
      %add3A_843 = arith.constant 16 : i32
      %add3A_844 = arith.addi %mul3A_842, %add3A_843 : i32
      %get3A_845 = arith.index_cast %add3A_844 : i32 to index
      %get3A_846 = tpu.vector_load %arg4[%get3A_845] {strides = array<i32>} : memref<512xi32, #tpu.memory_space<vmem>>, vector<16xi32>,
      %ge3A_847 = vector.broadcast %mul3A_822 : i32 to vector<16xi32>
      %ge3A_848 = arith.cmpi sge, %get3A_846, %ge3A_847 : vector<16xi32>
      %add3A_849 = arith.constant 200 : i32
      %add3A_850 = arith.addi %mul3A_822, %add3A_849 : i32
      %lt3A_851 = vector.broadcast %add3A_850 : i32 to vector<16xi32>
      %lt3A_852 = arith.cmpi slt, %get3A_846, %lt3A_851 : vector<16xi32>
      %and3A_853 = arith.andi %ge3A_848, %lt3A_852 : vector<16xi1>
      %sub3A_854 = vector.broadcast %mul3A_822 : i32 to vector<16xi32>
      %sub3A_855 = arith.subi %get3A_846, %sub3A_854 : vector<16xi32>
      %add3A_856 = arith.constant 16 : i32
      %add3A_857 = vector.broadcast %add3A_856 : i32 to vector<16xi32>
      %add3A_858 = arith.addi %add3A_857, %iota3A : vector<16xi32>
      tpu.vector_store_idx %arg8[%sub3A_855, %add3A_858], %broadcast_in_dim3A_6 masked %and3A_853 : memref<200x128xf32, #tpu.memory_space<vmem>>[vector<16xi32>, vector<16xi32>], vector<16xf32>, vector<16xi1>
      %mul3A_859 = arith.constant 128 : i32
      %mul3A_860 = arith.muli %select_n3A_804, %mul3A_859 : i32
      %add3A_861 = arith.constant 32 : i32
      %add3A_862 = arith.addi %mul3A_860, %add3A_861 : i32
      %get3A_863 = arith.index_cast %add3A_862 : i32 to index
      %get3A_864 = tpu.vector_load %arg4[%get3A_863] {strides = array<i32>} : memref<512xi32, #tpu.memory_space<vmem>>, vector<16xi32>,
      %ge3A_865 = vector.broadcast %mul3A_822 : i32 to vector<16xi32>
      %ge3A_866 = arith.cmpi sge, %get3A_864, %ge3A_865 : vector<16xi32>
      %add3A_867 = arith.constant 200 : i32
      %add3A_868 = arith.addi %mul3A_822, %add3A_867 : i32
      %lt3A_869 = vector.broadcast %add3A_868 : i32 to vector<16xi32>
      %lt3A_870 = arith.cmpi slt, %get3A_864, %lt3A_869 : vector<16xi32>
      %and3A_871 = arith.andi %ge3A_866, %lt3A_870 : vector<16xi1>
      %sub3A_872 = vector.broadcast %mul3A_822 : i32 to vector<16xi32>
      %sub3A_873 = arith.subi %get3A_864, %sub3A_872 : vector<16xi32>
      %add3A_874 = arith.constant 32 : i32
      %add3A_875 = vector.broadcast %add3A_874 : i32 to vector<16xi32>
      %add3A_876 = arith.addi %add3A_875, %iota3A : vector<16xi32>
      tpu.vector_store_idx %arg8[%sub3A_873, %add3A_876], %broadcast_in_dim3A_6 masked %and3A_871 : memref<200x128xf32, #tpu.memory_space<vmem>>[vector<16xi32>, vector<16xi32>], vector<16xf32>, vector<16xi1>
      %mul3A_877 = arith.constant 128 : i32
      %mul3A_878 = arith.muli %select_n3A_804, %mul3A_877 : i32
      %add3A_879 = arith.constant 48 : i32
      %add3A_880 = arith.addi %mul3A_878, %add3A_879 : i32
      %get3A_881 = arith.index_cast %add3A_880 : i32 to index
      %get3A_882 = tpu.vector_load %arg4[%get3A_881] {strides = array<i32>} : memref<512xi32, #tpu.memory_space<vmem>>, vector<16xi32>,
      %ge3A_883 = vector.broadcast %mul3A_822 : i32 to vector<16xi32>
      %ge3A_884 = arith.cmpi sge, %get3A_882, %ge3A_883 : vector<16xi32>
      %add3A_885 = arith.constant 200 : i32
      %add3A_886 = arith.addi %mul3A_822, %add3A_885 : i32
      %lt3A_887 = vector.broadcast %add3A_886 : i32 to vector<16xi32>
      %lt3A_888 = arith.cmpi slt, %get3A_882, %lt3A_887 : vector<16xi32>
      %and3A_889 = arith.andi %ge3A_884, %lt3A_888 : vector<16xi1>
      %sub3A_890 = vector.broadcast %mul3A_822 : i32 to vector<16xi32>
      %sub3A_891 = arith.subi %get3A_882, %sub3A_890 : vector<16xi32>
      %add3A_892 = arith.constant 48 : i32
      %add3A_893 = vector.broadcast %add3A_892 : i32 to vector<16xi32>
      %add3A_894 = arith.addi %add3A_893, %iota3A : vector<16xi32>
      tpu.vector_store_idx %arg8[%sub3A_891, %add3A_894], %broadcast_in_dim3A_6 masked %and3A_889 : memref<200x128xf32, #tpu.memory_space<vmem>>[vector<16xi32>, vector<16xi32>], vector<16xf32>, vector<16xi1>
      %mul3A_895 = arith.constant 128 : i32
      %mul3A_896 = arith.muli %select_n3A_804, %mul3A_895 : i32
      %add3A_897 = arith.constant 64 : i32
      %add3A_898 = arith.addi %mul3A_896, %add3A_897 : i32
      %get3A_899 = arith.index_cast %add3A_898 : i32 to index
      %get3A_900 = tpu.vector_load %arg4[%get3A_899] {strides = array<i32>} : memref<512xi32, #tpu.memory_space<vmem>>, vector<16xi32>,
      %ge3A_901 = vector.broadcast %mul3A_822 : i32 to vector<16xi32>
      %ge3A_902 = arith.cmpi sge, %get3A_900, %ge3A_901 : vector<16xi32>
      %add3A_903 = arith.constant 200 : i32
      %add3A_904 = arith.addi %mul3A_822, %add3A_903 : i32
      %lt3A_905 = vector.broadcast %add3A_904 : i32 to vector<16xi32>
      %lt3A_906 = arith.cmpi slt, %get3A_900, %lt3A_905 : vector<16xi32>
      %and3A_907 = arith.andi %ge3A_902, %lt3A_906 : vector<16xi1>
      %sub3A_908 = vector.broadcast %mul3A_822 : i32 to vector<16xi32>
      %sub3A_909 = arith.subi %get3A_900, %sub3A_908 : vector<16xi32>
      %add3A_910 = arith.constant 64 : i32
      %add3A_911 = vector.broadcast %add3A_910 : i32 to vector<16xi32>
      %add3A_912 = arith.addi %add3A_911, %iota3A : vector<16xi32>
      tpu.vector_store_idx %arg8[%sub3A_909, %add3A_912], %broadcast_in_dim3A_6 masked %and3A_907 : memref<200x128xf32, #tpu.memory_space<vmem>>[vector<16xi32>, vector<16xi32>], vector<16xf32>, vector<16xi1>
      %mul3A_913 = arith.constant 128 : i32
      %mul3A_914 = arith.muli %select_n3A_804, %mul3A_913 : i32
      %add3A_915 = arith.constant 80 : i32
      %add3A_916 = arith.addi %mul3A_914, %add3A_915 : i32
      %get3A_917 = arith.index_cast %add3A_916 : i32 to index
      %get3A_918 = tpu.vector_load %arg4[%get3A_917] {strides = array<i32>} : memref<512xi32, #tpu.memory_space<vmem>>, vector<16xi32>,
      %ge3A_919 = vector.broadcast %mul3A_822 : i32 to vector<16xi32>
      %ge3A_920 = arith.cmpi sge, %get3A_918, %ge3A_919 : vector<16xi32>
      %add3A_921 = arith.constant 200 : i32
      %add3A_922 = arith.addi %mul3A_822, %add3A_921 : i32
      %lt3A_923 = vector.broadcast %add3A_922 : i32 to vector<16xi32>
      %lt3A_924 = arith.cmpi slt, %get3A_918, %lt3A_923 : vector<16xi32>
      %and3A_925 = arith.andi %ge3A_920, %lt3A_924 : vector<16xi1>
      %sub3A_926 = vector.broadcast %mul3A_822 : i32 to vector<16xi32>
      %sub3A_927 = arith.subi %get3A_918, %sub3A_926 : vector<16xi32>
      %add3A_928 = arith.constant 80 : i32
      %add3A_929 = vector.broadcast %add3A_928 : i32 to vector<16xi32>
      %add3A_930 = arith.addi %add3A_929, %iota3A : vector<16xi32>
      tpu.vector_store_idx %arg8[%sub3A_927, %add3A_930], %broadcast_in_dim3A_6 masked %and3A_925 : memref<200x128xf32, #tpu.memory_space<vmem>>[vector<16xi32>, vector<16xi32>], vector<16xf32>, vector<16xi1>
      %mul3A_931 = arith.constant 128 : i32
      %mul3A_932 = arith.muli %select_n3A_804, %mul3A_931 : i32
      %add3A_933 = arith.constant 96 : i32
      %add3A_934 = arith.addi %mul3A_932, %add3A_933 : i32
      %get3A_935 = arith.index_cast %add3A_934 : i32 to index
      %get3A_936 = tpu.vector_load %arg4[%get3A_935] {strides = array<i32>} : memref<512xi32, #tpu.memory_space<vmem>>, vector<16xi32>,
      %ge3A_937 = vector.broadcast %mul3A_822 : i32 to vector<16xi32>
      %ge3A_938 = arith.cmpi sge, %get3A_936, %ge3A_937 : vector<16xi32>
      %add3A_939 = arith.constant 200 : i32
      %add3A_940 = arith.addi %mul3A_822, %add3A_939 : i32
      %lt3A_941 = vector.broadcast %add3A_940 : i32 to vector<16xi32>
      %lt3A_942 = arith.cmpi slt, %get3A_936, %lt3A_941 : vector<16xi32>
      %and3A_943 = arith.andi %ge3A_938, %lt3A_942 : vector<16xi1>
      %sub3A_944 = vector.broadcast %mul3A_822 : i32 to vector<16xi32>
      %sub3A_945 = arith.subi %get3A_936, %sub3A_944 : vector<16xi32>
      %add3A_946 = arith.constant 96 : i32
      %add3A_947 = vector.broadcast %add3A_946 : i32 to vector<16xi32>
      %add3A_948 = arith.addi %add3A_947, %iota3A : vector<16xi32>
      tpu.vector_store_idx %arg8[%sub3A_945, %add3A_948], %broadcast_in_dim3A_6 masked %and3A_943 : memref<200x128xf32, #tpu.memory_space<vmem>>[vector<16xi32>, vector<16xi32>], vector<16xf32>, vector<16xi1>
      %mul3A_949 = arith.constant 128 : i32
      %mul3A_950 = arith.muli %select_n3A_804, %mul3A_949 : i32
      %add3A_951 = arith.constant 112 : i32
      %add3A_952 = arith.addi %mul3A_950, %add3A_951 : i32
      %get3A_953 = arith.index_cast %add3A_952 : i32 to index
      %get3A_954 = tpu.vector_load %arg4[%get3A_953] {strides = array<i32>} : memref<512xi32, #tpu.memory_space<vmem>>, vector<16xi32>,
      %ge3A_955 = vector.broadcast %mul3A_822 : i32 to vector<16xi32>
      %ge3A_956 = arith.cmpi sge, %get3A_954, %ge3A_955 : vector<16xi32>
      %add3A_957 = arith.constant 200 : i32
      %add3A_958 = arith.addi %mul3A_822, %add3A_957 : i32
      %lt3A_959 = vector.broadcast %add3A_958 : i32 to vector<16xi32>
      %lt3A_960 = arith.cmpi slt, %get3A_954, %lt3A_959 : vector<16xi32>
      %and3A_961 = arith.andi %ge3A_956, %lt3A_960 : vector<16xi1>
      %sub3A_962 = vector.broadcast %mul3A_822 : i32 to vector<16xi32>
      %sub3A_963 = arith.subi %get3A_954, %sub3A_962 : vector<16xi32>
      %add3A_964 = arith.constant 112 : i32
      %add3A_965 = vector.broadcast %add3A_964 : i32 to vector<16xi32>
      %add3A_966 = arith.addi %add3A_965, %iota3A : vector<16xi32>
      tpu.vector_store_idx %arg8[%sub3A_963, %add3A_966], %broadcast_in_dim3A_6 masked %and3A_961 : memref<200x128xf32, #tpu.memory_space<vmem>>[vector<16xi32>, vector<16xi32>], vector<16xf32>, vector<16xi1>
      %jit3A_967 = arith.constant 5 : i32
      %div3A_968 = arith.divsi %add3A_770, %jit3A_967 : i32
      %sign3A_969 = arith.constant 0 : i32
      %sign3A_970 = arith.cmpi sgt, %add3A_770, %sign3A_969 : i32
      %sign3A_971 = arith.extui %sign3A_970 : i1 to i32
      %sign3A_972 = arith.constant 0 : i32
      %sign3A_973 = arith.cmpi slt, %add3A_770, %sign3A_972 : i32
      %sign3A_974 = arith.extui %sign3A_973 : i1 to i32
      %sign3A_975 = arith.subi %sign3A_971, %sign3A_974 : i32
      %sign3A_976 = arith.constant 0 : i32
      %sign3A_977 = arith.cmpi sgt, %jit3A_967, %sign3A_976 : i32
      %sign3A_978 = arith.extui %sign3A_977 : i1 to i32
      %sign3A_979 = arith.constant 0 : i32
      %sign3A_980 = arith.cmpi slt, %jit3A_967, %sign3A_979 : i32
      %sign3A_981 = arith.extui %sign3A_980 : i1 to i32
      %sign3A_982 = arith.subi %sign3A_978, %sign3A_981 : i32
      %ne3A_983 = arith.cmpi ne, %sign3A_975, %sign3A_982 : i32
      %rem3A_984 = arith.remsi %add3A_770, %jit3A_967 : i32
      %ne3A_985 = arith.constant 0 : i32
      %ne3A_986 = arith.cmpi ne, %rem3A_984, %ne3A_985 : i32
      %and3A_987 = arith.andi %ne3A_983, %ne3A_986 : i1
      %sub3A_988 = arith.constant 1 : i32
      %sub3A_989 = arith.subi %div3A_968, %sub3A_988 : i32
      %select_n3A_990 = arith.select %and3A_987, %sub3A_989, %div3A_968 : i32
      %jit3A_991 = arith.constant 5 : i32
      %eq3A_992 = arith.constant 0 : i32
      %eq3A_993 = arith.cmpi eq, %jit3A_991, %eq3A_992 : i32
      %jit3A_994 = arith.constant 1 : i32
      %select_n3A_995 = arith.select %eq3A_993, %jit3A_994, %jit3A_991 : i32
      %rem3A_996 = arith.remsi %add3A_770, %select_n3A_995 : i32
      %ne3A_997 = arith.constant 0 : i32
      %ne3A_998 = arith.cmpi ne, %rem3A_996, %ne3A_997 : i32
      %lt3A_999 = arith.constant 0 : i32
      %lt3A_1000 = arith.cmpi slt, %rem3A_996, %lt3A_999 : i32
      %lt3A_1001 = arith.constant 0 : i32
      %lt3A_1002 = arith.cmpi slt, %select_n3A_995, %lt3A_1001 : i32
      %ne3A_1003 = arith.xori %lt3A_1000, %lt3A_1002 : i1
      %and3A_1004 = arith.andi %ne3A_1003, %ne3A_998 : i1
      %add3A_1005 = arith.addi %rem3A_996, %select_n3A_995 : i32
      %select_n3A_1006 = arith.select %and3A_1004, %add3A_1005, %rem3A_996 : i32
      %mul3A_1007 = arith.constant 200 : i32
      %mul3A_1008 = arith.muli %select_n3A_1006, %mul3A_1007 : i32
      %mul3A_1009 = arith.constant 128 : i32
      %mul3A_1010 = arith.muli %select_n3A_990, %mul3A_1009 : i32
      %add3A_1011 = arith.addi %mul3A_2, %mul3A_1010 : i32
      %dma_start3A_1012 = tpu.memref_slice %arg3[%mul3A_1008, %add3A_1011] : memref<1000x16384xf32, #tpu.memory_space<hbm>> -> memref<200x128xf32, #tpu.memory_space<hbm>>
      %dma_start3A_1013 = tpu.memref_slice %arg3[%mul3A_1008, %add3A_1011] : memref<1000x16384xf32, #tpu.memory_space<hbm>> -> memref<200x128xf32, #tpu.memory_space<hbm>>
      tpu.enqueue_dma source(%arg8 : memref<200x128xf32, #tpu.memory_space<vmem>>) target(%dma_start3A_1013 : memref<200x128xf32, #tpu.memory_space<hbm>>) target_semaphore(%arg12 : memref<!tpu.dma_semaphore, #tpu.memory_space<semaphore_mem>>)
    }
    %scan3A_11 = arith.constant 5 : i32
    %add3A_12 = arith.constant 384 : i32
    %add3A_13 = arith.addi %mul3A_2, %add3A_12 : i32
    %dma_wait3A = arith.constant 200 : i32
    %dma_wait3A_14 = tpu.memref_slice %arg3[%dma_wait3A, %add3A_13] : memref<1000x16384xf32, #tpu.memory_space<hbm>> -> memref<200x128xf32, #tpu.memory_space<hbm>>
    %dma_wait3A_15 = arith.constant 200 : i32
    %dma_wait3A_16 = tpu.memref_slice %arg3[%dma_wait3A_15, %add3A_13] : memref<1000x16384xf32, #tpu.memory_space<hbm>> -> memref<200x128xf32, #tpu.memory_space<hbm>>
    tpu.wait_dma2 semaphore(%arg9 : memref<!tpu.dma_semaphore, #tpu.memory_space<semaphore_mem>>) src(%arg5 : memref<200x128xf32, #tpu.memory_space<vmem>>) dst(%dma_wait3A_16 : memref<200x128xf32, #tpu.memory_space<hbm>>)
    %add3A_17 = arith.constant 384 : i32
    %add3A_18 = arith.addi %mul3A_2, %add3A_17 : i32
    %dma_wait3A_19 = arith.constant 400 : i32
    %dma_wait3A_20 = tpu.memref_slice %arg3[%dma_wait3A_19, %add3A_18] : memref<1000x16384xf32, #tpu.memory_space<hbm>> -> memref<200x128xf32, #tpu.memory_space<hbm>>
    %dma_wait3A_21 = arith.constant 400 : i32
    %dma_wait3A_22 = tpu.memref_slice %arg3[%dma_wait3A_21, %add3A_18] : memref<1000x16384xf32, #tpu.memory_space<hbm>> -> memref<200x128xf32, #tpu.memory_space<hbm>>
    tpu.wait_dma2 semaphore(%arg10 : memref<!tpu.dma_semaphore, #tpu.memory_space<semaphore_mem>>) src(%arg6 : memref<200x128xf32, #tpu.memory_space<vmem>>) dst(%dma_wait3A_22 : memref<200x128xf32, #tpu.memory_space<hbm>>)
    %add3A_23 = arith.constant 384 : i32
    %add3A_24 = arith.addi %mul3A_2, %add3A_23 : i32
    %dma_wait3A_25 = arith.constant 600 : i32
    %dma_wait3A_26 = tpu.memref_slice %arg3[%dma_wait3A_25, %add3A_24] : memref<1000x16384xf32, #tpu.memory_space<hbm>> -> memref<200x128xf32, #tpu.memory_space<hbm>>
    %dma_wait3A_27 = arith.constant 600 : i32
    %dma_wait3A_28 = tpu.memref_slice %arg3[%dma_wait3A_27, %add3A_24] : memref<1000x16384xf32, #tpu.memory_space<hbm>> -> memref<200x128xf32, #tpu.memory_space<hbm>>
    tpu.wait_dma2 semaphore(%arg11 : memref<!tpu.dma_semaphore, #tpu.memory_space<semaphore_mem>>) src(%arg7 : memref<200x128xf32, #tpu.memory_space<vmem>>) dst(%dma_wait3A_28 : memref<200x128xf32, #tpu.memory_space<hbm>>)
    %add3A_29 = arith.constant 384 : i32
    %add3A_30 = arith.addi %mul3A_2, %add3A_29 : i32
    %dma_wait3A_31 = arith.constant 800 : i32
    %dma_wait3A_32 = tpu.memref_slice %arg3[%dma_wait3A_31, %add3A_30] : memref<1000x16384xf32, #tpu.memory_space<hbm>> -> memref<200x128xf32, #tpu.memory_space<hbm>>
    %dma_wait3A_33 = arith.constant 800 : i32
    %dma_wait3A_34 = tpu.memref_slice %arg3[%dma_wait3A_33, %add3A_30] : memref<1000x16384xf32, #tpu.memory_space<hbm>> -> memref<200x128xf32, #tpu.memory_space<hbm>>
    tpu.wait_dma2 semaphore(%arg12 : memref<!tpu.dma_semaphore, #tpu.memory_space<semaphore_mem>>) src(%arg8 : memref<200x128xf32, #tpu.memory_space<vmem>>) dst(%dma_wait3A_34 : memref<200x128xf32, #tpu.memory_space<hbm>>)
    return
  }
}

</mosaic_0001>

<sc_bundles>
// kernel: kernel.3.cloned.1.call-start
scs
__scs_entry_jumppad:
0x0: {  	(pc) =	sbr.rel $0x88, $3  }
0x1: {  	(tag) =	ssettag $0x0;
	lr =	simm.s32 $0x1  }
0x2: {  	[smem:$0x3FA0] =	sst lr;
	_ =	strace $0xD0000000  }
0x3: {  	_ = 	snop  }
0x4: {  	_ = 	snop  }
0x5: {  	_ = 	snop  }
0x6: {  	_ = 	snop  }
0x7: {  	_ = 	snop  }
__scs_overlays_trampoline_lowered:
0x8: {  	[smem:$0x3FAF] =	sst s0  }
0x9: {  	[smem:$0x3FB0] =	sst s1  }
0xa: {  	[smem:$0x3FB1] =	sst s2  }
0xb: {  	[smem:$0x3FB2] =	sst s3  }
0xc: {  	[smem:$0x3FB3] =	sst s4  }
0xd: {  	[smem:$0x3FB4] =	sst s5  }
0xe: {  	[smem:$0x3FB5] =	sst s6  }
0xf: {  	[smem:$0x3FB6] =	sst s7  }
0x10: {  	[smem:$0x3FB7] =	sst s8  }
0x11: {  	[smem:$0x3FB8] =	sst s9;
	s0 =	simm.s32 @!p0 $0x0  }
0x12: {  	s1 =	sld [smem:$0x3F9E];
	s0 =	simm.s32 @p0 $0x1  }
0x13: {  	[smem:$0x3FB9] =	sst s0;
	s0 =	simm.s32 @!p1 $0x0  }
0x14: {  	s2 =	sld [smem:$0x3F9D];
	s0 =	simm.s32 @p1 $0x1  }
0x15: {  	[smem:$0x3FBA] =	sst s0;
	s0 =	simm.s32 @!p2 $0x0  }
0x16: {  	s3 =	sld [smem:$0x3FDB];
	s0 =	simm.s32 @p2 $0x1  }
0x17: {  	s4 =	simm.s32 $0x1BF5;
	[smem:$0x3FBC] =	sst s0  }
0x18: {  	s0 =	sld [smem:$0x3F9F];
	_ =	swait.ge [sflag:s4], $0x0  }
0x19: {  	s7 =	sld [smem:$0x3FA0]  }
0x1a: {  	s8 =	sadd.s32 $0xFFFFE003, lr  }
0x1b: {  	s9 =	sadd.s32 $0xFFFFFEF7, lr;
	s5 =	simm.s32 $0xFFFFFFFF;
	p2 =	slt.u32 s8, $0xFFFFF086  }
0x1c: {  	p1 =	slt.u32 s9, $0xF7A;
	s5 =	simm.s32 @!p2 $0x0  }
0x1d: {  	s5 =	simm.s32 @p1 $0x1;
	p0 =	seq.s32 s7, s2  }
0x1e: {  	s7 =	smul.u32 @!p0 $0xF7A, s2;
	p2 =	seq.s32 @!p0 s5, $0x0  }
0x1f: {  	s9 =	smul.u32 $0xF7A, s1;
	s8 =	simm.s32 @!p0 $0x1BF5;
	p2 =	por !p2, p0  }
0x20: {  	[sflag:s8] =	ssyncset.s32 @!p0 $0xFFFFF086;
	s6 =	sadd.s32 @!p0 s3, s7;
	s7 =	simm.s32 @!p0 $0x108  }
0x21: {  	s3 =	sadd.s32 s3, s9;
	s6 =	sadd.s32 @!p0 $0x88, s6;
	s7 =	simm.s32 @p2 $0x1082  }
0x22: {  	[simem:s7], [sflag:s8] =	dma.local @!p0 [hbm:s6], $0xF7A  }
0x23: {  	s9 =	sor.u32 $0xD0000000, s2;
	s6 =	simm.s32 $0x108;
	_ =	swait.ge @!p0 [sflag:s8], $0x0  }
0x24: {  	s3 =	sadd.s32 $0x88, s3;
	s6 =	simm.s32 @!p1 $0x1082;
	[sflag:s4] =	ssyncset.s32 $0xFFFFF086  }
0x25: {  	[simem:s6], [sflag:s4] =	dma.local [hbm:s3], $0xF7A  }
0x26: {  	[smem:$0x3FA0] =	sst s1;
	(tag) =	ssettag s2;
	_ =	strace s9  }
0x27: {  	s1 =	sld [smem:$0x3FB0]  }
0x28: {  	s2 =	sld [smem:$0x3FB1]  }
0x29: {  	s4 =	sld [smem:$0x3FB3]  }
0x2a: {  	p0 =	seq.s32 s5, $0x0;
	s5 =	sld [smem:$0x3FB4]  }
0x2b: {  	s6 =	sld [smem:$0x3FB5]  }
0x2c: {  	s7 =	sld [smem:$0x3FB6]  }
0x2d: {  	s3 =	simm.s32 $0x108;
	s8 =	sld [smem:$0x3FB7]  }
0x2e: {  	s3 =	simm.s32 @!p0 $0x1082;
	s9 =	sld [smem:$0x3FB8]  }
0x2f: {  	lr =	sadd.s32 s0, s3;
	s0 =	sld [smem:$0x3FAF]  }
0x30: {  	s3 =	sld [smem:$0x3FB2]  }
0x31: {  	[smem:$0x3FBB] =	sst s10  }
0x32: {  	s10 =	sld [smem:$0x3FB9];
	_ =	sdelay $0x3  }
0x33: {  	p0 =	seq.s32 s10, $0x1;
	s10 =	sld [smem:$0x3FBB];
	_ =	sdelay $0x3  }
0x34: {  	[smem:$0x3FBB] =	sst s10  }
0x35: {  	s10 =	sld [smem:$0x3FBA];
	_ =	sdelay $0x3  }
0x36: {  	p1 =	seq.s32 s10, $0x1;
	s10 =	sld [smem:$0x3FBB];
	_ =	sdelay $0x3  }
0x37: {  	[smem:$0x3FBB] =	sst s10  }
0x38: {  	s10 =	sld [smem:$0x3FBC]  }
0x39: {  	_ = 	snop;
	(pc) =	sbr.ind lr, $3  }
0x3a: {  	_ = 	snop  }
0x3b: {  	_ = 	snop  }
0x3c: {  	p2 =	seq.s32 s10, $0x1;
	s10 =	sld [smem:$0x3FBB]  }
0x3d: {  	_ =	shalt  }
0x3e: {  	_ =	shalt  }
0x3f: {  	_ =	shalt  }
0x40: {  	_ =	shalt  }
0x41: {  	_ =	shalt  }
0x42: {  	_ =	shalt  }
0x43: {  	_ =	shalt  }
0x44: {  	_ =	shalt  }
0x45: {  	_ =	shalt  }
0x46: {  	_ =	shalt  }
0x47: {  	_ =	shalt  }
0x48: {  	_ =	shalt  }
0x49: {  	_ =	shalt  }
0x4a: {  	_ =	shalt  }
0x4b: {  	_ =	shalt  }
0x4c: {  	_ =	shalt  }
0x4d: {  	_ =	shalt  }
0x4e: {  	_ =	shalt  }
0x4f: {  	_ =	shalt  }
0x50: {  	_ =	shalt  }
0x51: {  	_ =	shalt  }
0x52: {  	_ =	shalt  }
0x53: {  	_ =	shalt  }
0x54: {  	_ =	shalt  }
0x55: {  	_ =	shalt  }
0x56: {  	_ =	shalt  }
0x57: {  	_ =	shalt  }
0x58: {  	_ =	shalt  }
0x59: {  	_ =	shalt  }
0x5a: {  	_ =	shalt  }
0x5b: {  	_ =	shalt  }
0x5c: {  	_ =	shalt  }
0x5d: {  	_ =	shalt  }
0x5e: {  	_ =	shalt  }
0x5f: {  	_ =	shalt  }
0x60: {  	_ =	shalt  }
0x61: {  	_ =	shalt  }
0x62: {  	_ =	shalt  }
0x63: {  	_ =	shalt  }
0x64: {  	_ =	shalt  }
0x65: {  	_ =	shalt  }
0x66: {  	_ =	shalt  }
0x67: {  	_ =	shalt  }
0x68: {  	_ =	shalt  }
0x69: {  	_ =	shalt  }
0x6a: {  	_ =	shalt  }
0x6b: {  	_ =	shalt  }
0x6c: {  	_ =	shalt  }
0x6d: {  	_ =	shalt  }
0x6e: {  	_ =	shalt  }
0x6f: {  	_ =	shalt  }
0x70: {  	_ =	shalt  }
0x71: {  	_ =	shalt  }
0x72: {  	_ =	shalt  }
0x73: {  	_ =	shalt  }
0x74: {  	_ =	shalt  }
0x75: {  	_ =	shalt  }
0x76: {  	_ =	shalt  }
0x77: {  	_ =	shalt  }
0x78: {  	_ =	shalt  }
0x79: {  	_ =	shalt  }
0x7a: {  	_ =	shalt  }
0x7b: {  	_ =	shalt  }
0x7c: {  	_ =	shalt  }
0x7d: {  	_ =	shalt  }
0x7e: {  	_ =	shalt  }
0x7f: {  	_ =	shalt  }
0x80: {  	_ =	shalt  }
0x81: {  	_ =	shalt  }
0x82: {  	_ =	shalt  }
0x83: {  	_ =	shalt  }
0x84: {  	_ =	shalt  }
0x85: {  	_ =	shalt  }
0x86: {  	_ =	shalt  }
0x87: {  	_ =	shalt  }
.Lfunc_end0:
.L_simem_size_0:
called_computation_lowered:
.L_overlay_start_0:
0x88: {  	s2 =	sld [smem:$0x3FD9]  }
0x89: {  	s3 =	sld [smem:$0x3FFE];
	_ =	sdelay $0x1  }
0x8a: {  	s1 =	srdreg.scid  }
0x8b: {  	s0 =	sand.u32 $0x1, s1  }
0x8c: {  	s18 =	sshll.u32 s0, $0xA;
	s2 =	sadd.s32 s3, s2  }
0x8d: {  	s2 =	sadd.s32 s2, s18  }
0x8e: {  	[smem:$0x3FC7] =	sst s2  }
0x8f: {  	_ = 	snop  }
0x90: {  	s2 =	sld [smem:$0x3FC9]  }
0x91: {  	s19 =	sld [smem:$0x3FD0];
	(tm) =	ssettm $0x1  }
0x92: {  	s4 =	sld [smem:$0x3FFB];
	_ =	sdelay $0x3  }
0x93: {  	_ =	strace s4  }
0x94: {  	s4 =	sld [smem:$0x3FFC];
	_ =	sdelay $0x3  }
0x95: {  	_ =	strace s4  }
0x96: {  	s4 =	sld [smem:$0x3FFD];
	_ =	sdelay $0x3  }
0x97: {  	_ =	strace s4  }
0x98: {  	_ =	strace $0x8FFFFFFF  }
0x99: {  	s20 =	sld [smem:$0x3FDB];
	_ =	sdelay $0x1  }
0x9a: {  	s5 =	simm.s32 $_scs_section_size  }
0x9b: {  	s6 =	simm.s32 $_size__tile_overlayer_lowered;
	s7 =	simm.s32 $_tile_overlayer_lowered  }
0x9c: {  	s23 =	simm.s32 $0x1BFF;
	s22 =	sshll.u32 s7, $0x1;
	s4 =	sadd.s32 s5, s20  }
0x9d: {  	s8 =	simm.s32 $0x0;
	s21 =	sshll.u32 s6, $0x1;
	s6 =	sadd.s32 s22, s4  }
0x9e: {  	[timem:s8], [sflag:s23] =	dma.local [hbm:s6], s21  }
0x9f: {  	_ =	swait.ge [sflag:s23], s21  }
0xa0: {  	s5 =	ssub.s32 $0x0, s21;
	[sflag:s23] =	ssyncset.done $0x0  }
0xa1: {  	[sflag:s23] =	ssyncadd.s32 s5;
	_ =	sdelay $0x1  }
0xa2: {  	s24 =	simm.s32 $0x1B8B  }
0xa3: {  	_ =	swait.ge [sflag:s24], $0x1  }
0xa4: {  	[sflag:s24] =	ssyncset.done $0x0  }
0xa5: {  	s25 =	simm.s32 $0x1B8E;
	[sflag:s24] =	ssyncadd.s32 $0xFFFFFFFF  }
0xa6: {  	s26 =	simm.s32 $execute0_lowered;
	[smem:$0x3FD2] =	sst s25  }
0xa7: {  	s5 =	sshll.u32 s26, $0x1;
	_ =	strace $0x80000046;
	[dreg:$0x1] =	wrdreg $0xFFFFFFFF  }
0xa8: {  	s28 =	simm.s32 $_size_execute0_lowered;
	s4 =	sadd.s32 s4, s5;
	[dreg:$0x0] =	wrdreg $0x0  }
0xa9: {  	s5 =	sshll.u32 s28, $0x1;
	[dreg:$0x2] =	wrdreg s4  }
0xaa: {  	[dreg:$0x3] =	wrdreg s5  }
0xab: {  	[dreg:$0x4] =	wrdreg $0xC0  }
0xac: {  	_ =	task [dreg:s8], $0x5FFFF  }
0xad: {  	[dreg:$0x1] =	wrdreg $0xFFFFFFFF  }
0xae: {  	[dreg:$0x0] =	wrdreg $0x60  }
0xaf: {  	[dreg:$0x2] =	wrdreg s2  }
0xb0: {  	[dreg:$0x3] =	wrdreg s19  }
0xb1: {  	[dreg:$0x4] =	wrdreg $0x9  }
0xb2: {  	_ =	task.clear_ibuf [dreg:s8], $0x5FFFF;
	_ =	strace $0x90000046  }
0xb3: {  	s29 =	simm.s32 $0x9;
	_ =	strace $0x80000048  }
0xb4: {  	_ =	swait.ge [sflag:s29], $0x1  }
0xb5: {  	[sflag:s29] =	ssyncadd.s32 $0xFFFFFFFF  }
0xb6: {  	_ =	strace $0x90000048  }
0xb7: {  	_ =	sfence  }
0xb8: {  	s30 =	sld [smem:$0x0];
	_ =	sdelay $0x2  }
0xb9: {  	s31 =	sshll.u32 s1, $0xD;
	s1 =	sshrl.u32 s1, $0x2  }
0xba: {  	s3 =	sand.u32 $0x4000, s31;
	s1 =	sadd.s32 s1, s30  }
0xbb: {  	s0 =	sor.u32 s3, s0;
	s1 =	sshll.u32 s1, $0x11  }
0xbc: {  	s0 =	sor.u32 s1, s0  }
0xbd: {  	s0 =	sadd.s32 $0x8F2B, s0  }
0xbe: {  	[sflag:s0] =	ssyncadd.remote.s32 $0x1  }
0xbf: {  	_ =	sfence.sel $0xFFFF  }
0xc0: {  	[dreg:$0x0] =	wrdreg $0xFFFFFFFF;
	(pc) =	sbr.abs _section_cstart, $3  }
0xc1: {  	[dreg:$0x1] =	wrdreg $0xFFFFFFFF  }
0xc2: {  	_ =	task.clear_ibuf [dreg:s8], $0x2FFFF;
	_ =	strace $0x9FFFFFFF  }
0xc3: {  	(tm) =	ssettm $0x7FFFFFFF  }
tec
execute0_lowered:
.L_overlay_start_1:
0x0: {  	(tag) =	ssettag $0x1  }
0x1: {  	s4 =	rddreg [dreg:$0x0]  }
0x2: {  	s2 =	rddreg [dreg:$0x1]  }
0x3: {  	s0 =	rddreg [dreg:$0x2];
	s5 =	srdreg.scid;
	s3 =	simm.s32 $0x0  }
0x4: {  	s1 =	stileid.u32;
	s9 =	simm.s32 $0x400;
	s10 =	simm.s32 $0x20000  }
0x5: {  	s11 =	simm.s32 $0x6600;
	s12 =	simm.s32 $0xCA00;
	s13 =	simm.s32 $0x12E00  }
0x6: {  	s14 =	simm.s32 $0x1;
	s15 =	simm.s32 $0x2;
	s16 =	simm.s32 $0x3  }
0x7: {  	s17 =	simm.s32 $0x4;
	s18 =	simm.s32 $0x0;
	s5 =	sand.u32 $0x1, s5  }
.Ltmp0:
0x8: {  	s7 =	sshll.u32 s1, $0xA;
	s6 =	ssub.s32 $0x2, s5;
	(pc) =	sbr.rel .LBB2_1-.Ltmp0, $4  }
0x9: {  	v0 =	vlaneseq.u32;
	[smem:$0x7FF] =	sst s3;
	s5 =	sshll.u32 s5, $0x9;
	s8 =	sshrl.u32 s6, $0x1  }
0xa: {  	v1 =	vimm.f32 $0.0e+00;
	v2 =	vimm.f32 $1.000000000e+00;
	v3 =	vor.u32 $0x10, v0;
	_ =	strace $0x80000047;
	s5 =	sor.u32 s5, s7;
	s6 =	ssub.s32 s6, s8  }
0xb: {  	v4 =	vor.u32 $0x20, v0;
	v5 =	vor.u32 $0x30, v0;
	v6 =	vor.u32 $0x40, v0;
	s7 =	sshrl.u32 s5, $0x3;
	s5 =	sshrl.u32 s5, $0x7;
	s8 =	simm.s32 $0x200  }
0xc: {  	v7 =	vor.u32 $0x50, v0;
	v8 =	vor.u32 $0x60, v0;
	v9 =	vor.u32 $0x70, v0;
	s4 =	sadd.s32 s4, s7;
	s6 =	smax.u32 s6, $0x1;
	s7 =	simm.s32 $0x5  }
.LBB2_23:
0xd: {  	_ =	swait.ge [sflag:s14], $0x6400  }
0xe: {  	[sflag:s14] =	ssyncset.done $0x0  }
0xf: {  	[sflag:s14] =	ssyncadd.s32 $0xFFFF9C00  }
0x10: {  	_ =	swait.ge [sflag:s15], $0x6400  }
0x11: {  	[sflag:s15] =	ssyncset.done $0x0  }
0x12: {  	s18 =	sadd.s32 $0x1, s18;
	[sflag:s15] =	ssyncadd.s32 $0xFFFF9C00  }
0x13: {  	p0 =	sne.s32 s18, s6;
	_ =	swait.ge [sflag:s16], $0x6400  }
.Ltmp1:
0x14: {  	[sflag:s16] =	ssyncset.done $0x0;
	(pc) =	sbr.rel @!p0 .LBB2_24-.Ltmp1, $4  }
0x15: {  	[sflag:s16] =	ssyncadd.s32 $0xFFFF9C00  }
0x16: {  	_ =	swait.ge [sflag:s17], $0x6400  }
0x17: {  	[sflag:s17] =	ssyncset.done $0x0  }
0x18: {  	[sflag:s17] =	ssyncadd.s32 $0xFFFF9C00  }
.LBB2_1:
.Ltmp2:
0x19: {  	(pc) =	sbr.rel .LBB2_2-.Ltmp2, $3  }
0x1a: {  	_ =	sdelay $0x1  }
0x1b: {  	[tilespmem:s3], [sflag:$0x5] =	stream.linear.gather [hbm4b:s4+s3], $0x200, $0x38;
	[tilespmem:$0x19200] =	vst v63  }
0x1c: {  	s19 =	simm.s32 $0x0  }
.LBB2_21:
0x1d: {  	s21 =	sadd.s32 $0xFFFFFFFF, s20  }
0x1e: {  	s22 =	smulhi.u32 $0x66666667, s21;
	s23 =	sshra.s32 s21, $0x1F  }
0x1f: {  	s23 =	smul.u32 $0x66666667, s23;
	_ =	sdelay $0x1  }
0x20: {  	s22 =	sadd.s32 s23, s22  }
0x21: {  	s23 =	sshrl.u32 s22, $0x1F;
	s22 =	sshra.s32 s22, $0x1  }
0x22: {  	s22 =	sadd.s32 s23, s22  }
0x23: {  	_ =	swait.ge [sflag:s17], $0x6400;
	s23 =	smul.u32 $0xFFFFFFFB, s22  }
0x24: {  	[sflag:s17] =	ssyncset.done $0x0;
	s22 =	sshll.u32 s22, $0x9  }
0x25: {  	[sflag:s17] =	ssyncadd.s32 $0xFFFF9C00;
	s31 =	sshra.s32 s22, $0x2;
	s23 =	sadd.s32 s21, s23  }
0x26: {  	v10 =	vld [tilespmem:s31+$0x0];
	p0 =	slt.s32 s23, $0x0;
	s22 =	sadd.s32 $0x5, s23  }
0x27: {  	s23 =	smov.u32 @p0 s22  }
0x28: {  	s22 =	smul.u32 $0xC8, s23;
	_ =	sdelay $0x1  }
0x29: {  	v11 =	vmov s22;
	s23 =	sadd.s32 $0xC8, s22  }
0x2a: {  	vm0 =	vge.s32 v10, s22;
	vm1 =	vlt.s32 v10, s23;
	v10 =	vsub.s32 v10, v11  }
0x2b: {  	vm0 =	vmand vm0, vm1;
	v10 =	vshll.u32 v10, $0x7  }
0x2c: {  	v10 =	vor.u32 v0, v10;
	_ =	sdelay $0x4  }
0x2d: {  	[tilespmem:v10+s13+$0x0] =	vst.idx.msk vm0, v1  }
0x2e: {  	v10 =	vld [tilespmem:s31+$0x10];
	_ =	sdelay $0x4  }
0x2f: {  	vm14 =	vge.s32 v10, s22;
	vm15 =	vlt.s32 v10, s23;
	v10 =	vsub.s32 v10, v11  }
0x30: {  	vm0 =	vmand vm14, vm15;
	v10 =	vshll.u32 v10, $0x7  }
0x31: {  	v10 =	vor.u32 v3, v10;
	_ =	sdelay $0x4  }
0x32: {  	[tilespmem:v10+s13+$0x0] =	vst.idx.msk vm0, v1  }
0x33: {  	v10 =	vld [tilespmem:s31+$0x20];
	_ =	sdelay $0x4  }
0x34: {  	vm4 =	vge.s32 v10, s22;
	vm5 =	vlt.s32 v10, s23;
	v10 =	vsub.s32 v10, v11  }
0x35: {  	vm0 =	vmand vm4, vm5;
	v10 =	vshll.u32 v10, $0x7  }
0x36: {  	v10 =	vor.u32 v4, v10;
	_ =	sdelay $0x4  }
0x37: {  	[tilespmem:v10+s13+$0x0] =	vst.idx.msk vm0, v1  }
0x38: {  	v10 =	vld [tilespmem:s31+$0x30];
	_ =	sdelay $0x4  }
0x39: {  	vm6 =	vge.s32 v10, s22;
	vm7 =	vlt.s32 v10, s23;
	v10 =	vsub.s32 v10, v11  }
0x3a: {  	vm0 =	vmand vm6, vm7;
	v10 =	vshll.u32 v10, $0x7  }
0x3b: {  	v10 =	vor.u32 v5, v10;
	_ =	sdelay $0x4  }
0x3c: {  	[tilespmem:v10+s13+$0x0] =	vst.idx.msk vm0, v1  }
0x3d: {  	v10 =	vld [tilespmem:s31+$0x40];
	_ =	sdelay $0x4  }
0x3e: {  	vm8 =	vge.s32 v10, s22;
	vm9 =	vlt.s32 v10, s23;
	v10 =	vsub.s32 v10, v11  }
0x3f: {  	vm0 =	vmand vm8, vm9;
	v10 =	vshll.u32 v10, $0x7  }
0x40: {  	v10 =	vor.u32 v6, v10;
	_ =	sdelay $0x4  }
0x41: {  	[tilespmem:v10+s13+$0x0] =	vst.idx.msk vm0, v1  }
0x42: {  	v10 =	vld [tilespmem:s31+$0x50];
	_ =	sdelay $0x4  }
0x43: {  	vm10 =	vge.s32 v10, s22;
	vm11 =	vlt.s32 v10, s23;
	v10 =	vsub.s32 v10, v11  }
0x44: {  	vm0 =	vmand vm10, vm11;
	v10 =	vshll.u32 v10, $0x7  }
0x45: {  	v10 =	vor.u32 v7, v10;
	_ =	sdelay $0x4  }
0x46: {  	[tilespmem:v10+s13+$0x0] =	vst.idx.msk vm0, v1  }
0x47: {  	v10 =	vld [tilespmem:s31+$0x60];
	_ =	sdelay $0x4  }
0x48: {  	vm12 =	vge.s32 v10, s22;
	vm13 =	vlt.s32 v10, s23;
	v10 =	vsub.s32 v10, v11  }
0x49: {  	vm0 =	vmand vm12, vm13;
	v10 =	vshll.u32 v10, $0x7  }
0x4a: {  	v10 =	vor.u32 v8, v10;
	_ =	sdelay $0x4  }
0x4b: {  	[tilespmem:v10+s13+$0x0] =	vst.idx.msk vm0, v1  }
0x4c: {  	v10 =	vld [tilespmem:s31+$0x70];
	_ =	sdelay $0x4  }
0x4d: {  	vm14 =	vge.s32 v10, s22;
	vm15 =	vlt.s32 v10, s23;
	v10 =	vsub.s32 v10, v11  }
0x4e: {  	vm0 =	vmand vm14, vm15;
	v10 =	vshll.u32 v10, $0x7  }
0x4f: {  	v10 =	vor.u32 v9, v10;
	_ =	sdelay $0x4  }
0x50: {  	[tilespmem:v10+s13+$0x0] =	vst.idx.msk vm0, v1  }
.LBB2_22:
0x51: {  	s21 =	sor.u32 $0x3, s20  }
0x52: {  	s22 =	smulhi.u32 $0xCCCCCCCD, s21;
	_ =	sdelay $0x1  }
0x53: {  	s31 =	sshrl.u32 s22, $0x2;
	s22 =	sshll.u32 s22, $0x5  }
0x54: {  	s23 =	smul.u32 $0x5, s31;
	s22 =	sand.u32 $0x3FFFFF80, s22  }
0x55: {  	v10 =	vld [tilespmem:s22+$0x0]  }
0x56: {  	s21 =	ssub.s32 s21, s23  }
0x57: {  	s23 =	smul.u32 $0xC8, s21;
	_ =	sdelay $0x1  }
0x58: {  	v11 =	vmov s23;
	s24 =	sadd.s32 $0xC8, s23  }
0x59: {  	vm0 =	vge.s32 v10, s23;
	vm1 =	vlt.s32 v10, s24;
	v10 =	vsub.s32 v10, v11  }
0x5a: {  	vm0 =	vmand vm0, vm1;
	v10 =	vshll.u32 v10, $0x7  }
0x5b: {  	v10 =	vor.u32 v0, v10;
	_ =	sdelay $0x4  }
0x5c: {  	[tilespmem:v10+s13+$0x0] =	vst.idx.msk vm0, v2  }
0x5d: {  	v10 =	vld [tilespmem:s22+$0x10];
	_ =	sdelay $0x4  }
0x5e: {  	vm14 =	vge.s32 v10, s23;
	vm15 =	vlt.s32 v10, s24;
	v10 =	vsub.s32 v10, v11  }
0x5f: {  	vm0 =	vmand vm14, vm15;
	v10 =	vshll.u32 v10, $0x7  }
0x60: {  	v10 =	vor.u32 v3, v10;
	_ =	sdelay $0x4  }
0x61: {  	[tilespmem:v10+s13+$0x0] =	vst.idx.msk vm0, v2  }
0x62: {  	v10 =	vld [tilespmem:s22+$0x20];
	_ =	sdelay $0x4  }
0x63: {  	vm4 =	vge.s32 v10, s23;
	vm5 =	vlt.s32 v10, s24;
	v10 =	vsub.s32 v10, v11  }
0x64: {  	vm0 =	vmand vm4, vm5;
	v10 =	vshll.u32 v10, $0x7  }
0x65: {  	v10 =	vor.u32 v4, v10;
	_ =	sdelay $0x4  }
0x66: {  	[tilespmem:v10+s13+$0x0] =	vst.idx.msk vm0, v2  }
0x67: {  	v10 =	vld [tilespmem:s22+$0x30];
	_ =	sdelay $0x4  }
0x68: {  	vm6 =	vge.s32 v10, s23;
	vm7 =	vlt.s32 v10, s24;
	v10 =	vsub.s32 v10, v11  }
0x69: {  	vm0 =	vmand vm6, vm7;
	v10 =	vshll.u32 v10, $0x7  }
0x6a: {  	v10 =	vor.u32 v5, v10;
	_ =	sdelay $0x4  }
0x6b: {  	[tilespmem:v10+s13+$0x0] =	vst.idx.msk vm0, v2  }
0x6c: {  	v10 =	vld [tilespmem:s22+$0x40];
	_ =	sdelay $0x4  }
0x6d: {  	vm8 =	vge.s32 v10, s23;
	vm9 =	vlt.s32 v10, s24;
	v10 =	vsub.s32 v10, v11  }
0x6e: {  	vm0 =	vmand vm8, vm9;
	v10 =	vshll.u32 v10, $0x7  }
0x6f: {  	v10 =	vor.u32 v6, v10;
	_ =	sdelay $0x4  }
0x70: {  	[tilespmem:v10+s13+$0x0] =	vst.idx.msk vm0, v2  }
0x71: {  	v10 =	vld [tilespmem:s22+$0x50];
	_ =	sdelay $0x4  }
0x72: {  	vm10 =	vge.s32 v10, s23;
	vm11 =	vlt.s32 v10, s24;
	v10 =	vsub.s32 v10, v11  }
0x73: {  	vm0 =	vmand vm10, vm11;
	v10 =	vshll.u32 v10, $0x7  }
0x74: {  	v10 =	vor.u32 v7, v10;
	_ =	sdelay $0x4  }
0x75: {  	[tilespmem:v10+s13+$0x0] =	vst.idx.msk vm0, v2  }
0x76: {  	v10 =	vld [tilespmem:s22+$0x60];
	_ =	sdelay $0x4  }
0x77: {  	vm12 =	vge.s32 v10, s23;
	vm13 =	vlt.s32 v10, s24;
	v10 =	vsub.s32 v10, v11  }
0x78: {  	vm0 =	vmand vm12, vm13;
	v10 =	vshll.u32 v10, $0x7  }
0x79: {  	v10 =	vor.u32 v8, v10;
	_ =	sdelay $0x4  }
0x7a: {  	[tilespmem:v10+s13+$0x0] =	vst.idx.msk vm0, v2  }
0x7b: {  	v10 =	vld [tilespmem:s22+$0x70];
	_ =	sdelay $0x4  }
0x7c: {  	vm14 =	vge.s32 v10, s23;
	vm15 =	vlt.s32 v10, s24;
	v10 =	vsub.s32 v10, v11  }
0x7d: {  	vm0 =	vmand vm14, vm15;
	v10 =	vshll.u32 v10, $0x7  }
0x7e: {  	s19 =	sadd.s32 $0x1, s19;
	v10 =	vor.u32 v9, v10  }
0x7f: {  	p0 =	sne.s32 s19, $0x5;
	s20 =	sadd.s32 s5, s31;
	s21 =	smul.u32 $0x320000, s21  }
.Ltmp3:
0x80: {  	s20 =	sshll.u32 s20, $0xA;
	(pc) =	sbr.rel @!p0 .LBB2_23-.Ltmp3, $4  }
0x81: {  	s20 =	sadd.s32 s21, s20  }
0x82: {  	s20 =	sshrl.u32 s20, $0x3  }
0x83: {  	s20 =	sadd.s32 s2, s20;
	[tilespmem:v10+s13+$0x0] =	vst.idx.msk vm0, v2  }
0x84: {  	[hbm4b:s20+s9] =	stream.strided.scatter [tilespmem:s13], [sflag:$0x4], $0x6400, s10, s9, $0x38;
	[tilespmem:$0x19200] =	vst v63  }
.LBB2_2:
0x85: {  	p0 =	sne.s32 s19, $0x0  }
.Ltmp4:
0x86: {  	_ = 	snop;
	(pc) =	sbr.rel @!p0 .LBB2_3-.Ltmp4, $2  }
0x87: {  	_ =	sdelay $0x2  }
0x88: {  	s20 =	sshll.u32 s19, $0x2  }
0x89: {  	s21 =	sadd.s32 $0xFFFFFFFC, s20  }
0x8a: {  	s22 =	smulhi.u32 $0x66666667, s21;
	s23 =	sshra.s32 s21, $0x1F  }
0x8b: {  	s23 =	smul.u32 $0x66666667, s23;
	_ =	sdelay $0x1  }
0x8c: {  	s22 =	sadd.s32 s23, s22  }
0x8d: {  	s23 =	sshrl.u32 s22, $0x1F;
	s22 =	sshra.s32 s22, $0x1  }
0x8e: {  	s22 =	sadd.s32 s23, s22  }
0x8f: {  	s23 =	smul.u32 $0xFFFFFFFB, s22;
	_ =	sdelay $0x1  }
0x90: {  	s23 =	sadd.s32 s21, s23  }
0x91: {  	p1 =	seq.s32 s19, $0x1;
	p2 =	sne.s32 s23, $0x0  }
0x92: {  	p1 =	por !p1, !p2  }
0x93: {  	s21 =	simm.s32 $0x1;
	p1 =	por !p1, !p1  }
0x94: {  	s21 =	simm.s32 @!p1 $0x0  }
0x95: {  	_ =	swait.ge [sflag:s14], $0x6400;
	s21 =	ssub.s32 s22, s21  }
0x96: {  	[sflag:s14] =	ssyncset.done $0x0;
	s21 =	sshll.u32 s21, $0x9  }
0x97: {  	[sflag:s14] =	ssyncadd.s32 $0xFFFF9C00;
	s21 =	sshra.s32 s21, $0x2  }
0x98: {  	p1 =	slt.s32 s23, $0x0;
	s22 =	sadd.s32 $0x5, s23;
	v10 =	vld [tilespmem:s21+$0x0]  }
0x99: {  	s23 =	smov.u32 @p1 s22  }
0x9a: {  	s22 =	smul.u32 $0xC8, s23;
	_ =	sdelay $0x1  }
0x9b: {  	v11 =	vmov s22;
	s23 =	sadd.s32 $0xC8, s22  }
0x9c: {  	vm0 =	vge.s32 v10, s22;
	vm1 =	vlt.s32 v10, s23;
	v10 =	vsub.s32 v10, v11  }
0x9d: {  	vm0 =	vmand vm0, vm1;
	v10 =	vshll.u32 v10, $0x7  }
0x9e: {  	v10 =	vor.u32 v0, v10;
	_ =	sdelay $0x4  }
0x9f: {  	[tilespmem:v10+s8+$0x0] =	vst.idx.msk vm0, v1  }
0xa0: {  	v10 =	vld [tilespmem:s21+$0x10];
	_ =	sdelay $0x4  }
0xa1: {  	vm14 =	vge.s32 v10, s22;
	vm15 =	vlt.s32 v10, s23;
	v10 =	vsub.s32 v10, v11  }
0xa2: {  	vm0 =	vmand vm14, vm15;
	v10 =	vshll.u32 v10, $0x7  }
0xa3: {  	v10 =	vor.u32 v3, v10;
	_ =	sdelay $0x4  }
0xa4: {  	[tilespmem:v10+s8+$0x0] =	vst.idx.msk vm0, v1  }
0xa5: {  	v10 =	vld [tilespmem:s21+$0x20];
	_ =	sdelay $0x4  }
0xa6: {  	vm4 =	vge.s32 v10, s22;
	vm5 =	vlt.s32 v10, s23;
	v10 =	vsub.s32 v10, v11  }
0xa7: {  	vm0 =	vmand vm4, vm5;
	v10 =	vshll.u32 v10, $0x7  }
0xa8: {  	v10 =	vor.u32 v4, v10;
	_ =	sdelay $0x4  }
0xa9: {  	[tilespmem:v10+s8+$0x0] =	vst.idx.msk vm0, v1  }
0xaa: {  	v10 =	vld [tilespmem:s21+$0x30];
	_ =	sdelay $0x4  }
0xab: {  	vm6 =	vge.s32 v10, s22;
	vm7 =	vlt.s32 v10, s23;
	v10 =	vsub.s32 v10, v11  }
0xac: {  	vm0 =	vmand vm6, vm7;
	v10 =	vshll.u32 v10, $0x7  }
0xad: {  	v10 =	vor.u32 v5, v10;
	_ =	sdelay $0x4  }
0xae: {  	[tilespmem:v10+s8+$0x0] =	vst.idx.msk vm0, v1  }
0xaf: {  	v10 =	vld [tilespmem:s21+$0x40];
	_ =	sdelay $0x4  }
0xb0: {  	vm8 =	vge.s32 v10, s22;
	vm9 =	vlt.s32 v10, s23;
	v10 =	vsub.s32 v10, v11  }
0xb1: {  	vm0 =	vmand vm8, vm9;
	v10 =	vshll.u32 v10, $0x7  }
0xb2: {  	v10 =	vor.u32 v6, v10;
	_ =	sdelay $0x4  }
0xb3: {  	[tilespmem:v10+s8+$0x0] =	vst.idx.msk vm0, v1  }
0xb4: {  	v10 =	vld [tilespmem:s21+$0x50];
	_ =	sdelay $0x4  }
0xb5: {  	vm10 =	vge.s32 v10, s22;
	vm11 =	vlt.s32 v10, s23;
	v10 =	vsub.s32 v10, v11  }
0xb6: {  	vm0 =	vmand vm10, vm11;
	v10 =	vshll.u32 v10, $0x7  }
0xb7: {  	v10 =	vor.u32 v7, v10;
	_ =	sdelay $0x4  }
0xb8: {  	[tilespmem:v10+s8+$0x0] =	vst.idx.msk vm0, v1  }
0xb9: {  	v10 =	vld [tilespmem:s21+$0x60];
	_ =	sdelay $0x4  }
0xba: {  	vm12 =	vge.s32 v10, s22;
	vm13 =	vlt.s32 v10, s23;
	v10 =	vsub.s32 v10, v11  }
0xbb: {  	vm0 =	vmand vm12, vm13;
	v10 =	vshll.u32 v10, $0x7  }
0xbc: {  	v10 =	vor.u32 v8, v10;
	_ =	sdelay $0x4  }
0xbd: {  	[tilespmem:v10+s8+$0x0] =	vst.idx.msk vm0, v1  }
0xbe: {  	v10 =	vld [tilespmem:s21+$0x70];
	_ =	sdelay $0x4  }
0xbf: {  	vm14 =	vge.s32 v10, s22;
	vm15 =	vlt.s32 v10, s23;
	v10 =	vsub.s32 v10, v11  }
0xc0: {  	vm0 =	vmand vm14, vm15;
	v10 =	vshll.u32 v10, $0x7  }
0xc1: {  	v10 =	vor.u32 v9, v10  }
.Ltmp5:
0xc2: {  	_ = 	snop;
	(pc) =	sbr.rel .LBB2_7-.Ltmp5, $2  }
0xc3: {  	_ =	sdelay $0x2  }
0xc4: {  	[tilespmem:v10+s8+$0x0] =	vst.idx.msk vm0, v1  }
.LBB2_3:
0xc5: {  	s21 =	simm.s32 $0x0;
	s22 =	simm.s32 $0x200  }
.LBB2_4:
0xc6: {  	p1 =	sne.s32 s22, $0x18E00;
	[tilespmem:s21+$0x270] =	vst v1  }
0xc7: {  	[tilespmem:s21+$0x200] =	vst v1  }
0xc8: {  	[tilespmem:s21+$0x210] =	vst v1  }
.Ltmp6:
0xc9: {  	[tilespmem:s21+$0x220] =	vst v1;
	(pc) =	sbr.rel @p1 .LBB2_4-.Ltmp6, $4  }
0xca: {  	[tilespmem:s21+$0x230] =	vst v1  }
0xcb: {  	[tilespmem:s21+$0x240] =	vst v1  }
0xcc: {  	[tilespmem:s21+$0x250] =	vst v1  }
0xcd: {  	[tilespmem:s21+$0x260] =	vst v1;
	s21 =	sshra.s32 s22, $0x2;
	s22 =	sadd.s32 $0x200, s22  }
0xce: {  	[tilespmem:s21+$0x270] =	vst v1  }
0xcf: {  	[tilespmem:s21+$0x200] =	vst v1  }
0xd0: {  	[tilespmem:s21+$0x210] =	vst v1  }
0xd1: {  	[tilespmem:s21+$0x220] =	vst v1  }
0xd2: {  	[tilespmem:s21+$0x230] =	vst v1  }
0xd3: {  	[tilespmem:s21+$0x240] =	vst v1  }
0xd4: {  	[tilespmem:s21+$0x250] =	vst v1  }
0xd5: {  	[tilespmem:s21+$0x260] =	vst v1  }
0xd6: {  	_ =	swait.ge [sflag:s7], $0x200  }
0xd7: {  	[sflag:s7] =	ssyncset.done $0x0  }
0xd8: {  	[sflag:s7] =	ssyncadd.s32 $0xFFFFFE00  }
.LBB2_7:
0xd9: {  	s22 =	smulhi.u32 $0xCCCCCCCD, s20;
	_ =	sdelay $0x1  }
0xda: {  	s21 =	sshrl.u32 s22, $0x2;
	s22 =	sshll.u32 s22, $0x5  }
0xdb: {  	s23 =	smul.u32 $0x5, s21;
	s24 =	sand.u32 $0x3FFFFF80, s22  }
0xdc: {  	v10 =	vld [tilespmem:s24+$0x0]  }
0xdd: {  	s31 =	ssub.s32 s20, s23  }
0xde: {  	s23 =	smul.u32 $0xC8, s31;
	_ =	sdelay $0x1  }
0xdf: {  	v11 =	vmov s23;
	s25 =	sadd.s32 $0xC8, s23  }
0xe0: {  	vm0 =	vge.s32 v10, s23;
	vm1 =	vlt.s32 v10, s25;
	v10 =	vsub.s32 v10, v11  }
0xe1: {  	vm0 =	vmand vm0, vm1;
	v10 =	vshll.u32 v10, $0x7  }
0xe2: {  	v10 =	vor.u32 v0, v10;
	_ =	sdelay $0x4  }
0xe3: {  	[tilespmem:v10+s8+$0x0] =	vst.idx.msk vm0, v2  }
0xe4: {  	v10 =	vld [tilespmem:s24+$0x10];
	_ =	sdelay $0x4  }
0xe5: {  	vm14 =	vge.s32 v10, s23;
	vm15 =	vlt.s32 v10, s25;
	v10 =	vsub.s32 v10, v11  }
0xe6: {  	vm0 =	vmand vm14, vm15;
	v10 =	vshll.u32 v10, $0x7  }
0xe7: {  	v10 =	vor.u32 v3, v10;
	_ =	sdelay $0x4  }
0xe8: {  	[tilespmem:v10+s8+$0x0] =	vst.idx.msk vm0, v2  }
0xe9: {  	v10 =	vld [tilespmem:s24+$0x20];
	_ =	sdelay $0x4  }
0xea: {  	vm4 =	vge.s32 v10, s23;
	vm5 =	vlt.s32 v10, s25;
	v10 =	vsub.s32 v10, v11  }
0xeb: {  	vm0 =	vmand vm4, vm5;
	v10 =	vshll.u32 v10, $0x7  }
0xec: {  	v10 =	vor.u32 v4, v10;
	_ =	sdelay $0x4  }
0xed: {  	[tilespmem:v10+s8+$0x0] =	vst.idx.msk vm0, v2  }
0xee: {  	v10 =	vld [tilespmem:s24+$0x30];
	_ =	sdelay $0x4  }
0xef: {  	vm6 =	vge.s32 v10, s23;
	vm7 =	vlt.s32 v10, s25;
	v10 =	vsub.s32 v10, v11  }
0xf0: {  	vm0 =	vmand vm6, vm7;
	v10 =	vshll.u32 v10, $0x7  }
0xf1: {  	v10 =	vor.u32 v5, v10;
	_ =	sdelay $0x4  }
0xf2: {  	[tilespmem:v10+s8+$0x0] =	vst.idx.msk vm0, v2  }
0xf3: {  	v10 =	vld [tilespmem:s24+$0x40];
	_ =	sdelay $0x4  }
0xf4: {  	vm8 =	vge.s32 v10, s23;
	vm9 =	vlt.s32 v10, s25;
	v10 =	vsub.s32 v10, v11  }
0xf5: {  	vm0 =	vmand vm8, vm9;
	v10 =	vshll.u32 v10, $0x7  }
0xf6: {  	v10 =	vor.u32 v6, v10;
	_ =	sdelay $0x4  }
0xf7: {  	[tilespmem:v10+s8+$0x0] =	vst.idx.msk vm0, v2  }
0xf8: {  	v10 =	vld [tilespmem:s24+$0x50];
	_ =	sdelay $0x4  }
0xf9: {  	vm10 =	vge.s32 v10, s23;
	vm11 =	vlt.s32 v10, s25;
	v10 =	vsub.s32 v10, v11  }
0xfa: {  	vm0 =	vmand vm10, vm11;
	v10 =	vshll.u32 v10, $0x7  }
0xfb: {  	v10 =	vor.u32 v7, v10;
	_ =	sdelay $0x4  }
0xfc: {  	[tilespmem:v10+s8+$0x0] =	vst.idx.msk vm0, v2  }
0xfd: {  	v10 =	vld [tilespmem:s24+$0x60];
	_ =	sdelay $0x4  }
0xfe: {  	vm12 =	vge.s32 v10, s23;
	vm13 =	vlt.s32 v10, s25;
	v10 =	vsub.s32 v10, v11  }
0xff: {  	vm0 =	vmand vm12, vm13;
	v10 =	vshll.u32 v10, $0x7  }
0x100: {  	v10 =	vor.u32 v8, v10;
	_ =	sdelay $0x4  }
0x101: {  	[tilespmem:v10+s8+$0x0] =	vst.idx.msk vm0, v2  }
0x102: {  	v10 =	vld [tilespmem:s24+$0x70];
	_ =	sdelay $0x4  }
0x103: {  	vm14 =	vge.s32 v10, s23;
	vm15 =	vlt.s32 v10, s25;
	v10 =	vsub.s32 v10, v11  }
0x104: {  	vm0 =	vmand vm14, vm15;
	v10 =	vshll.u32 v10, $0x7  }
0x105: {  	v10 =	vor.u32 v9, v10  }
0x106: {  	s21 =	sadd.s32 s5, s21;
	s22 =	smul.u32 $0x320000, s31  }
.Ltmp7:
0x107: {  	s21 =	sshll.u32 s21, $0xA;
	(pc) =	sbr.rel @!p0 .LBB2_8-.Ltmp7, $4  }
0x108: {  	s21 =	sadd.s32 s22, s21  }
0x109: {  	s21 =	sshrl.u32 s21, $0x3  }
0x10a: {  	s21 =	sadd.s32 s2, s21;
	[tilespmem:v10+s8+$0x0] =	vst.idx.msk vm0, v2  }
0x10b: {  	[hbm4b:s21+s9] =	stream.strided.scatter [tilespmem:s8], [sflag:$0x1], $0x6400, s10, s9, $0x38;
	[tilespmem:$0x19200] =	vst v63  }
0x10c: {  	s21 =	sadd.s32 $0xFFFFFFFD, s20  }
0x10d: {  	s22 =	smulhi.u32 $0x66666667, s21;
	s23 =	sshra.s32 s21, $0x1F  }
0x10e: {  	s23 =	smul.u32 $0x66666667, s23;
	_ =	sdelay $0x1  }
0x10f: {  	s22 =	sadd.s32 s23, s22  }
0x110: {  	s23 =	sshrl.u32 s22, $0x1F;
	s22 =	sshra.s32 s22, $0x1  }
0x111: {  	s22 =	sadd.s32 s23, s22  }
0x112: {  	_ =	swait.ge [sflag:s15], $0x6400;
	s23 =	smul.u32 $0xFFFFFFFB, s22  }
0x113: {  	[sflag:s15] =	ssyncset.done $0x0;
	s22 =	sshll.u32 s22, $0x9  }
0x114: {  	[sflag:s15] =	ssyncadd.s32 $0xFFFF9C00;
	s31 =	sshra.s32 s22, $0x2;
	s23 =	sadd.s32 s21, s23  }
0x115: {  	v10 =	vld [tilespmem:s31+$0x0];
	p1 =	slt.s32 s23, $0x0;
	s22 =	sadd.s32 $0x5, s23  }
0x116: {  	s23 =	smov.u32 @p1 s22  }
0x117: {  	s22 =	smul.u32 $0xC8, s23;
	_ =	sdelay $0x1  }
0x118: {  	v11 =	vmov s22;
	s23 =	sadd.s32 $0xC8, s22  }
0x119: {  	vm0 =	vge.s32 v10, s22;
	vm1 =	vlt.s32 v10, s23;
	v10 =	vsub.s32 v10, v11  }
0x11a: {  	vm0 =	vmand vm0, vm1;
	v10 =	vshll.u32 v10, $0x7  }
0x11b: {  	v10 =	vor.u32 v0, v10;
	_ =	sdelay $0x4  }
0x11c: {  	[tilespmem:v10+s11+$0x0] =	vst.idx.msk vm0, v1  }
0x11d: {  	v10 =	vld [tilespmem:s31+$0x10];
	_ =	sdelay $0x4  }
0x11e: {  	vm14 =	vge.s32 v10, s22;
	vm15 =	vlt.s32 v10, s23;
	v10 =	vsub.s32 v10, v11  }
0x11f: {  	vm0 =	vmand vm14, vm15;
	v10 =	vshll.u32 v10, $0x7  }
0x120: {  	v10 =	vor.u32 v3, v10;
	_ =	sdelay $0x4  }
0x121: {  	[tilespmem:v10+s11+$0x0] =	vst.idx.msk vm0, v1  }
0x122: {  	v10 =	vld [tilespmem:s31+$0x20];
	_ =	sdelay $0x4  }
0x123: {  	vm4 =	vge.s32 v10, s22;
	vm5 =	vlt.s32 v10, s23;
	v10 =	vsub.s32 v10, v11  }
0x124: {  	vm0 =	vmand vm4, vm5;
	v10 =	vshll.u32 v10, $0x7  }
0x125: {  	v10 =	vor.u32 v4, v10;
	_ =	sdelay $0x4  }
0x126: {  	[tilespmem:v10+s11+$0x0] =	vst.idx.msk vm0, v1  }
0x127: {  	v10 =	vld [tilespmem:s31+$0x30];
	_ =	sdelay $0x4  }
0x128: {  	vm6 =	vge.s32 v10, s22;
	vm7 =	vlt.s32 v10, s23;
	v10 =	vsub.s32 v10, v11  }
0x129: {  	vm0 =	vmand vm6, vm7;
	v10 =	vshll.u32 v10, $0x7  }
0x12a: {  	v10 =	vor.u32 v5, v10;
	_ =	sdelay $0x4  }
0x12b: {  	[tilespmem:v10+s11+$0x0] =	vst.idx.msk vm0, v1  }
0x12c: {  	v10 =	vld [tilespmem:s31+$0x40];
	_ =	sdelay $0x4  }
0x12d: {  	vm8 =	vge.s32 v10, s22;
	vm9 =	vlt.s32 v10, s23;
	v10 =	vsub.s32 v10, v11  }
0x12e: {  	vm0 =	vmand vm8, vm9;
	v10 =	vshll.u32 v10, $0x7  }
0x12f: {  	v10 =	vor.u32 v6, v10;
	_ =	sdelay $0x4  }
0x130: {  	[tilespmem:v10+s11+$0x0] =	vst.idx.msk vm0, v1  }
0x131: {  	v10 =	vld [tilespmem:s31+$0x50];
	_ =	sdelay $0x4  }
0x132: {  	vm10 =	vge.s32 v10, s22;
	vm11 =	vlt.s32 v10, s23;
	v10 =	vsub.s32 v10, v11  }
0x133: {  	vm0 =	vmand vm10, vm11;
	v10 =	vshll.u32 v10, $0x7  }
0x134: {  	v10 =	vor.u32 v7, v10;
	_ =	sdelay $0x4  }
0x135: {  	[tilespmem:v10+s11+$0x0] =	vst.idx.msk vm0, v1  }
0x136: {  	v10 =	vld [tilespmem:s31+$0x60];
	_ =	sdelay $0x4  }
0x137: {  	vm12 =	vge.s32 v10, s22;
	vm13 =	vlt.s32 v10, s23;
	v10 =	vsub.s32 v10, v11  }
0x138: {  	vm0 =	vmand vm12, vm13;
	v10 =	vshll.u32 v10, $0x7  }
0x139: {  	v10 =	vor.u32 v8, v10;
	_ =	sdelay $0x4  }
0x13a: {  	[tilespmem:v10+s11+$0x0] =	vst.idx.msk vm0, v1  }
0x13b: {  	v10 =	vld [tilespmem:s31+$0x70];
	_ =	sdelay $0x4  }
0x13c: {  	vm14 =	vge.s32 v10, s22;
	vm15 =	vlt.s32 v10, s23;
	v10 =	vsub.s32 v10, v11  }
0x13d: {  	vm0 =	vmand vm14, vm15;
	v10 =	vshll.u32 v10, $0x7  }
0x13e: {  	v10 =	vor.u32 v9, v10  }
.Ltmp8:
0x13f: {  	_ = 	snop;
	(pc) =	sbr.rel .LBB2_12-.Ltmp8, $2  }
0x140: {  	_ =	sdelay $0x2  }
0x141: {  	[tilespmem:v10+s11+$0x0] =	vst.idx.msk vm0, v1  }
.LBB2_8:
0x142: {  	s21 =	simm.s32 $0x0;
	s22 =	simm.s32 $0x200  }
.LBB2_9:
0x143: {  	p1 =	seq.s32 s22, $0x18E00;
	[tilespmem:s21+$0x6670] =	vst v1  }
0x144: {  	[tilespmem:s21+$0x6600] =	vst v1  }
0x145: {  	[tilespmem:s21+$0x6610] =	vst v1  }
.Ltmp9:
0x146: {  	[tilespmem:s21+$0x6620] =	vst v1;
	(pc) =	sbr.rel @!p1 .LBB2_9-.Ltmp9, $4  }
0x147: {  	[tilespmem:s21+$0x6630] =	vst v1  }
0x148: {  	[tilespmem:s21+$0x6640] =	vst v1  }
0x149: {  	[tilespmem:s21+$0x6650] =	vst v1  }
0x14a: {  	[tilespmem:s21+$0x6660] =	vst v1;
	s21 =	sshra.s32 s22, $0x2;
	s22 =	sadd.s32 $0x200, s22  }
0x14b: {  	[tilespmem:s21+$0x6670] =	vst v1  }
0x14c: {  	[tilespmem:s21+$0x6600] =	vst v1  }
0x14d: {  	[tilespmem:s21+$0x6610] =	vst v1  }
0x14e: {  	[tilespmem:s21+$0x6620] =	vst v1  }
0x14f: {  	[tilespmem:s21+$0x6630] =	vst v1  }
0x150: {  	[tilespmem:s21+$0x6640] =	vst v1  }
0x151: {  	[tilespmem:s21+$0x6650] =	vst v1  }
0x152: {  	[tilespmem:s21+$0x6660] =	vst v1  }
.LBB2_12:
0x153: {  	s22 =	sor.u32 $0x1, s20  }
0x154: {  	s23 =	smulhi.u32 $0xCCCCCCCD, s22;
	_ =	sdelay $0x1  }
0x155: {  	s21 =	sshrl.u32 s23, $0x2;
	s23 =	sshll.u32 s23, $0x5  }
0x156: {  	s24 =	smul.u32 $0x5, s21;
	s23 =	sand.u32 $0x3FFFFF80, s23  }
0x157: {  	v10 =	vld [tilespmem:s23+$0x0]  }
0x158: {  	s22 =	ssub.s32 s22, s24  }
0x159: {  	s24 =	smul.u32 $0xC8, s22;
	_ =	sdelay $0x1  }
0x15a: {  	v11 =	vmov s24;
	s25 =	sadd.s32 $0xC8, s24  }
0x15b: {  	vm0 =	vge.s32 v10, s24;
	vm1 =	vlt.s32 v10, s25;
	v10 =	vsub.s32 v10, v11  }
0x15c: {  	vm0 =	vmand vm0, vm1;
	v10 =	vshll.u32 v10, $0x7  }
0x15d: {  	v10 =	vor.u32 v0, v10;
	_ =	sdelay $0x4  }
0x15e: {  	[tilespmem:v10+s11+$0x0] =	vst.idx.msk vm0, v2  }
0x15f: {  	v10 =	vld [tilespmem:s23+$0x10];
	_ =	sdelay $0x4  }
0x160: {  	vm14 =	vge.s32 v10, s24;
	vm15 =	vlt.s32 v10, s25;
	v10 =	vsub.s32 v10, v11  }
0x161: {  	vm0 =	vmand vm14, vm15;
	v10 =	vshll.u32 v10, $0x7  }
0x162: {  	v10 =	vor.u32 v3, v10;
	_ =	sdelay $0x4  }
0x163: {  	[tilespmem:v10+s11+$0x0] =	vst.idx.msk vm0, v2  }
0x164: {  	v10 =	vld [tilespmem:s23+$0x20];
	_ =	sdelay $0x4  }
0x165: {  	vm4 =	vge.s32 v10, s24;
	vm5 =	vlt.s32 v10, s25;
	v10 =	vsub.s32 v10, v11  }
0x166: {  	vm0 =	vmand vm4, vm5;
	v10 =	vshll.u32 v10, $0x7  }
0x167: {  	v10 =	vor.u32 v4, v10;
	_ =	sdelay $0x4  }
0x168: {  	[tilespmem:v10+s11+$0x0] =	vst.idx.msk vm0, v2  }
0x169: {  	v10 =	vld [tilespmem:s23+$0x30];
	_ =	sdelay $0x4  }
0x16a: {  	vm6 =	vge.s32 v10, s24;
	vm7 =	vlt.s32 v10, s25;
	v10 =	vsub.s32 v10, v11  }
0x16b: {  	vm0 =	vmand vm6, vm7;
	v10 =	vshll.u32 v10, $0x7  }
0x16c: {  	v10 =	vor.u32 v5, v10;
	_ =	sdelay $0x4  }
0x16d: {  	[tilespmem:v10+s11+$0x0] =	vst.idx.msk vm0, v2  }
0x16e: {  	v10 =	vld [tilespmem:s23+$0x40];
	_ =	sdelay $0x4  }
0x16f: {  	vm8 =	vge.s32 v10, s24;
	vm9 =	vlt.s32 v10, s25;
	v10 =	vsub.s32 v10, v11  }
0x170: {  	vm0 =	vmand vm8, vm9;
	v10 =	vshll.u32 v10, $0x7  }
0x171: {  	v10 =	vor.u32 v6, v10;
	_ =	sdelay $0x4  }
0x172: {  	[tilespmem:v10+s11+$0x0] =	vst.idx.msk vm0, v2  }
0x173: {  	v10 =	vld [tilespmem:s23+$0x50];
	_ =	sdelay $0x4  }
0x174: {  	vm10 =	vge.s32 v10, s24;
	vm11 =	vlt.s32 v10, s25;
	v10 =	vsub.s32 v10, v11  }
0x175: {  	vm0 =	vmand vm10, vm11;
	v10 =	vshll.u32 v10, $0x7  }
0x176: {  	v10 =	vor.u32 v7, v10;
	_ =	sdelay $0x4  }
0x177: {  	[tilespmem:v10+s11+$0x0] =	vst.idx.msk vm0, v2  }
0x178: {  	v10 =	vld [tilespmem:s23+$0x60];
	_ =	sdelay $0x4  }
0x179: {  	vm12 =	vge.s32 v10, s24;
	vm13 =	vlt.s32 v10, s25;
	v10 =	vsub.s32 v10, v11  }
0x17a: {  	vm0 =	vmand vm12, vm13;
	v10 =	vshll.u32 v10, $0x7  }
0x17b: {  	v10 =	vor.u32 v8, v10;
	_ =	sdelay $0x4  }
0x17c: {  	[tilespmem:v10+s11+$0x0] =	vst.idx.msk vm0, v2  }
0x17d: {  	v10 =	vld [tilespmem:s23+$0x70];
	_ =	sdelay $0x4  }
0x17e: {  	vm14 =	vge.s32 v10, s24;
	vm15 =	vlt.s32 v10, s25;
	v10 =	vsub.s32 v10, v11  }
0x17f: {  	vm0 =	vmand vm14, vm15;
	v10 =	vshll.u32 v10, $0x7  }
0x180: {  	v10 =	vor.u32 v9, v10  }
0x181: {  	s21 =	sadd.s32 s5, s21;
	s22 =	smul.u32 $0x320000, s22  }
.Ltmp10:
0x182: {  	s21 =	sshll.u32 s21, $0xA;
	(pc) =	sbr.rel @!p0 .LBB2_13-.Ltmp10, $4  }
0x183: {  	s21 =	sadd.s32 s22, s21  }
0x184: {  	s21 =	sshrl.u32 s21, $0x3  }
0x185: {  	s21 =	sadd.s32 s2, s21;
	[tilespmem:v10+s11+$0x0] =	vst.idx.msk vm0, v2  }
0x186: {  	[hbm4b:s21+s9] =	stream.strided.scatter [tilespmem:s11], [sflag:$0x2], $0x6400, s10, s9, $0x38;
	[tilespmem:$0x19200] =	vst v63  }
0x187: {  	s21 =	sadd.s32 $0xFFFFFFFE, s20  }
0x188: {  	s22 =	smulhi.u32 $0x66666667, s21;
	s23 =	sshra.s32 s21, $0x1F  }
0x189: {  	s23 =	smul.u32 $0x66666667, s23;
	_ =	sdelay $0x1  }
0x18a: {  	s22 =	sadd.s32 s23, s22  }
0x18b: {  	s23 =	sshrl.u32 s22, $0x1F;
	s22 =	sshra.s32 s22, $0x1  }
0x18c: {  	s22 =	sadd.s32 s23, s22  }
0x18d: {  	_ =	swait.ge [sflag:s16], $0x6400;
	s23 =	smul.u32 $0xFFFFFFFB, s22  }
0x18e: {  	[sflag:s16] =	ssyncset.done $0x0;
	s22 =	sshll.u32 s22, $0x9  }
0x18f: {  	[sflag:s16] =	ssyncadd.s32 $0xFFFF9C00;
	s31 =	sshra.s32 s22, $0x2;
	s23 =	sadd.s32 s21, s23  }
0x190: {  	v10 =	vld [tilespmem:s31+$0x0];
	p1 =	slt.s32 s23, $0x0;
	s22 =	sadd.s32 $0x5, s23  }
0x191: {  	s23 =	smov.u32 @p1 s22  }
0x192: {  	s22 =	smul.u32 $0xC8, s23;
	_ =	sdelay $0x1  }
0x193: {  	v11 =	vmov s22;
	s23 =	sadd.s32 $0xC8, s22  }
0x194: {  	vm0 =	vge.s32 v10, s22;
	vm1 =	vlt.s32 v10, s23;
	v10 =	vsub.s32 v10, v11  }
0x195: {  	vm0 =	vmand vm0, vm1;
	v10 =	vshll.u32 v10, $0x7  }
0x196: {  	v10 =	vor.u32 v0, v10;
	_ =	sdelay $0x4  }
0x197: {  	[tilespmem:v10+s12+$0x0] =	vst.idx.msk vm0, v1  }
0x198: {  	v10 =	vld [tilespmem:s31+$0x10];
	_ =	sdelay $0x4  }
0x199: {  	vm14 =	vge.s32 v10, s22;
	vm15 =	vlt.s32 v10, s23;
	v10 =	vsub.s32 v10, v11  }
0x19a: {  	vm0 =	vmand vm14, vm15;
	v10 =	vshll.u32 v10, $0x7  }
0x19b: {  	v10 =	vor.u32 v3, v10;
	_ =	sdelay $0x4  }
0x19c: {  	[tilespmem:v10+s12+$0x0] =	vst.idx.msk vm0, v1  }
0x19d: {  	v10 =	vld [tilespmem:s31+$0x20];
	_ =	sdelay $0x4  }
0x19e: {  	vm4 =	vge.s32 v10, s22;
	vm5 =	vlt.s32 v10, s23;
	v10 =	vsub.s32 v10, v11  }
0x19f: {  	vm0 =	vmand vm4, vm5;
	v10 =	vshll.u32 v10, $0x7  }
0x1a0: {  	v10 =	vor.u32 v4, v10;
	_ =	sdelay $0x4  }
0x1a1: {  	[tilespmem:v10+s12+$0x0] =	vst.idx.msk vm0, v1  }
0x1a2: {  	v10 =	vld [tilespmem:s31+$0x30];
	_ =	sdelay $0x4  }
0x1a3: {  	vm6 =	vge.s32 v10, s22;
	vm7 =	vlt.s32 v10, s23;
	v10 =	vsub.s32 v10, v11  }
0x1a4: {  	vm0 =	vmand vm6, vm7;
	v10 =	vshll.u32 v10, $0x7  }
0x1a5: {  	v10 =	vor.u32 v5, v10;
	_ =	sdelay $0x4  }
0x1a6: {  	[tilespmem:v10+s12+$0x0] =	vst.idx.msk vm0, v1  }
0x1a7: {  	v10 =	vld [tilespmem:s31+$0x40];
	_ =	sdelay $0x4  }
0x1a8: {  	vm8 =	vge.s32 v10, s22;
	vm9 =	vlt.s32 v10, s23;
	v10 =	vsub.s32 v10, v11  }
0x1a9: {  	vm0 =	vmand vm8, vm9;
	v10 =	vshll.u32 v10, $0x7  }
0x1aa: {  	v10 =	vor.u32 v6, v10;
	_ =	sdelay $0x4  }
0x1ab: {  	[tilespmem:v10+s12+$0x0] =	vst.idx.msk vm0, v1  }
0x1ac: {  	v10 =	vld [tilespmem:s31+$0x50];
	_ =	sdelay $0x4  }
0x1ad: {  	vm10 =	vge.s32 v10, s22;
	vm11 =	vlt.s32 v10, s23;
	v10 =	vsub.s32 v10, v11  }
0x1ae: {  	vm0 =	vmand vm10, vm11;
	v10 =	vshll.u32 v10, $0x7  }
0x1af: {  	v10 =	vor.u32 v7, v10;
	_ =	sdelay $0x4  }
0x1b0: {  	[tilespmem:v10+s12+$0x0] =	vst.idx.msk vm0, v1  }
0x1b1: {  	v10 =	vld [tilespmem:s31+$0x60];
	_ =	sdelay $0x4  }
0x1b2: {  	vm12 =	vge.s32 v10, s22;
	vm13 =	vlt.s32 v10, s23;
	v10 =	vsub.s32 v10, v11  }
0x1b3: {  	vm0 =	vmand vm12, vm13;
	v10 =	vshll.u32 v10, $0x7  }
0x1b4: {  	v10 =	vor.u32 v8, v10;
	_ =	sdelay $0x4  }
0x1b5: {  	[tilespmem:v10+s12+$0x0] =	vst.idx.msk vm0, v1  }
0x1b6: {  	v10 =	vld [tilespmem:s31+$0x70];
	_ =	sdelay $0x4  }
0x1b7: {  	vm14 =	vge.s32 v10, s22;
	vm15 =	vlt.s32 v10, s23;
	v10 =	vsub.s32 v10, v11  }
0x1b8: {  	vm0 =	vmand vm14, vm15;
	v10 =	vshll.u32 v10, $0x7  }
0x1b9: {  	v10 =	vor.u32 v9, v10  }
.Ltmp11:
0x1ba: {  	_ = 	snop;
	(pc) =	sbr.rel .LBB2_17-.Ltmp11, $2  }
0x1bb: {  	_ =	sdelay $0x2  }
0x1bc: {  	[tilespmem:v10+s12+$0x0] =	vst.idx.msk vm0, v1  }
.LBB2_13:
0x1bd: {  	s21 =	simm.s32 $0x0;
	s22 =	simm.s32 $0x200  }
.LBB2_14:
0x1be: {  	p1 =	seq.s32 s22, $0x18E00;
	[tilespmem:s21+$0xCA70] =	vst v1  }
0x1bf: {  	[tilespmem:s21+$0xCA00] =	vst v1  }
0x1c0: {  	[tilespmem:s21+$0xCA10] =	vst v1  }
.Ltmp12:
0x1c1: {  	[tilespmem:s21+$0xCA20] =	vst v1;
	(pc) =	sbr.rel @!p1 .LBB2_14-.Ltmp12, $4  }
0x1c2: {  	[tilespmem:s21+$0xCA30] =	vst v1  }
0x1c3: {  	[tilespmem:s21+$0xCA40] =	vst v1  }
0x1c4: {  	[tilespmem:s21+$0xCA50] =	vst v1  }
0x1c5: {  	[tilespmem:s21+$0xCA60] =	vst v1;
	s21 =	sshra.s32 s22, $0x2;
	s22 =	sadd.s32 $0x200, s22  }
0x1c6: {  	[tilespmem:s21+$0xCA70] =	vst v1  }
0x1c7: {  	[tilespmem:s21+$0xCA00] =	vst v1  }
0x1c8: {  	[tilespmem:s21+$0xCA10] =	vst v1  }
0x1c9: {  	[tilespmem:s21+$0xCA20] =	vst v1  }
0x1ca: {  	[tilespmem:s21+$0xCA30] =	vst v1  }
0x1cb: {  	[tilespmem:s21+$0xCA40] =	vst v1  }
0x1cc: {  	[tilespmem:s21+$0xCA50] =	vst v1  }
0x1cd: {  	[tilespmem:s21+$0xCA60] =	vst v1  }
.LBB2_17:
0x1ce: {  	s22 =	sor.u32 $0x2, s20  }
0x1cf: {  	s23 =	smulhi.u32 $0xCCCCCCCD, s22;
	_ =	sdelay $0x1  }
0x1d0: {  	s21 =	sshrl.u32 s23, $0x2;
	s23 =	sshll.u32 s23, $0x5  }
0x1d1: {  	s24 =	smul.u32 $0x5, s21;
	s23 =	sand.u32 $0x3FFFFF80, s23  }
0x1d2: {  	v10 =	vld [tilespmem:s23+$0x0]  }
0x1d3: {  	s22 =	ssub.s32 s22, s24  }
0x1d4: {  	s24 =	smul.u32 $0xC8, s22;
	_ =	sdelay $0x1  }
0x1d5: {  	v11 =	vmov s24;
	s25 =	sadd.s32 $0xC8, s24  }
0x1d6: {  	vm0 =	vge.s32 v10, s24;
	vm1 =	vlt.s32 v10, s25;
	v10 =	vsub.s32 v10, v11  }
0x1d7: {  	vm0 =	vmand vm0, vm1;
	v10 =	vshll.u32 v10, $0x7  }
0x1d8: {  	v10 =	vor.u32 v0, v10;
	_ =	sdelay $0x4  }
0x1d9: {  	[tilespmem:v10+s12+$0x0] =	vst.idx.msk vm0, v2  }
0x1da: {  	v10 =	vld [tilespmem:s23+$0x10];
	_ =	sdelay $0x4  }
0x1db: {  	vm14 =	vge.s32 v10, s24;
	vm15 =	vlt.s32 v10, s25;
	v10 =	vsub.s32 v10, v11  }
0x1dc: {  	vm0 =	vmand vm14, vm15;
	v10 =	vshll.u32 v10, $0x7  }
0x1dd: {  	v10 =	vor.u32 v3, v10;
	_ =	sdelay $0x4  }
0x1de: {  	[tilespmem:v10+s12+$0x0] =	vst.idx.msk vm0, v2  }
0x1df: {  	v10 =	vld [tilespmem:s23+$0x20];
	_ =	sdelay $0x4  }
0x1e0: {  	vm4 =	vge.s32 v10, s24;
	vm5 =	vlt.s32 v10, s25;
	v10 =	vsub.s32 v10, v11  }
0x1e1: {  	vm0 =	vmand vm4, vm5;
	v10 =	vshll.u32 v10, $0x7  }
0x1e2: {  	v10 =	vor.u32 v4, v10;
	_ =	sdelay $0x4  }
0x1e3: {  	[tilespmem:v10+s12+$0x0] =	vst.idx.msk vm0, v2  }
0x1e4: {  	v10 =	vld [tilespmem:s23+$0x30];
	_ =	sdelay $0x4  }
0x1e5: {  	vm6 =	vge.s32 v10, s24;
	vm7 =	vlt.s32 v10, s25;
	v10 =	vsub.s32 v10, v11  }
0x1e6: {  	vm0 =	vmand vm6, vm7;
	v10 =	vshll.u32 v10, $0x7  }
0x1e7: {  	v10 =	vor.u32 v5, v10;
	_ =	sdelay $0x4  }
0x1e8: {  	[tilespmem:v10+s12+$0x0] =	vst.idx.msk vm0, v2  }
0x1e9: {  	v10 =	vld [tilespmem:s23+$0x40];
	_ =	sdelay $0x4  }
0x1ea: {  	vm8 =	vge.s32 v10, s24;
	vm9 =	vlt.s32 v10, s25;
	v10 =	vsub.s32 v10, v11  }
0x1eb: {  	vm0 =	vmand vm8, vm9;
	v10 =	vshll.u32 v10, $0x7  }
0x1ec: {  	v10 =	vor.u32 v6, v10;
	_ =	sdelay $0x4  }
0x1ed: {  	[tilespmem:v10+s12+$0x0] =	vst.idx.msk vm0, v2  }
0x1ee: {  	v10 =	vld [tilespmem:s23+$0x50];
	_ =	sdelay $0x4  }
0x1ef: {  	vm10 =	vge.s32 v10, s24;
	vm11 =	vlt.s32 v10, s25;
	v10 =	vsub.s32 v10, v11  }
0x1f0: {  	vm0 =	vmand vm10, vm11;
	v10 =	vshll.u32 v10, $0x7  }
0x1f1: {  	v10 =	vor.u32 v7, v10;
	_ =	sdelay $0x4  }
0x1f2: {  	[tilespmem:v10+s12+$0x0] =	vst.idx.msk vm0, v2  }
0x1f3: {  	v10 =	vld [tilespmem:s23+$0x60];
	_ =	sdelay $0x4  }
0x1f4: {  	vm12 =	vge.s32 v10, s24;
	vm13 =	vlt.s32 v10, s25;
	v10 =	vsub.s32 v10, v11  }
0x1f5: {  	vm0 =	vmand vm12, vm13;
	v10 =	vshll.u32 v10, $0x7  }
0x1f6: {  	v10 =	vor.u32 v8, v10;
	_ =	sdelay $0x4  }
0x1f7: {  	[tilespmem:v10+s12+$0x0] =	vst.idx.msk vm0, v2  }
0x1f8: {  	v10 =	vld [tilespmem:s23+$0x70];
	_ =	sdelay $0x4  }
0x1f9: {  	vm14 =	vge.s32 v10, s24;
	vm15 =	vlt.s32 v10, s25;
	v10 =	vsub.s32 v10, v11  }
0x1fa: {  	vm0 =	vmand vm14, vm15;
	v10 =	vshll.u32 v10, $0x7  }
0x1fb: {  	v10 =	vor.u32 v9, v10  }
0x1fc: {  	s21 =	sadd.s32 s5, s21;
	s22 =	smul.u32 $0x320000, s22  }
.Ltmp13:
0x1fd: {  	s21 =	sshll.u32 s21, $0xA;
	(pc) =	sbr.rel @p0 .LBB2_21-.Ltmp13, $4  }
0x1fe: {  	s21 =	sadd.s32 s22, s21  }
0x1ff: {  	s21 =	sshrl.u32 s21, $0x3  }
0x200: {  	s21 =	sadd.s32 s2, s21;
	[tilespmem:v10+s12+$0x0] =	vst.idx.msk vm0, v2  }
0x201: {  	[hbm4b:s21+s9] =	stream.strided.scatter [tilespmem:s12], [sflag:$0x3], $0x6400, s10, s9, $0x38;
	[tilespmem:$0x19200] =	vst v63  }
0x202: {  	s21 =	simm.s32 $0x0;
	s22 =	simm.s32 $0x200  }
.LBB2_19:
0x203: {  	p0 =	seq.s32 s22, $0x18E00;
	[tilespmem:s21+$0x12E70] =	vst v1  }
0x204: {  	[tilespmem:s21+$0x12E00] =	vst v1  }
0x205: {  	[tilespmem:s21+$0x12E10] =	vst v1  }
.Ltmp14:
0x206: {  	[tilespmem:s21+$0x12E20] =	vst v1;
	(pc) =	sbr.rel @!p0 .LBB2_19-.Ltmp14, $4  }
0x207: {  	[tilespmem:s21+$0x12E30] =	vst v1  }
0x208: {  	[tilespmem:s21+$0x12E40] =	vst v1  }
0x209: {  	[tilespmem:s21+$0x12E50] =	vst v1  }
0x20a: {  	[tilespmem:s21+$0x12E60] =	vst v1;
	s21 =	sshra.s32 s22, $0x2;
	s22 =	sadd.s32 $0x200, s22  }
0x20b: {  	[tilespmem:s21+$0x12E70] =	vst v1  }
0x20c: {  	[tilespmem:s21+$0x12E00] =	vst v1  }
0x20d: {  	[tilespmem:s21+$0x12E10] =	vst v1  }
.Ltmp15:
0x20e: {  	[tilespmem:s21+$0x12E20] =	vst v1;
	(pc) =	sbr.rel .LBB2_22-.Ltmp15, $4  }
0x20f: {  	[tilespmem:s21+$0x12E30] =	vst v1  }
0x210: {  	[tilespmem:s21+$0x12E40] =	vst v1  }
0x211: {  	[tilespmem:s21+$0x12E50] =	vst v1  }
0x212: {  	[tilespmem:s21+$0x12E60] =	vst v1  }
.LBB2_24:
0x213: {  	_ =	sfence.sel $0x180000  }
0x214: {  	[bflag:$0x0] =	sbarrier.arrive $0xFFFF  }
0x215: {  	p0 =	sne.s32 s1, $0x0;
	_ =	strace $0x90000047  }
0x216: {  	s0 =	sadd.s32 @!p0 $0x100000, s0;
	[bflag:$0x2] =	sbarrier.arrive $0xFFFF  }
0x217: {  	[sflag:s0] =	ssyncadd.tile.s32 @!p0 $0x1;
	_ =	shalt  }
.Lfunc_end2:
_tile_overlayer_lowered:
.L_overlay_start_2:
0x218: {  	(tag) =	ssettag $0x2  }
0x219: {  	s0 =	rddreg [dreg:$0x0];
	s2 =	stileid.u32  }
0x21a: {  	s1 =	rddreg [dreg:$0x1];
	p0 =	sne.s32 s2, $0x0  }
0x21b: {  	s3 =	rddreg [dreg:$0x2];
	[bflag:$0x3] =	sbarrier.arrive $0xFFFF;
	s2 =	simm.s32 @!p0 $0x1C06  }
0x21c: {  	[timem:s3], [sflag:s2] =	dma.local @!p0 [hbm:s0], s1  }
0x21d: {  	s0 =	simm.s32 @!p0 $0x6  }
0x21e: {  	_ =	swait.ge @!p0 [sflag:s0], s1  }
0x21f: {  	s1 =	ssub.s32 @!p0 $0x0, s1;
	[sflag:s0] =	ssyncset.done @!p0 $0x0  }
0x220: {  	[sflag:s0] =	ssyncadd.s32 @!p0 s1  }
0x221: {  	[bflag:$0x3] =	sbarrier.arrive $0xFFFF  }
0x222: {  	_ =	shalt  }

</sc_bundles>
